<compile_context>
chip_gen: v7x
topology: tpu7x:2x2x1
jax: 0.10.2.dev20260603
libtpu: 0.0.44.dev20260713+nightly
codegen_flags: <defaults>
</compile_context>

<pallas_src>
import functools
import math

import jax
import jax.numpy as jnp
from jax import lax
from jax.experimental import pallas as pl
from jax.experimental.pallas import tpu as pltpu
from jax.experimental.pallas import tpu_sc as plsc

B = 16384
L = 200
HID = 32
SCALE = math.sqrt(32.0)

IDX_MINOR = 100
CB = 8
ROWS_PER_CHUNK = CB * L
GATHERS_PER_CHUNK = ROWS_PER_CHUNK // IDX_MINOR


def _sc_embed(idx2d, table):
    info = plsc.get_sparse_core_info()
    num_workers = info.num_cores * info.num_subcores
    b_per_w = B // num_workers
    chunks = b_per_w // CB
    idx_rows_per_chunk = ROWS_PER_CHUNK // IDX_MINOR

    mesh = plsc.VectorSubcoreMesh(core_axis_name="c", subcore_axis_name="s")

    @functools.partial(
        pl.kernel,
        mesh=mesh,
        out_type=jax.ShapeDtypeStruct((B, L, HID), jnp.float32),
        compiler_params=pltpu.CompilerParams(use_tc_tiling_on_sc=False),
        scratch_types=[
            pltpu.VMEM((GATHERS_PER_CHUNK, IDX_MINOR), jnp.int32),
            pltpu.VMEM((GATHERS_PER_CHUNK, IDX_MINOR), jnp.int32),
            pltpu.VMEM((ROWS_PER_CHUNK, HID), jnp.float32),
            pltpu.VMEM((ROWS_PER_CHUNK, HID), jnp.float32),
            pltpu.SemaphoreType.DMA,
            pltpu.SemaphoreType.DMA,
            pltpu.SemaphoreType.DMA,
            pltpu.SemaphoreType.DMA,
        ],
    )
    def k(idx_hbm, table_hbm, out_hbm,
          idx_a, idx_b, rows_a, rows_b, gsem_a, gsem_b, ssem_a, ssem_b):
        wid = lax.axis_index("s") * info.num_cores + lax.axis_index("c")
        b0 = wid * b_per_w
        r0 = b0 * (L // IDX_MINOR)

        idx_bufs = (idx_a, idx_b)
        row_bufs = (rows_a, rows_b)
        gsems = (gsem_a, gsem_b)
        ssems = (ssem_a, ssem_b)

        def fire_chunk(c, slot):
            pltpu.sync_copy(
                idx_hbm.at[pl.ds(r0 + c * idx_rows_per_chunk,
                                 idx_rows_per_chunk)],
                idx_bufs[slot])
            for t in range(GATHERS_PER_CHUNK):
                pltpu.make_async_copy(
                    table_hbm.at[idx_bufs[slot].at[t]],
                    row_bufs[slot].at[pl.ds(t * IDX_MINOR, IDX_MINOR)],
                    gsems[slot]).start()

        def wait_gathers(slot):
            for t in range(GATHERS_PER_CHUNK):
                pltpu.make_async_copy(
                    table_hbm.at[idx_bufs[slot].at[t]],
                    row_bufs[slot].at[pl.ds(t * IDX_MINOR, IDX_MINOR)],
                    gsems[slot]).wait()


        def fire_out(c, slot):
            for bi in range(CB):
                pltpu.make_async_copy(
                    row_bufs[slot].at[pl.ds(bi * L, L)],
                    out_hbm.at[b0 + c * CB + bi],
                    ssems[slot]).start()

        def wait_out(c, slot):
            for bi in range(CB):
                pltpu.make_async_copy(
                    row_bufs[slot].at[pl.ds(bi * L, L)],
                    out_hbm.at[b0 + c * CB + bi],
                    ssems[slot]).wait()

        fire_chunk(0, 0)

        def body(s, carry):
            c0 = 2 * s
            c1 = c0 + 1

            @pl.when(s > 0)
            def _():
                wait_out(c1 - 2, 1)
            fire_chunk(c1, 1)

            wait_gathers(0)
            fire_out(c0, 0)

            @pl.when(s < chunks // 2 - 1)
            def _():
                wait_out(c0, 0)
                fire_chunk(c0 + 2, 0)

            wait_gathers(1)
            fire_out(c1, 1)
            return carry

        lax.fori_loop(0, chunks // 2, body, 0)
        wait_out(chunks - 2, 0)
        wait_out(chunks - 1, 1)

    return k(idx2d, table)


BB = 128


def _tc_transpose_scale(raw):
    v = raw.reshape(B * (L // 4), 128)

    def body(r_ref, o_ref):
        x3 = r_ref[...].reshape(BB, L // 4, 128)
        for lg in range(L // 4):
            t = jnp.transpose(x3[:, lg, :])
            o_ref[pl.ds(lg * 4, 4)] = (t * SCALE).reshape(4, HID, BB)

    return pl.pallas_call(
        body,
        grid=(B // BB,),
        in_specs=[pl.BlockSpec((BB * (L // 4), 128), lambda i: (i, 0))],
        out_specs=pl.BlockSpec((L, HID, BB), lambda i: (0, 0, i)),
        out_shape=jax.ShapeDtypeStruct((L, HID, B), jnp.float32),
    )(v)


def kernel(x, table):
    idx2d = x.reshape(B * L // IDX_MINOR, IDX_MINOR).astype(jnp.int32)
    raw = _sc_embed(idx2d, table)
    out_t = _tc_transpose_scale(raw)
    return jnp.transpose(out_t, (2, 0, 1))

# --- scband reference (transcript-rebuilt; emitter-appended) ---
"""Pipeline reference for scband-embed-11854109737159 (READ-ONLY COPY).

The authoritative reference and input builder live on the scoring server;
editing this copy changes nothing except your own understanding.
"""

import jax, jax.numpy as jnp
import numpy as np

VOCAB = 1000000
HID = 32
B = 16384
L = 200

def setup_inputs(seed: int = 0) -> dict:
    key = jax.random.key(seed)
    k1, k2 = jax.random.split(key)
    x = jax.random.randint(k1, (B, L), 0, VOCAB, dtype=jnp.int64) if jax.config.jax_enable_x64 else jax.random.randint(k1, (B, L), 0, VOCAB, dtype=jnp.int32)
    table = jax.random.normal(k2, (VOCAB, HID), dtype=jnp.float32)
    return {"x": x, "table": table}

def reference(x, table):
    scale = jnp.sqrt(jnp.array([HID], dtype=jnp.float32))
    emb = jnp.take(table, x, axis=0)
    return scale * emb

if __name__ == "__main__":
    import jax
    _d = setup_inputs()
    print(jax.jit(kernel)(*tuple(_d.values())))

</pallas_src>

<mosaic_0001>
#map = affine_map<(d0, d1) -> (0, 0)>
#map1 = affine_map<(d0, d1) -> (0, 0, 0)>
module attributes {stable_mosaic.version = 14 : i64} {
  func.func @k(%arg0: i32, %arg1: i32, %arg2: memref<32768x100xi32, #tpu.memory_space<hbm>>, %arg3: memref<1000000x32xf32, #tpu.memory_space<hbm>>, %arg4: memref<16384x200x32xf32, #tpu.memory_space<hbm>>, %arg5: memref<16x100xi32, #tpu.memory_space<vmem>>, %arg6: memref<16x100xi32, #tpu.memory_space<vmem>>, %arg7: memref<1600x32xf32, #tpu.memory_space<vmem>>, %arg8: memref<1600x32xf32, #tpu.memory_space<vmem>>, %arg9: memref<!tpu.dma_semaphore, #tpu.memory_space<semaphore_mem>>, %arg10: memref<!tpu.dma_semaphore, #tpu.memory_space<semaphore_mem>>, %arg11: memref<!tpu.dma_semaphore, #tpu.memory_space<semaphore_mem>>, %arg12: memref<!tpu.dma_semaphore, #tpu.memory_space<semaphore_mem>>) attributes {dimension_semantics = [#tpu.dimension_semantics<core_parallel>, #tpu.dimension_semantics<subcore_parallel>], iteration_bounds = array<i64: 2, 16>, scalar_prefetch = 0 : i64, scratch_operands = 8 : i64, tpu.core_type = #tpu.core_type<sc_vector_subcore>, window_params = [{transform_indices = #map}, {transform_indices = #map}, {transform_indices = #map1}]} {
    %mul3A = arith.constant 2 : i32
    %mul3A_0 = arith.muli %arg1, %mul3A : i32
    %add3A = arith.addi %mul3A_0, %arg0 : i32
    %mul3A_1 = arith.constant 512 : i32
    %mul3A_2 = arith.muli %add3A, %mul3A_1 : i32
    %mul3A_3 = arith.constant 2 : i32
    %mul3A_4 = arith.muli %mul3A_2, %mul3A_3 : i32
    %add3A_5 = arith.constant 0 : i32
    %add3A_6 = arith.addi %mul3A_4, %add3A_5 : i32
    "tpu.region"() ({
      %run_scoped3A = tpu.sem_alloc : memref<!tpu.dma_semaphore, #tpu.memory_space<semaphore_mem>>
      %dma_start3A_458 = arith.constant 0 : i32
      %dma_start3A_459 = tpu.memref_slice %arg2[%add3A_6, %dma_start3A_458] : memref<32768x100xi32, #tpu.memory_space<hbm>> -> memref<16x100xi32, #tpu.memory_space<hbm>>
      %dma_start3A_460 = arith.constant 0 : i32
      %dma_start3A_461 = tpu.memref_slice %arg2[%add3A_6, %dma_start3A_460] : memref<32768x100xi32, #tpu.memory_space<hbm>> -> memref<16x100xi32, #tpu.memory_space<hbm>>
      tpu.enqueue_dma source(%dma_start3A_461 : memref<16x100xi32, #tpu.memory_space<hbm>>) target(%arg5 : memref<16x100xi32, #tpu.memory_space<vmem>>) target_semaphore(%run_scoped3A : memref<!tpu.dma_semaphore, #tpu.memory_space<semaphore_mem>>)
      %dma_wait3A_462 = arith.constant 0 : i32
      %dma_wait3A_463 = tpu.memref_slice %arg2[%add3A_6, %dma_wait3A_462] : memref<32768x100xi32, #tpu.memory_space<hbm>> -> memref<16x100xi32, #tpu.memory_space<hbm>>
      %dma_wait3A_464 = arith.constant 0 : i32
      %dma_wait3A_465 = tpu.memref_slice %arg2[%add3A_6, %dma_wait3A_464] : memref<32768x100xi32, #tpu.memory_space<hbm>> -> memref<16x100xi32, #tpu.memory_space<hbm>>
      tpu.wait_dma2 semaphore(%run_scoped3A : memref<!tpu.dma_semaphore, #tpu.memory_space<semaphore_mem>>) src(%dma_wait3A_465 : memref<16x100xi32, #tpu.memory_space<hbm>>) dst(%arg5 : memref<16x100xi32, #tpu.memory_space<vmem>>)
      tpu.yield
    }) : () -> ()
    %dma_start3A = arith.constant 0 : i32
    %dma_start3A_7 = arith.constant 0 : i32
    %dma_start3A_8 = arith.constant 0 : i32
    %dma_start3A_9 = tpu.memref_slice %arg7[%dma_start3A_7, %dma_start3A_8] : memref<1600x32xf32, #tpu.memory_space<vmem>> -> memref<100x32xf32, #tpu.memory_space<vmem>>
    %dma_start3A_10 = arith.constant 0 : i32
    %dma_start3A_11 = tpu.memref_slice %arg5[%dma_start3A, %dma_start3A_10] : memref<16x100xi32, #tpu.memory_space<vmem>> -> memref<1x100xi32, #tpu.memory_space<vmem>>
    %dma_start3A_12 = tpu.memref_squeeze %dma_start3A_11 : memref<1x100xi32, #tpu.memory_space<vmem>> -> memref<100xi32, #tpu.memory_space<vmem>>
    %dma_start3A_13 = arith.constant 0 : i32
    %dma_start3A_14 = arith.constant 0 : i32
    %dma_start3A_15 = tpu.memref_slice %arg3[%dma_start3A_13, %dma_start3A_14] : memref<1000000x32xf32, #tpu.memory_space<hbm>> -> memref<1000000x32xf32, #tpu.memory_space<hbm>>
    tpu.enqueue_indirect_dma source(%dma_start3A_15 : memref<1000000x32xf32, #tpu.memory_space<hbm>>) target(%dma_start3A_9 : memref<100x32xf32, #tpu.memory_space<vmem>>) offsets(%dma_start3A_12 : memref<100xi32, #tpu.memory_space<vmem>>) semaphore(%arg9 : memref<!tpu.dma_semaphore, #tpu.memory_space<semaphore_mem>>)
    %dma_start3A_16 = arith.constant 1 : i32
    %dma_start3A_17 = arith.constant 100 : i32
    %dma_start3A_18 = arith.constant 0 : i32
    %dma_start3A_19 = tpu.memref_slice %arg7[%dma_start3A_17, %dma_start3A_18] : memref<1600x32xf32, #tpu.memory_space<vmem>> -> memref<100x32xf32, #tpu.memory_space<vmem>>
    %dma_start3A_20 = arith.constant 0 : i32
    %dma_start3A_21 = tpu.memref_slice %arg5[%dma_start3A_16, %dma_start3A_20] : memref<16x100xi32, #tpu.memory_space<vmem>> -> memref<1x100xi32, #tpu.memory_space<vmem>>
    %dma_start3A_22 = tpu.memref_squeeze %dma_start3A_21 : memref<1x100xi32, #tpu.memory_space<vmem>> -> memref<100xi32, #tpu.memory_space<vmem>>
    %dma_start3A_23 = arith.constant 0 : i32
    %dma_start3A_24 = arith.constant 0 : i32
    %dma_start3A_25 = tpu.memref_slice %arg3[%dma_start3A_23, %dma_start3A_24] : memref<1000000x32xf32, #tpu.memory_space<hbm>> -> memref<1000000x32xf32, #tpu.memory_space<hbm>>
    tpu.enqueue_indirect_dma source(%dma_start3A_25 : memref<1000000x32xf32, #tpu.memory_space<hbm>>) target(%dma_start3A_19 : memref<100x32xf32, #tpu.memory_space<vmem>>) offsets(%dma_start3A_22 : memref<100xi32, #tpu.memory_space<vmem>>) semaphore(%arg9 : memref<!tpu.dma_semaphore, #tpu.memory_space<semaphore_mem>>)
    %dma_start3A_26 = arith.constant 2 : i32
    %dma_start3A_27 = arith.constant 200 : i32
    %dma_start3A_28 = arith.constant 0 : i32
    %dma_start3A_29 = tpu.memref_slice %arg7[%dma_start3A_27, %dma_start3A_28] : memref<1600x32xf32, #tpu.memory_space<vmem>> -> memref<100x32xf32, #tpu.memory_space<vmem>>
    %dma_start3A_30 = arith.constant 0 : i32
    %dma_start3A_31 = tpu.memref_slice %arg5[%dma_start3A_26, %dma_start3A_30] : memref<16x100xi32, #tpu.memory_space<vmem>> -> memref<1x100xi32, #tpu.memory_space<vmem>>
    %dma_start3A_32 = tpu.memref_squeeze %dma_start3A_31 : memref<1x100xi32, #tpu.memory_space<vmem>> -> memref<100xi32, #tpu.memory_space<vmem>>
    %dma_start3A_33 = arith.constant 0 : i32
    %dma_start3A_34 = arith.constant 0 : i32
    %dma_start3A_35 = tpu.memref_slice %arg3[%dma_start3A_33, %dma_start3A_34] : memref<1000000x32xf32, #tpu.memory_space<hbm>> -> memref<1000000x32xf32, #tpu.memory_space<hbm>>
    tpu.enqueue_indirect_dma source(%dma_start3A_35 : memref<1000000x32xf32, #tpu.memory_space<hbm>>) target(%dma_start3A_29 : memref<100x32xf32, #tpu.memory_space<vmem>>) offsets(%dma_start3A_32 : memref<100xi32, #tpu.memory_space<vmem>>) semaphore(%arg9 : memref<!tpu.dma_semaphore, #tpu.memory_space<semaphore_mem>>)
    %dma_start3A_36 = arith.constant 3 : i32
    %dma_start3A_37 = arith.constant 300 : i32
    %dma_start3A_38 = arith.constant 0 : i32
    %dma_start3A_39 = tpu.memref_slice %arg7[%dma_start3A_37, %dma_start3A_38] : memref<1600x32xf32, #tpu.memory_space<vmem>> -> memref<100x32xf32, #tpu.memory_space<vmem>>
    %dma_start3A_40 = arith.constant 0 : i32
    %dma_start3A_41 = tpu.memref_slice %arg5[%dma_start3A_36, %dma_start3A_40] : memref<16x100xi32, #tpu.memory_space<vmem>> -> memref<1x100xi32, #tpu.memory_space<vmem>>
    %dma_start3A_42 = tpu.memref_squeeze %dma_start3A_41 : memref<1x100xi32, #tpu.memory_space<vmem>> -> memref<100xi32, #tpu.memory_space<vmem>>
    %dma_start3A_43 = arith.constant 0 : i32
    %dma_start3A_44 = arith.constant 0 : i32
    %dma_start3A_45 = tpu.memref_slice %arg3[%dma_start3A_43, %dma_start3A_44] : memref<1000000x32xf32, #tpu.memory_space<hbm>> -> memref<1000000x32xf32, #tpu.memory_space<hbm>>
    tpu.enqueue_indirect_dma source(%dma_start3A_45 : memref<1000000x32xf32, #tpu.memory_space<hbm>>) target(%dma_start3A_39 : memref<100x32xf32, #tpu.memory_space<vmem>>) offsets(%dma_start3A_42 : memref<100xi32, #tpu.memory_space<vmem>>) semaphore(%arg9 : memref<!tpu.dma_semaphore, #tpu.memory_space<semaphore_mem>>)
    %dma_start3A_46 = arith.constant 4 : i32
    %dma_start3A_47 = arith.constant 400 : i32
    %dma_start3A_48 = arith.constant 0 : i32
    %dma_start3A_49 = tpu.memref_slice %arg7[%dma_start3A_47, %dma_start3A_48] : memref<1600x32xf32, #tpu.memory_space<vmem>> -> memref<100x32xf32, #tpu.memory_space<vmem>>
    %dma_start3A_50 = arith.constant 0 : i32
    %dma_start3A_51 = tpu.memref_slice %arg5[%dma_start3A_46, %dma_start3A_50] : memref<16x100xi32, #tpu.memory_space<vmem>> -> memref<1x100xi32, #tpu.memory_space<vmem>>
    %dma_start3A_52 = tpu.memref_squeeze %dma_start3A_51 : memref<1x100xi32, #tpu.memory_space<vmem>> -> memref<100xi32, #tpu.memory_space<vmem>>
    %dma_start3A_53 = arith.constant 0 : i32
    %dma_start3A_54 = arith.constant 0 : i32
    %dma_start3A_55 = tpu.memref_slice %arg3[%dma_start3A_53, %dma_start3A_54] : memref<1000000x32xf32, #tpu.memory_space<hbm>> -> memref<1000000x32xf32, #tpu.memory_space<hbm>>
    tpu.enqueue_indirect_dma source(%dma_start3A_55 : memref<1000000x32xf32, #tpu.memory_space<hbm>>) target(%dma_start3A_49 : memref<100x32xf32, #tpu.memory_space<vmem>>) offsets(%dma_start3A_52 : memref<100xi32, #tpu.memory_space<vmem>>) semaphore(%arg9 : memref<!tpu.dma_semaphore, #tpu.memory_space<semaphore_mem>>)
    %dma_start3A_56 = arith.constant 5 : i32
    %dma_start3A_57 = arith.constant 500 : i32
    %dma_start3A_58 = arith.constant 0 : i32
    %dma_start3A_59 = tpu.memref_slice %arg7[%dma_start3A_57, %dma_start3A_58] : memref<1600x32xf32, #tpu.memory_space<vmem>> -> memref<100x32xf32, #tpu.memory_space<vmem>>
    %dma_start3A_60 = arith.constant 0 : i32
    %dma_start3A_61 = tpu.memref_slice %arg5[%dma_start3A_56, %dma_start3A_60] : memref<16x100xi32, #tpu.memory_space<vmem>> -> memref<1x100xi32, #tpu.memory_space<vmem>>
    %dma_start3A_62 = tpu.memref_squeeze %dma_start3A_61 : memref<1x100xi32, #tpu.memory_space<vmem>> -> memref<100xi32, #tpu.memory_space<vmem>>
    %dma_start3A_63 = arith.constant 0 : i32
    %dma_start3A_64 = arith.constant 0 : i32
    %dma_start3A_65 = tpu.memref_slice %arg3[%dma_start3A_63, %dma_start3A_64] : memref<1000000x32xf32, #tpu.memory_space<hbm>> -> memref<1000000x32xf32, #tpu.memory_space<hbm>>
    tpu.enqueue_indirect_dma source(%dma_start3A_65 : memref<1000000x32xf32, #tpu.memory_space<hbm>>) target(%dma_start3A_59 : memref<100x32xf32, #tpu.memory_space<vmem>>) offsets(%dma_start3A_62 : memref<100xi32, #tpu.memory_space<vmem>>) semaphore(%arg9 : memref<!tpu.dma_semaphore, #tpu.memory_space<semaphore_mem>>)
    %dma_start3A_66 = arith.constant 6 : i32
    %dma_start3A_67 = arith.constant 600 : i32
    %dma_start3A_68 = arith.constant 0 : i32
    %dma_start3A_69 = tpu.memref_slice %arg7[%dma_start3A_67, %dma_start3A_68] : memref<1600x32xf32, #tpu.memory_space<vmem>> -> memref<100x32xf32, #tpu.memory_space<vmem>>
    %dma_start3A_70 = arith.constant 0 : i32
    %dma_start3A_71 = tpu.memref_slice %arg5[%dma_start3A_66, %dma_start3A_70] : memref<16x100xi32, #tpu.memory_space<vmem>> -> memref<1x100xi32, #tpu.memory_space<vmem>>
    %dma_start3A_72 = tpu.memref_squeeze %dma_start3A_71 : memref<1x100xi32, #tpu.memory_space<vmem>> -> memref<100xi32, #tpu.memory_space<vmem>>
    %dma_start3A_73 = arith.constant 0 : i32
    %dma_start3A_74 = arith.constant 0 : i32
    %dma_start3A_75 = tpu.memref_slice %arg3[%dma_start3A_73, %dma_start3A_74] : memref<1000000x32xf32, #tpu.memory_space<hbm>> -> memref<1000000x32xf32, #tpu.memory_space<hbm>>
    tpu.enqueue_indirect_dma source(%dma_start3A_75 : memref<1000000x32xf32, #tpu.memory_space<hbm>>) target(%dma_start3A_69 : memref<100x32xf32, #tpu.memory_space<vmem>>) offsets(%dma_start3A_72 : memref<100xi32, #tpu.memory_space<vmem>>) semaphore(%arg9 : memref<!tpu.dma_semaphore, #tpu.memory_space<semaphore_mem>>)
    %dma_start3A_76 = arith.constant 7 : i32
    %dma_start3A_77 = arith.constant 700 : i32
    %dma_start3A_78 = arith.constant 0 : i32
    %dma_start3A_79 = tpu.memref_slice %arg7[%dma_start3A_77, %dma_start3A_78] : memref<1600x32xf32, #tpu.memory_space<vmem>> -> memref<100x32xf32, #tpu.memory_space<vmem>>
    %dma_start3A_80 = arith.constant 0 : i32
    %dma_start3A_81 = tpu.memref_slice %arg5[%dma_start3A_76, %dma_start3A_80] : memref<16x100xi32, #tpu.memory_space<vmem>> -> memref<1x100xi32, #tpu.memory_space<vmem>>
    %dma_start3A_82 = tpu.memref_squeeze %dma_start3A_81 : memref<1x100xi32, #tpu.memory_space<vmem>> -> memref<100xi32, #tpu.memory_space<vmem>>
    %dma_start3A_83 = arith.constant 0 : i32
    %dma_start3A_84 = arith.constant 0 : i32
    %dma_start3A_85 = tpu.memref_slice %arg3[%dma_start3A_83, %dma_start3A_84] : memref<1000000x32xf32, #tpu.memory_space<hbm>> -> memref<1000000x32xf32, #tpu.memory_space<hbm>>
    tpu.enqueue_indirect_dma source(%dma_start3A_85 : memref<1000000x32xf32, #tpu.memory_space<hbm>>) target(%dma_start3A_79 : memref<100x32xf32, #tpu.memory_space<vmem>>) offsets(%dma_start3A_82 : memref<100xi32, #tpu.memory_space<vmem>>) semaphore(%arg9 : memref<!tpu.dma_semaphore, #tpu.memory_space<semaphore_mem>>)
    %dma_start3A_86 = arith.constant 8 : i32
    %dma_start3A_87 = arith.constant 800 : i32
    %dma_start3A_88 = arith.constant 0 : i32
    %dma_start3A_89 = tpu.memref_slice %arg7[%dma_start3A_87, %dma_start3A_88] : memref<1600x32xf32, #tpu.memory_space<vmem>> -> memref<100x32xf32, #tpu.memory_space<vmem>>
    %dma_start3A_90 = arith.constant 0 : i32
    %dma_start3A_91 = tpu.memref_slice %arg5[%dma_start3A_86, %dma_start3A_90] : memref<16x100xi32, #tpu.memory_space<vmem>> -> memref<1x100xi32, #tpu.memory_space<vmem>>
    %dma_start3A_92 = tpu.memref_squeeze %dma_start3A_91 : memref<1x100xi32, #tpu.memory_space<vmem>> -> memref<100xi32, #tpu.memory_space<vmem>>
    %dma_start3A_93 = arith.constant 0 : i32
    %dma_start3A_94 = arith.constant 0 : i32
    %dma_start3A_95 = tpu.memref_slice %arg3[%dma_start3A_93, %dma_start3A_94] : memref<1000000x32xf32, #tpu.memory_space<hbm>> -> memref<1000000x32xf32, #tpu.memory_space<hbm>>
    tpu.enqueue_indirect_dma source(%dma_start3A_95 : memref<1000000x32xf32, #tpu.memory_space<hbm>>) target(%dma_start3A_89 : memref<100x32xf32, #tpu.memory_space<vmem>>) offsets(%dma_start3A_92 : memref<100xi32, #tpu.memory_space<vmem>>) semaphore(%arg9 : memref<!tpu.dma_semaphore, #tpu.memory_space<semaphore_mem>>)
    %dma_start3A_96 = arith.constant 9 : i32
    %dma_start3A_97 = arith.constant 900 : i32
    %dma_start3A_98 = arith.constant 0 : i32
    %dma_start3A_99 = tpu.memref_slice %arg7[%dma_start3A_97, %dma_start3A_98] : memref<1600x32xf32, #tpu.memory_space<vmem>> -> memref<100x32xf32, #tpu.memory_space<vmem>>
    %dma_start3A_100 = arith.constant 0 : i32
    %dma_start3A_101 = tpu.memref_slice %arg5[%dma_start3A_96, %dma_start3A_100] : memref<16x100xi32, #tpu.memory_space<vmem>> -> memref<1x100xi32, #tpu.memory_space<vmem>>
    %dma_start3A_102 = tpu.memref_squeeze %dma_start3A_101 : memref<1x100xi32, #tpu.memory_space<vmem>> -> memref<100xi32, #tpu.memory_space<vmem>>
    %dma_start3A_103 = arith.constant 0 : i32
    %dma_start3A_104 = arith.constant 0 : i32
    %dma_start3A_105 = tpu.memref_slice %arg3[%dma_start3A_103, %dma_start3A_104] : memref<1000000x32xf32, #tpu.memory_space<hbm>> -> memref<1000000x32xf32, #tpu.memory_space<hbm>>
    tpu.enqueue_indirect_dma source(%dma_start3A_105 : memref<1000000x32xf32, #tpu.memory_space<hbm>>) target(%dma_start3A_99 : memref<100x32xf32, #tpu.memory_space<vmem>>) offsets(%dma_start3A_102 : memref<100xi32, #tpu.memory_space<vmem>>) semaphore(%arg9 : memref<!tpu.dma_semaphore, #tpu.memory_space<semaphore_mem>>)
    %dma_start3A_106 = arith.constant 10 : i32
    %dma_start3A_107 = arith.constant 1000 : i32
    %dma_start3A_108 = arith.constant 0 : i32
    %dma_start3A_109 = tpu.memref_slice %arg7[%dma_start3A_107, %dma_start3A_108] : memref<1600x32xf32, #tpu.memory_space<vmem>> -> memref<100x32xf32, #tpu.memory_space<vmem>>
    %dma_start3A_110 = arith.constant 0 : i32
    %dma_start3A_111 = tpu.memref_slice %arg5[%dma_start3A_106, %dma_start3A_110] : memref<16x100xi32, #tpu.memory_space<vmem>> -> memref<1x100xi32, #tpu.memory_space<vmem>>
    %dma_start3A_112 = tpu.memref_squeeze %dma_start3A_111 : memref<1x100xi32, #tpu.memory_space<vmem>> -> memref<100xi32, #tpu.memory_space<vmem>>
    %dma_start3A_113 = arith.constant 0 : i32
    %dma_start3A_114 = arith.constant 0 : i32
    %dma_start3A_115 = tpu.memref_slice %arg3[%dma_start3A_113, %dma_start3A_114] : memref<1000000x32xf32, #tpu.memory_space<hbm>> -> memref<1000000x32xf32, #tpu.memory_space<hbm>>
    tpu.enqueue_indirect_dma source(%dma_start3A_115 : memref<1000000x32xf32, #tpu.memory_space<hbm>>) target(%dma_start3A_109 : memref<100x32xf32, #tpu.memory_space<vmem>>) offsets(%dma_start3A_112 : memref<100xi32, #tpu.memory_space<vmem>>) semaphore(%arg9 : memref<!tpu.dma_semaphore, #tpu.memory_space<semaphore_mem>>)
    %dma_start3A_116 = arith.constant 11 : i32
    %dma_start3A_117 = arith.constant 1100 : i32
    %dma_start3A_118 = arith.constant 0 : i32
    %dma_start3A_119 = tpu.memref_slice %arg7[%dma_start3A_117, %dma_start3A_118] : memref<1600x32xf32, #tpu.memory_space<vmem>> -> memref<100x32xf32, #tpu.memory_space<vmem>>
    %dma_start3A_120 = arith.constant 0 : i32
    %dma_start3A_121 = tpu.memref_slice %arg5[%dma_start3A_116, %dma_start3A_120] : memref<16x100xi32, #tpu.memory_space<vmem>> -> memref<1x100xi32, #tpu.memory_space<vmem>>
    %dma_start3A_122 = tpu.memref_squeeze %dma_start3A_121 : memref<1x100xi32, #tpu.memory_space<vmem>> -> memref<100xi32, #tpu.memory_space<vmem>>
    %dma_start3A_123 = arith.constant 0 : i32
    %dma_start3A_124 = arith.constant 0 : i32
    %dma_start3A_125 = tpu.memref_slice %arg3[%dma_start3A_123, %dma_start3A_124] : memref<1000000x32xf32, #tpu.memory_space<hbm>> -> memref<1000000x32xf32, #tpu.memory_space<hbm>>
    tpu.enqueue_indirect_dma source(%dma_start3A_125 : memref<1000000x32xf32, #tpu.memory_space<hbm>>) target(%dma_start3A_119 : memref<100x32xf32, #tpu.memory_space<vmem>>) offsets(%dma_start3A_122 : memref<100xi32, #tpu.memory_space<vmem>>) semaphore(%arg9 : memref<!tpu.dma_semaphore, #tpu.memory_space<semaphore_mem>>)
    %dma_start3A_126 = arith.constant 12 : i32
    %dma_start3A_127 = arith.constant 1200 : i32
    %dma_start3A_128 = arith.constant 0 : i32
    %dma_start3A_129 = tpu.memref_slice %arg7[%dma_start3A_127, %dma_start3A_128] : memref<1600x32xf32, #tpu.memory_space<vmem>> -> memref<100x32xf32, #tpu.memory_space<vmem>>
    %dma_start3A_130 = arith.constant 0 : i32
    %dma_start3A_131 = tpu.memref_slice %arg5[%dma_start3A_126, %dma_start3A_130] : memref<16x100xi32, #tpu.memory_space<vmem>> -> memref<1x100xi32, #tpu.memory_space<vmem>>
    %dma_start3A_132 = tpu.memref_squeeze %dma_start3A_131 : memref<1x100xi32, #tpu.memory_space<vmem>> -> memref<100xi32, #tpu.memory_space<vmem>>
    %dma_start3A_133 = arith.constant 0 : i32
    %dma_start3A_134 = arith.constant 0 : i32
    %dma_start3A_135 = tpu.memref_slice %arg3[%dma_start3A_133, %dma_start3A_134] : memref<1000000x32xf32, #tpu.memory_space<hbm>> -> memref<1000000x32xf32, #tpu.memory_space<hbm>>
    tpu.enqueue_indirect_dma source(%dma_start3A_135 : memref<1000000x32xf32, #tpu.memory_space<hbm>>) target(%dma_start3A_129 : memref<100x32xf32, #tpu.memory_space<vmem>>) offsets(%dma_start3A_132 : memref<100xi32, #tpu.memory_space<vmem>>) semaphore(%arg9 : memref<!tpu.dma_semaphore, #tpu.memory_space<semaphore_mem>>)
    %dma_start3A_136 = arith.constant 13 : i32
    %dma_start3A_137 = arith.constant 1300 : i32
    %dma_start3A_138 = arith.constant 0 : i32
    %dma_start3A_139 = tpu.memref_slice %arg7[%dma_start3A_137, %dma_start3A_138] : memref<1600x32xf32, #tpu.memory_space<vmem>> -> memref<100x32xf32, #tpu.memory_space<vmem>>
    %dma_start3A_140 = arith.constant 0 : i32
    %dma_start3A_141 = tpu.memref_slice %arg5[%dma_start3A_136, %dma_start3A_140] : memref<16x100xi32, #tpu.memory_space<vmem>> -> memref<1x100xi32, #tpu.memory_space<vmem>>
    %dma_start3A_142 = tpu.memref_squeeze %dma_start3A_141 : memref<1x100xi32, #tpu.memory_space<vmem>> -> memref<100xi32, #tpu.memory_space<vmem>>
    %dma_start3A_143 = arith.constant 0 : i32
    %dma_start3A_144 = arith.constant 0 : i32
    %dma_start3A_145 = tpu.memref_slice %arg3[%dma_start3A_143, %dma_start3A_144] : memref<1000000x32xf32, #tpu.memory_space<hbm>> -> memref<1000000x32xf32, #tpu.memory_space<hbm>>
    tpu.enqueue_indirect_dma source(%dma_start3A_145 : memref<1000000x32xf32, #tpu.memory_space<hbm>>) target(%dma_start3A_139 : memref<100x32xf32, #tpu.memory_space<vmem>>) offsets(%dma_start3A_142 : memref<100xi32, #tpu.memory_space<vmem>>) semaphore(%arg9 : memref<!tpu.dma_semaphore, #tpu.memory_space<semaphore_mem>>)
    %dma_start3A_146 = arith.constant 14 : i32
    %dma_start3A_147 = arith.constant 1400 : i32
    %dma_start3A_148 = arith.constant 0 : i32
    %dma_start3A_149 = tpu.memref_slice %arg7[%dma_start3A_147, %dma_start3A_148] : memref<1600x32xf32, #tpu.memory_space<vmem>> -> memref<100x32xf32, #tpu.memory_space<vmem>>
    %dma_start3A_150 = arith.constant 0 : i32
    %dma_start3A_151 = tpu.memref_slice %arg5[%dma_start3A_146, %dma_start3A_150] : memref<16x100xi32, #tpu.memory_space<vmem>> -> memref<1x100xi32, #tpu.memory_space<vmem>>
    %dma_start3A_152 = tpu.memref_squeeze %dma_start3A_151 : memref<1x100xi32, #tpu.memory_space<vmem>> -> memref<100xi32, #tpu.memory_space<vmem>>
    %dma_start3A_153 = arith.constant 0 : i32
    %dma_start3A_154 = arith.constant 0 : i32
    %dma_start3A_155 = tpu.memref_slice %arg3[%dma_start3A_153, %dma_start3A_154] : memref<1000000x32xf32, #tpu.memory_space<hbm>> -> memref<1000000x32xf32, #tpu.memory_space<hbm>>
    tpu.enqueue_indirect_dma source(%dma_start3A_155 : memref<1000000x32xf32, #tpu.memory_space<hbm>>) target(%dma_start3A_149 : memref<100x32xf32, #tpu.memory_space<vmem>>) offsets(%dma_start3A_152 : memref<100xi32, #tpu.memory_space<vmem>>) semaphore(%arg9 : memref<!tpu.dma_semaphore, #tpu.memory_space<semaphore_mem>>)
    %dma_start3A_156 = arith.constant 15 : i32
    %dma_start3A_157 = arith.constant 1500 : i32
    %dma_start3A_158 = arith.constant 0 : i32
    %dma_start3A_159 = tpu.memref_slice %arg7[%dma_start3A_157, %dma_start3A_158] : memref<1600x32xf32, #tpu.memory_space<vmem>> -> memref<100x32xf32, #tpu.memory_space<vmem>>
    %dma_start3A_160 = arith.constant 0 : i32
    %dma_start3A_161 = tpu.memref_slice %arg5[%dma_start3A_156, %dma_start3A_160] : memref<16x100xi32, #tpu.memory_space<vmem>> -> memref<1x100xi32, #tpu.memory_space<vmem>>
    %dma_start3A_162 = tpu.memref_squeeze %dma_start3A_161 : memref<1x100xi32, #tpu.memory_space<vmem>> -> memref<100xi32, #tpu.memory_space<vmem>>
    %dma_start3A_163 = arith.constant 0 : i32
    %dma_start3A_164 = arith.constant 0 : i32
    %dma_start3A_165 = tpu.memref_slice %arg3[%dma_start3A_163, %dma_start3A_164] : memref<1000000x32xf32, #tpu.memory_space<hbm>> -> memref<1000000x32xf32, #tpu.memory_space<hbm>>
    tpu.enqueue_indirect_dma source(%dma_start3A_165 : memref<1000000x32xf32, #tpu.memory_space<hbm>>) target(%dma_start3A_159 : memref<100x32xf32, #tpu.memory_space<vmem>>) offsets(%dma_start3A_162 : memref<100xi32, #tpu.memory_space<vmem>>) semaphore(%arg9 : memref<!tpu.dma_semaphore, #tpu.memory_space<semaphore_mem>>)
    %scan3A = arith.constant 0 : i32
    %scan3A_166 = arith.constant 0 : i32
    %scan3A_167 = arith.constant 32 : i32
    %scan3A_168 = arith.addi %scan3A_166, %scan3A_167 : i32
    %scan3A_169 = arith.constant 1 : i32
    scf.for %scan3A_458 = %scan3A_166 to %scan3A_168 step %scan3A_169  : i32 {
      %mul3A_459 = arith.constant 2 : i32
      %mul3A_460 = arith.muli %mul3A_459, %scan3A_458 : i32
      %add3A_461 = arith.constant 1 : i32
      %add3A_462 = arith.addi %mul3A_460, %add3A_461 : i32
      %gt3A = arith.constant 0 : i32
      %gt3A_463 = arith.cmpi sgt, %scan3A_458, %gt3A : i32
      %convert_element_type3A = arith.extui %gt3A_463 : i1 to i32
      %cond3A = arith.constant 0 : i32
      %cond3A_464 = arith.cmpi ne, %convert_element_type3A, %cond3A : i32
      scf.if %cond3A_464 {
        %sub3A = arith.constant 2 : i32
        %sub3A_1256 = arith.subi %add3A_462, %sub3A : i32
        %mul3A_1257 = arith.constant 8 : i32
        %mul3A_1258 = arith.muli %sub3A_1256, %mul3A_1257 : i32
        %add3A_1259 = arith.addi %mul3A_2, %mul3A_1258 : i32
        %add3A_1260 = arith.constant 0 : i32
        %add3A_1261 = arith.addi %add3A_1259, %add3A_1260 : i32
        %dma_wait3A_1262 = arith.constant 0 : i32
        %dma_wait3A_1263 = arith.constant 0 : i32
        %dma_wait3A_1264 = tpu.memref_slice %arg8[%dma_wait3A_1262, %dma_wait3A_1263] : memref<1600x32xf32, #tpu.memory_space<vmem>> -> memref<200x32xf32, #tpu.memory_space<vmem>>
        %dma_wait3A_1265 = arith.constant 0 : i32
        %dma_wait3A_1266 = arith.constant 0 : i32
        %dma_wait3A_1267 = tpu.memref_slice %arg4[%add3A_1261, %dma_wait3A_1265, %dma_wait3A_1266] : memref<16384x200x32xf32, #tpu.memory_space<hbm>> -> memref<1x200x32xf32, #tpu.memory_space<hbm>>
        %dma_wait3A_1268 = tpu.memref_squeeze %dma_wait3A_1267 : memref<1x200x32xf32, #tpu.memory_space<hbm>> -> memref<200x32xf32, #tpu.memory_space<hbm>>
        %dma_wait3A_1269 = arith.constant 0 : i32
        %dma_wait3A_1270 = arith.constant 0 : i32
        %dma_wait3A_1271 = tpu.memref_slice %arg4[%add3A_1261, %dma_wait3A_1269, %dma_wait3A_1270] : memref<16384x200x32xf32, #tpu.memory_space<hbm>> -> memref<1x200x32xf32, #tpu.memory_space<hbm>>
        %dma_wait3A_1272 = tpu.memref_squeeze %dma_wait3A_1271 : memref<1x200x32xf32, #tpu.memory_space<hbm>> -> memref<200x32xf32, #tpu.memory_space<hbm>>
        %dma_wait3A_1273 = arith.constant 0 : i32
        %dma_wait3A_1274 = arith.constant 0 : i32
        %dma_wait3A_1275 = tpu.memref_slice %arg8[%dma_wait3A_1273, %dma_wait3A_1274] : memref<1600x32xf32, #tpu.memory_space<vmem>> -> memref<200x32xf32, #tpu.memory_space<vmem>>
        tpu.wait_dma2 semaphore(%arg12 : memref<!tpu.dma_semaphore, #tpu.memory_space<semaphore_mem>>) src(%dma_wait3A_1275 : memref<200x32xf32, #tpu.memory_space<vmem>>) dst(%dma_wait3A_1272 : memref<200x32xf32, #tpu.memory_space<hbm>>)
        %mul3A_1276 = arith.constant 8 : i32
        %mul3A_1277 = arith.muli %sub3A_1256, %mul3A_1276 : i32
        %add3A_1278 = arith.addi %mul3A_2, %mul3A_1277 : i32
        %add3A_1279 = arith.constant 1 : i32
        %add3A_1280 = arith.addi %add3A_1278, %add3A_1279 : i32
        %dma_wait3A_1281 = arith.constant 200 : i32
        %dma_wait3A_1282 = arith.constant 0 : i32
        %dma_wait3A_1283 = tpu.memref_slice %arg8[%dma_wait3A_1281, %dma_wait3A_1282] : memref<1600x32xf32, #tpu.memory_space<vmem>> -> memref<200x32xf32, #tpu.memory_space<vmem>>
        %dma_wait3A_1284 = arith.constant 0 : i32
        %dma_wait3A_1285 = arith.constant 0 : i32
        %dma_wait3A_1286 = tpu.memref_slice %arg4[%add3A_1280, %dma_wait3A_1284, %dma_wait3A_1285] : memref<16384x200x32xf32, #tpu.memory_space<hbm>> -> memref<1x200x32xf32, #tpu.memory_space<hbm>>
        %dma_wait3A_1287 = tpu.memref_squeeze %dma_wait3A_1286 : memref<1x200x32xf32, #tpu.memory_space<hbm>> -> memref<200x32xf32, #tpu.memory_space<hbm>>
        %dma_wait3A_1288 = arith.constant 0 : i32
        %dma_wait3A_1289 = arith.constant 0 : i32
        %dma_wait3A_1290 = tpu.memref_slice %arg4[%add3A_1280, %dma_wait3A_1288, %dma_wait3A_1289] : memref<16384x200x32xf32, #tpu.memory_space<hbm>> -> memref<1x200x32xf32, #tpu.memory_space<hbm>>
        %dma_wait3A_1291 = tpu.memref_squeeze %dma_wait3A_1290 : memref<1x200x32xf32, #tpu.memory_space<hbm>> -> memref<200x32xf32, #tpu.memory_space<hbm>>
        %dma_wait3A_1292 = arith.constant 200 : i32
        %dma_wait3A_1293 = arith.constant 0 : i32
        %dma_wait3A_1294 = tpu.memref_slice %arg8[%dma_wait3A_1292, %dma_wait3A_1293] : memref<1600x32xf32, #tpu.memory_space<vmem>> -> memref<200x32xf32, #tpu.memory_space<vmem>>
        tpu.wait_dma2 semaphore(%arg12 : memref<!tpu.dma_semaphore, #tpu.memory_space<semaphore_mem>>) src(%dma_wait3A_1294 : memref<200x32xf32, #tpu.memory_space<vmem>>) dst(%dma_wait3A_1291 : memref<200x32xf32, #tpu.memory_space<hbm>>)
        %mul3A_1295 = arith.constant 8 : i32
        %mul3A_1296 = arith.muli %sub3A_1256, %mul3A_1295 : i32
        %add3A_1297 = arith.addi %mul3A_2, %mul3A_1296 : i32
        %add3A_1298 = arith.constant 2 : i32
        %add3A_1299 = arith.addi %add3A_1297, %add3A_1298 : i32
        %dma_wait3A_1300 = arith.constant 400 : i32
        %dma_wait3A_1301 = arith.constant 0 : i32
        %dma_wait3A_1302 = tpu.memref_slice %arg8[%dma_wait3A_1300, %dma_wait3A_1301] : memref<1600x32xf32, #tpu.memory_space<vmem>> -> memref<200x32xf32, #tpu.memory_space<vmem>>
        %dma_wait3A_1303 = arith.constant 0 : i32
        %dma_wait3A_1304 = arith.constant 0 : i32
        %dma_wait3A_1305 = tpu.memref_slice %arg4[%add3A_1299, %dma_wait3A_1303, %dma_wait3A_1304] : memref<16384x200x32xf32, #tpu.memory_space<hbm>> -> memref<1x200x32xf32, #tpu.memory_space<hbm>>
        %dma_wait3A_1306 = tpu.memref_squeeze %dma_wait3A_1305 : memref<1x200x32xf32, #tpu.memory_space<hbm>> -> memref<200x32xf32, #tpu.memory_space<hbm>>
        %dma_wait3A_1307 = arith.constant 0 : i32
        %dma_wait3A_1308 = arith.constant 0 : i32
        %dma_wait3A_1309 = tpu.memref_slice %arg4[%add3A_1299, %dma_wait3A_1307, %dma_wait3A_1308] : memref<16384x200x32xf32, #tpu.memory_space<hbm>> -> memref<1x200x32xf32, #tpu.memory_space<hbm>>
        %dma_wait3A_1310 = tpu.memref_squeeze %dma_wait3A_1309 : memref<1x200x32xf32, #tpu.memory_space<hbm>> -> memref<200x32xf32, #tpu.memory_space<hbm>>
        %dma_wait3A_1311 = arith.constant 400 : i32
        %dma_wait3A_1312 = arith.constant 0 : i32
        %dma_wait3A_1313 = tpu.memref_slice %arg8[%dma_wait3A_1311, %dma_wait3A_1312] : memref<1600x32xf32, #tpu.memory_space<vmem>> -> memref<200x32xf32, #tpu.memory_space<vmem>>
        tpu.wait_dma2 semaphore(%arg12 : memref<!tpu.dma_semaphore, #tpu.memory_space<semaphore_mem>>) src(%dma_wait3A_1313 : memref<200x32xf32, #tpu.memory_space<vmem>>) dst(%dma_wait3A_1310 : memref<200x32xf32, #tpu.memory_space<hbm>>)
        %mul3A_1314 = arith.constant 8 : i32
        %mul3A_1315 = arith.muli %sub3A_1256, %mul3A_1314 : i32
        %add3A_1316 = arith.addi %mul3A_2, %mul3A_1315 : i32
        %add3A_1317 = arith.constant 3 : i32
        %add3A_1318 = arith.addi %add3A_1316, %add3A_1317 : i32
        %dma_wait3A_1319 = arith.constant 600 : i32
        %dma_wait3A_1320 = arith.constant 0 : i32
        %dma_wait3A_1321 = tpu.memref_slice %arg8[%dma_wait3A_1319, %dma_wait3A_1320] : memref<1600x32xf32, #tpu.memory_space<vmem>> -> memref<200x32xf32, #tpu.memory_space<vmem>>
        %dma_wait3A_1322 = arith.constant 0 : i32
        %dma_wait3A_1323 = arith.constant 0 : i32
        %dma_wait3A_1324 = tpu.memref_slice %arg4[%add3A_1318, %dma_wait3A_1322, %dma_wait3A_1323] : memref<16384x200x32xf32, #tpu.memory_space<hbm>> -> memref<1x200x32xf32, #tpu.memory_space<hbm>>
        %dma_wait3A_1325 = tpu.memref_squeeze %dma_wait3A_1324 : memref<1x200x32xf32, #tpu.memory_space<hbm>> -> memref<200x32xf32, #tpu.memory_space<hbm>>
        %dma_wait3A_1326 = arith.constant 0 : i32
        %dma_wait3A_1327 = arith.constant 0 : i32
        %dma_wait3A_1328 = tpu.memref_slice %arg4[%add3A_1318, %dma_wait3A_1326, %dma_wait3A_1327] : memref<16384x200x32xf32, #tpu.memory_space<hbm>> -> memref<1x200x32xf32, #tpu.memory_space<hbm>>
        %dma_wait3A_1329 = tpu.memref_squeeze %dma_wait3A_1328 : memref<1x200x32xf32, #tpu.memory_space<hbm>> -> memref<200x32xf32, #tpu.memory_space<hbm>>
        %dma_wait3A_1330 = arith.constant 600 : i32
        %dma_wait3A_1331 = arith.constant 0 : i32
        %dma_wait3A_1332 = tpu.memref_slice %arg8[%dma_wait3A_1330, %dma_wait3A_1331] : memref<1600x32xf32, #tpu.memory_space<vmem>> -> memref<200x32xf32, #tpu.memory_space<vmem>>
        tpu.wait_dma2 semaphore(%arg12 : memref<!tpu.dma_semaphore, #tpu.memory_space<semaphore_mem>>) src(%dma_wait3A_1332 : memref<200x32xf32, #tpu.memory_space<vmem>>) dst(%dma_wait3A_1329 : memref<200x32xf32, #tpu.memory_space<hbm>>)
        %mul3A_1333 = arith.constant 8 : i32
        %mul3A_1334 = arith.muli %sub3A_1256, %mul3A_1333 : i32
        %add3A_1335 = arith.addi %mul3A_2, %mul3A_1334 : i32
        %add3A_1336 = arith.constant 4 : i32
        %add3A_1337 = arith.addi %add3A_1335, %add3A_1336 : i32
        %dma_wait3A_1338 = arith.constant 800 : i32
        %dma_wait3A_1339 = arith.constant 0 : i32
        %dma_wait3A_1340 = tpu.memref_slice %arg8[%dma_wait3A_1338, %dma_wait3A_1339] : memref<1600x32xf32, #tpu.memory_space<vmem>> -> memref<200x32xf32, #tpu.memory_space<vmem>>
        %dma_wait3A_1341 = arith.constant 0 : i32
        %dma_wait3A_1342 = arith.constant 0 : i32
        %dma_wait3A_1343 = tpu.memref_slice %arg4[%add3A_1337, %dma_wait3A_1341, %dma_wait3A_1342] : memref<16384x200x32xf32, #tpu.memory_space<hbm>> -> memref<1x200x32xf32, #tpu.memory_space<hbm>>
        %dma_wait3A_1344 = tpu.memref_squeeze %dma_wait3A_1343 : memref<1x200x32xf32, #tpu.memory_space<hbm>> -> memref<200x32xf32, #tpu.memory_space<hbm>>
        %dma_wait3A_1345 = arith.constant 0 : i32
        %dma_wait3A_1346 = arith.constant 0 : i32
        %dma_wait3A_1347 = tpu.memref_slice %arg4[%add3A_1337, %dma_wait3A_1345, %dma_wait3A_1346] : memref<16384x200x32xf32, #tpu.memory_space<hbm>> -> memref<1x200x32xf32, #tpu.memory_space<hbm>>
        %dma_wait3A_1348 = tpu.memref_squeeze %dma_wait3A_1347 : memref<1x200x32xf32, #tpu.memory_space<hbm>> -> memref<200x32xf32, #tpu.memory_space<hbm>>
        %dma_wait3A_1349 = arith.constant 800 : i32
        %dma_wait3A_1350 = arith.constant 0 : i32
        %dma_wait3A_1351 = tpu.memref_slice %arg8[%dma_wait3A_1349, %dma_wait3A_1350] : memref<1600x32xf32, #tpu.memory_space<vmem>> -> memref<200x32xf32, #tpu.memory_space<vmem>>
        tpu.wait_dma2 semaphore(%arg12 : memref<!tpu.dma_semaphore, #tpu.memory_space<semaphore_mem>>) src(%dma_wait3A_1351 : memref<200x32xf32, #tpu.memory_space<vmem>>) dst(%dma_wait3A_1348 : memref<200x32xf32, #tpu.memory_space<hbm>>)
        %mul3A_1352 = arith.constant 8 : i32
        %mul3A_1353 = arith.muli %sub3A_1256, %mul3A_1352 : i32
        %add3A_1354 = arith.addi %mul3A_2, %mul3A_1353 : i32
        %add3A_1355 = arith.constant 5 : i32
        %add3A_1356 = arith.addi %add3A_1354, %add3A_1355 : i32
        %dma_wait3A_1357 = arith.constant 1000 : i32
        %dma_wait3A_1358 = arith.constant 0 : i32
        %dma_wait3A_1359 = tpu.memref_slice %arg8[%dma_wait3A_1357, %dma_wait3A_1358] : memref<1600x32xf32, #tpu.memory_space<vmem>> -> memref<200x32xf32, #tpu.memory_space<vmem>>
        %dma_wait3A_1360 = arith.constant 0 : i32
        %dma_wait3A_1361 = arith.constant 0 : i32
        %dma_wait3A_1362 = tpu.memref_slice %arg4[%add3A_1356, %dma_wait3A_1360, %dma_wait3A_1361] : memref<16384x200x32xf32, #tpu.memory_space<hbm>> -> memref<1x200x32xf32, #tpu.memory_space<hbm>>
        %dma_wait3A_1363 = tpu.memref_squeeze %dma_wait3A_1362 : memref<1x200x32xf32, #tpu.memory_space<hbm>> -> memref<200x32xf32, #tpu.memory_space<hbm>>
        %dma_wait3A_1364 = arith.constant 0 : i32
        %dma_wait3A_1365 = arith.constant 0 : i32
        %dma_wait3A_1366 = tpu.memref_slice %arg4[%add3A_1356, %dma_wait3A_1364, %dma_wait3A_1365] : memref<16384x200x32xf32, #tpu.memory_space<hbm>> -> memref<1x200x32xf32, #tpu.memory_space<hbm>>
        %dma_wait3A_1367 = tpu.memref_squeeze %dma_wait3A_1366 : memref<1x200x32xf32, #tpu.memory_space<hbm>> -> memref<200x32xf32, #tpu.memory_space<hbm>>
        %dma_wait3A_1368 = arith.constant 1000 : i32
        %dma_wait3A_1369 = arith.constant 0 : i32
        %dma_wait3A_1370 = tpu.memref_slice %arg8[%dma_wait3A_1368, %dma_wait3A_1369] : memref<1600x32xf32, #tpu.memory_space<vmem>> -> memref<200x32xf32, #tpu.memory_space<vmem>>
        tpu.wait_dma2 semaphore(%arg12 : memref<!tpu.dma_semaphore, #tpu.memory_space<semaphore_mem>>) src(%dma_wait3A_1370 : memref<200x32xf32, #tpu.memory_space<vmem>>) dst(%dma_wait3A_1367 : memref<200x32xf32, #tpu.memory_space<hbm>>)
        %mul3A_1371 = arith.constant 8 : i32
        %mul3A_1372 = arith.muli %sub3A_1256, %mul3A_1371 : i32
        %add3A_1373 = arith.addi %mul3A_2, %mul3A_1372 : i32
        %add3A_1374 = arith.constant 6 : i32
        %add3A_1375 = arith.addi %add3A_1373, %add3A_1374 : i32
        %dma_wait3A_1376 = arith.constant 1200 : i32
        %dma_wait3A_1377 = arith.constant 0 : i32
        %dma_wait3A_1378 = tpu.memref_slice %arg8[%dma_wait3A_1376, %dma_wait3A_1377] : memref<1600x32xf32, #tpu.memory_space<vmem>> -> memref<200x32xf32, #tpu.memory_space<vmem>>
        %dma_wait3A_1379 = arith.constant 0 : i32
        %dma_wait3A_1380 = arith.constant 0 : i32
        %dma_wait3A_1381 = tpu.memref_slice %arg4[%add3A_1375, %dma_wait3A_1379, %dma_wait3A_1380] : memref<16384x200x32xf32, #tpu.memory_space<hbm>> -> memref<1x200x32xf32, #tpu.memory_space<hbm>>
        %dma_wait3A_1382 = tpu.memref_squeeze %dma_wait3A_1381 : memref<1x200x32xf32, #tpu.memory_space<hbm>> -> memref<200x32xf32, #tpu.memory_space<hbm>>
        %dma_wait3A_1383 = arith.constant 0 : i32
        %dma_wait3A_1384 = arith.constant 0 : i32
        %dma_wait3A_1385 = tpu.memref_slice %arg4[%add3A_1375, %dma_wait3A_1383, %dma_wait3A_1384] : memref<16384x200x32xf32, #tpu.memory_space<hbm>> -> memref<1x200x32xf32, #tpu.memory_space<hbm>>
        %dma_wait3A_1386 = tpu.memref_squeeze %dma_wait3A_1385 : memref<1x200x32xf32, #tpu.memory_space<hbm>> -> memref<200x32xf32, #tpu.memory_space<hbm>>
        %dma_wait3A_1387 = arith.constant 1200 : i32
        %dma_wait3A_1388 = arith.constant 0 : i32
        %dma_wait3A_1389 = tpu.memref_slice %arg8[%dma_wait3A_1387, %dma_wait3A_1388] : memref<1600x32xf32, #tpu.memory_space<vmem>> -> memref<200x32xf32, #tpu.memory_space<vmem>>
        tpu.wait_dma2 semaphore(%arg12 : memref<!tpu.dma_semaphore, #tpu.memory_space<semaphore_mem>>) src(%dma_wait3A_1389 : memref<200x32xf32, #tpu.memory_space<vmem>>) dst(%dma_wait3A_1386 : memref<200x32xf32, #tpu.memory_space<hbm>>)
        %mul3A_1390 = arith.constant 8 : i32
        %mul3A_1391 = arith.muli %sub3A_1256, %mul3A_1390 : i32
        %add3A_1392 = arith.addi %mul3A_2, %mul3A_1391 : i32
        %add3A_1393 = arith.constant 7 : i32
        %add3A_1394 = arith.addi %add3A_1392, %add3A_1393 : i32
        %dma_wait3A_1395 = arith.constant 1400 : i32
        %dma_wait3A_1396 = arith.constant 0 : i32
        %dma_wait3A_1397 = tpu.memref_slice %arg8[%dma_wait3A_1395, %dma_wait3A_1396] : memref<1600x32xf32, #tpu.memory_space<vmem>> -> memref<200x32xf32, #tpu.memory_space<vmem>>
        %dma_wait3A_1398 = arith.constant 0 : i32
        %dma_wait3A_1399 = arith.constant 0 : i32
        %dma_wait3A_1400 = tpu.memref_slice %arg4[%add3A_1394, %dma_wait3A_1398, %dma_wait3A_1399] : memref<16384x200x32xf32, #tpu.memory_space<hbm>> -> memref<1x200x32xf32, #tpu.memory_space<hbm>>
        %dma_wait3A_1401 = tpu.memref_squeeze %dma_wait3A_1400 : memref<1x200x32xf32, #tpu.memory_space<hbm>> -> memref<200x32xf32, #tpu.memory_space<hbm>>
        %dma_wait3A_1402 = arith.constant 0 : i32
        %dma_wait3A_1403 = arith.constant 0 : i32
        %dma_wait3A_1404 = tpu.memref_slice %arg4[%add3A_1394, %dma_wait3A_1402, %dma_wait3A_1403] : memref<16384x200x32xf32, #tpu.memory_space<hbm>> -> memref<1x200x32xf32, #tpu.memory_space<hbm>>
        %dma_wait3A_1405 = tpu.memref_squeeze %dma_wait3A_1404 : memref<1x200x32xf32, #tpu.memory_space<hbm>> -> memref<200x32xf32, #tpu.memory_space<hbm>>
        %dma_wait3A_1406 = arith.constant 1400 : i32
        %dma_wait3A_1407 = arith.constant 0 : i32
        %dma_wait3A_1408 = tpu.memref_slice %arg8[%dma_wait3A_1406, %dma_wait3A_1407] : memref<1600x32xf32, #tpu.memory_space<vmem>> -> memref<200x32xf32, #tpu.memory_space<vmem>>
        tpu.wait_dma2 semaphore(%arg12 : memref<!tpu.dma_semaphore, #tpu.memory_space<semaphore_mem>>) src(%dma_wait3A_1408 : memref<200x32xf32, #tpu.memory_space<vmem>>) dst(%dma_wait3A_1405 : memref<200x32xf32, #tpu.memory_space<hbm>>)
      } else {
      }
      %mul3A_465 = arith.constant 16 : i32
      %mul3A_466 = arith.muli %add3A_462, %mul3A_465 : i32
      %add3A_467 = arith.addi %mul3A_4, %mul3A_466 : i32
      "tpu.region"() ({
        %run_scoped3A = tpu.sem_alloc : memref<!tpu.dma_semaphore, #tpu.memory_space<semaphore_mem>>
        %dma_start3A_1256 = arith.constant 0 : i32
        %dma_start3A_1257 = tpu.memref_slice %arg2[%add3A_467, %dma_start3A_1256] : memref<32768x100xi32, #tpu.memory_space<hbm>> -> memref<16x100xi32, #tpu.memory_space<hbm>>
        %dma_start3A_1258 = arith.constant 0 : i32
        %dma_start3A_1259 = tpu.memref_slice %arg2[%add3A_467, %dma_start3A_1258] : memref<32768x100xi32, #tpu.memory_space<hbm>> -> memref<16x100xi32, #tpu.memory_space<hbm>>
        tpu.enqueue_dma source(%dma_start3A_1259 : memref<16x100xi32, #tpu.memory_space<hbm>>) target(%arg6 : memref<16x100xi32, #tpu.memory_space<vmem>>) target_semaphore(%run_scoped3A : memref<!tpu.dma_semaphore, #tpu.memory_space<semaphore_mem>>)
        %dma_wait3A_1260 = arith.constant 0 : i32
        %dma_wait3A_1261 = tpu.memref_slice %arg2[%add3A_467, %dma_wait3A_1260] : memref<32768x100xi32, #tpu.memory_space<hbm>> -> memref<16x100xi32, #tpu.memory_space<hbm>>
        %dma_wait3A_1262 = arith.constant 0 : i32
        %dma_wait3A_1263 = tpu.memref_slice %arg2[%add3A_467, %dma_wait3A_1262] : memref<32768x100xi32, #tpu.memory_space<hbm>> -> memref<16x100xi32, #tpu.memory_space<hbm>>
        tpu.wait_dma2 semaphore(%run_scoped3A : memref<!tpu.dma_semaphore, #tpu.memory_space<semaphore_mem>>) src(%dma_wait3A_1263 : memref<16x100xi32, #tpu.memory_space<hbm>>) dst(%arg6 : memref<16x100xi32, #tpu.memory_space<vmem>>)
        tpu.yield
      }) : () -> ()
      %dma_start3A_468 = arith.constant 0 : i32
      %dma_start3A_469 = arith.constant 0 : i32
      %dma_start3A_470 = arith.constant 0 : i32
      %dma_start3A_471 = tpu.memref_slice %arg8[%dma_start3A_469, %dma_start3A_470] : memref<1600x32xf32, #tpu.memory_space<vmem>> -> memref<100x32xf32, #tpu.memory_space<vmem>>
      %dma_start3A_472 = arith.constant 0 : i32
      %dma_start3A_473 = tpu.memref_slice %arg6[%dma_start3A_468, %dma_start3A_472] : memref<16x100xi32, #tpu.memory_space<vmem>> -> memref<1x100xi32, #tpu.memory_space<vmem>>
      %dma_start3A_474 = tpu.memref_squeeze %dma_start3A_473 : memref<1x100xi32, #tpu.memory_space<vmem>> -> memref<100xi32, #tpu.memory_space<vmem>>
      %dma_start3A_475 = arith.constant 0 : i32
      %dma_start3A_476 = arith.constant 0 : i32
      %dma_start3A_477 = tpu.memref_slice %arg3[%dma_start3A_475, %dma_start3A_476] : memref<1000000x32xf32, #tpu.memory_space<hbm>> -> memref<1000000x32xf32, #tpu.memory_space<hbm>>
      tpu.enqueue_indirect_dma source(%dma_start3A_477 : memref<1000000x32xf32, #tpu.memory_space<hbm>>) target(%dma_start3A_471 : memref<100x32xf32, #tpu.memory_space<vmem>>) offsets(%dma_start3A_474 : memref<100xi32, #tpu.memory_space<vmem>>) semaphore(%arg10 : memref<!tpu.dma_semaphore, #tpu.memory_space<semaphore_mem>>)
      %dma_start3A_478 = arith.constant 1 : i32
      %dma_start3A_479 = arith.constant 100 : i32
      %dma_start3A_480 = arith.constant 0 : i32
      %dma_start3A_481 = tpu.memref_slice %arg8[%dma_start3A_479, %dma_start3A_480] : memref<1600x32xf32, #tpu.memory_space<vmem>> -> memref<100x32xf32, #tpu.memory_space<vmem>>
      %dma_start3A_482 = arith.constant 0 : i32
      %dma_start3A_483 = tpu.memref_slice %arg6[%dma_start3A_478, %dma_start3A_482] : memref<16x100xi32, #tpu.memory_space<vmem>> -> memref<1x100xi32, #tpu.memory_space<vmem>>
      %dma_start3A_484 = tpu.memref_squeeze %dma_start3A_483 : memref<1x100xi32, #tpu.memory_space<vmem>> -> memref<100xi32, #tpu.memory_space<vmem>>
      %dma_start3A_485 = arith.constant 0 : i32
      %dma_start3A_486 = arith.constant 0 : i32
      %dma_start3A_487 = tpu.memref_slice %arg3[%dma_start3A_485, %dma_start3A_486] : memref<1000000x32xf32, #tpu.memory_space<hbm>> -> memref<1000000x32xf32, #tpu.memory_space<hbm>>
      tpu.enqueue_indirect_dma source(%dma_start3A_487 : memref<1000000x32xf32, #tpu.memory_space<hbm>>) target(%dma_start3A_481 : memref<100x32xf32, #tpu.memory_space<vmem>>) offsets(%dma_start3A_484 : memref<100xi32, #tpu.memory_space<vmem>>) semaphore(%arg10 : memref<!tpu.dma_semaphore, #tpu.memory_space<semaphore_mem>>)
      %dma_start3A_488 = arith.constant 2 : i32
      %dma_start3A_489 = arith.constant 200 : i32
      %dma_start3A_490 = arith.constant 0 : i32
      %dma_start3A_491 = tpu.memref_slice %arg8[%dma_start3A_489, %dma_start3A_490] : memref<1600x32xf32, #tpu.memory_space<vmem>> -> memref<100x32xf32, #tpu.memory_space<vmem>>
      %dma_start3A_492 = arith.constant 0 : i32
      %dma_start3A_493 = tpu.memref_slice %arg6[%dma_start3A_488, %dma_start3A_492] : memref<16x100xi32, #tpu.memory_space<vmem>> -> memref<1x100xi32, #tpu.memory_space<vmem>>
      %dma_start3A_494 = tpu.memref_squeeze %dma_start3A_493 : memref<1x100xi32, #tpu.memory_space<vmem>> -> memref<100xi32, #tpu.memory_space<vmem>>
      %dma_start3A_495 = arith.constant 0 : i32
      %dma_start3A_496 = arith.constant 0 : i32
      %dma_start3A_497 = tpu.memref_slice %arg3[%dma_start3A_495, %dma_start3A_496] : memref<1000000x32xf32, #tpu.memory_space<hbm>> -> memref<1000000x32xf32, #tpu.memory_space<hbm>>
      tpu.enqueue_indirect_dma source(%dma_start3A_497 : memref<1000000x32xf32, #tpu.memory_space<hbm>>) target(%dma_start3A_491 : memref<100x32xf32, #tpu.memory_space<vmem>>) offsets(%dma_start3A_494 : memref<100xi32, #tpu.memory_space<vmem>>) semaphore(%arg10 : memref<!tpu.dma_semaphore, #tpu.memory_space<semaphore_mem>>)
      %dma_start3A_498 = arith.constant 3 : i32
      %dma_start3A_499 = arith.constant 300 : i32
      %dma_start3A_500 = arith.constant 0 : i32
      %dma_start3A_501 = tpu.memref_slice %arg8[%dma_start3A_499, %dma_start3A_500] : memref<1600x32xf32, #tpu.memory_space<vmem>> -> memref<100x32xf32, #tpu.memory_space<vmem>>
      %dma_start3A_502 = arith.constant 0 : i32
      %dma_start3A_503 = tpu.memref_slice %arg6[%dma_start3A_498, %dma_start3A_502] : memref<16x100xi32, #tpu.memory_space<vmem>> -> memref<1x100xi32, #tpu.memory_space<vmem>>
      %dma_start3A_504 = tpu.memref_squeeze %dma_start3A_503 : memref<1x100xi32, #tpu.memory_space<vmem>> -> memref<100xi32, #tpu.memory_space<vmem>>
      %dma_start3A_505 = arith.constant 0 : i32
      %dma_start3A_506 = arith.constant 0 : i32
      %dma_start3A_507 = tpu.memref_slice %arg3[%dma_start3A_505, %dma_start3A_506] : memref<1000000x32xf32, #tpu.memory_space<hbm>> -> memref<1000000x32xf32, #tpu.memory_space<hbm>>
      tpu.enqueue_indirect_dma source(%dma_start3A_507 : memref<1000000x32xf32, #tpu.memory_space<hbm>>) target(%dma_start3A_501 : memref<100x32xf32, #tpu.memory_space<vmem>>) offsets(%dma_start3A_504 : memref<100xi32, #tpu.memory_space<vmem>>) semaphore(%arg10 : memref<!tpu.dma_semaphore, #tpu.memory_space<semaphore_mem>>)
      %dma_start3A_508 = arith.constant 4 : i32
      %dma_start3A_509 = arith.constant 400 : i32
      %dma_start3A_510 = arith.constant 0 : i32
      %dma_start3A_511 = tpu.memref_slice %arg8[%dma_start3A_509, %dma_start3A_510] : memref<1600x32xf32, #tpu.memory_space<vmem>> -> memref<100x32xf32, #tpu.memory_space<vmem>>
      %dma_start3A_512 = arith.constant 0 : i32
      %dma_start3A_513 = tpu.memref_slice %arg6[%dma_start3A_508, %dma_start3A_512] : memref<16x100xi32, #tpu.memory_space<vmem>> -> memref<1x100xi32, #tpu.memory_space<vmem>>
      %dma_start3A_514 = tpu.memref_squeeze %dma_start3A_513 : memref<1x100xi32, #tpu.memory_space<vmem>> -> memref<100xi32, #tpu.memory_space<vmem>>
      %dma_start3A_515 = arith.constant 0 : i32
      %dma_start3A_516 = arith.constant 0 : i32
      %dma_start3A_517 = tpu.memref_slice %arg3[%dma_start3A_515, %dma_start3A_516] : memref<1000000x32xf32, #tpu.memory_space<hbm>> -> memref<1000000x32xf32, #tpu.memory_space<hbm>>
      tpu.enqueue_indirect_dma source(%dma_start3A_517 : memref<1000000x32xf32, #tpu.memory_space<hbm>>) target(%dma_start3A_511 : memref<100x32xf32, #tpu.memory_space<vmem>>) offsets(%dma_start3A_514 : memref<100xi32, #tpu.memory_space<vmem>>) semaphore(%arg10 : memref<!tpu.dma_semaphore, #tpu.memory_space<semaphore_mem>>)
      %dma_start3A_518 = arith.constant 5 : i32
      %dma_start3A_519 = arith.constant 500 : i32
      %dma_start3A_520 = arith.constant 0 : i32
      %dma_start3A_521 = tpu.memref_slice %arg8[%dma_start3A_519, %dma_start3A_520] : memref<1600x32xf32, #tpu.memory_space<vmem>> -> memref<100x32xf32, #tpu.memory_space<vmem>>
      %dma_start3A_522 = arith.constant 0 : i32
      %dma_start3A_523 = tpu.memref_slice %arg6[%dma_start3A_518, %dma_start3A_522] : memref<16x100xi32, #tpu.memory_space<vmem>> -> memref<1x100xi32, #tpu.memory_space<vmem>>
      %dma_start3A_524 = tpu.memref_squeeze %dma_start3A_523 : memref<1x100xi32, #tpu.memory_space<vmem>> -> memref<100xi32, #tpu.memory_space<vmem>>
      %dma_start3A_525 = arith.constant 0 : i32
      %dma_start3A_526 = arith.constant 0 : i32
      %dma_start3A_527 = tpu.memref_slice %arg3[%dma_start3A_525, %dma_start3A_526] : memref<1000000x32xf32, #tpu.memory_space<hbm>> -> memref<1000000x32xf32, #tpu.memory_space<hbm>>
      tpu.enqueue_indirect_dma source(%dma_start3A_527 : memref<1000000x32xf32, #tpu.memory_space<hbm>>) target(%dma_start3A_521 : memref<100x32xf32, #tpu.memory_space<vmem>>) offsets(%dma_start3A_524 : memref<100xi32, #tpu.memory_space<vmem>>) semaphore(%arg10 : memref<!tpu.dma_semaphore, #tpu.memory_space<semaphore_mem>>)
      %dma_start3A_528 = arith.constant 6 : i32
      %dma_start3A_529 = arith.constant 600 : i32
      %dma_start3A_530 = arith.constant 0 : i32
      %dma_start3A_531 = tpu.memref_slice %arg8[%dma_start3A_529, %dma_start3A_530] : memref<1600x32xf32, #tpu.memory_space<vmem>> -> memref<100x32xf32, #tpu.memory_space<vmem>>
      %dma_start3A_532 = arith.constant 0 : i32
      %dma_start3A_533 = tpu.memref_slice %arg6[%dma_start3A_528, %dma_start3A_532] : memref<16x100xi32, #tpu.memory_space<vmem>> -> memref<1x100xi32, #tpu.memory_space<vmem>>
      %dma_start3A_534 = tpu.memref_squeeze %dma_start3A_533 : memref<1x100xi32, #tpu.memory_space<vmem>> -> memref<100xi32, #tpu.memory_space<vmem>>
      %dma_start3A_535 = arith.constant 0 : i32
      %dma_start3A_536 = arith.constant 0 : i32
      %dma_start3A_537 = tpu.memref_slice %arg3[%dma_start3A_535, %dma_start3A_536] : memref<1000000x32xf32, #tpu.memory_space<hbm>> -> memref<1000000x32xf32, #tpu.memory_space<hbm>>
      tpu.enqueue_indirect_dma source(%dma_start3A_537 : memref<1000000x32xf32, #tpu.memory_space<hbm>>) target(%dma_start3A_531 : memref<100x32xf32, #tpu.memory_space<vmem>>) offsets(%dma_start3A_534 : memref<100xi32, #tpu.memory_space<vmem>>) semaphore(%arg10 : memref<!tpu.dma_semaphore, #tpu.memory_space<semaphore_mem>>)
      %dma_start3A_538 = arith.constant 7 : i32
      %dma_start3A_539 = arith.constant 700 : i32
      %dma_start3A_540 = arith.constant 0 : i32
      %dma_start3A_541 = tpu.memref_slice %arg8[%dma_start3A_539, %dma_start3A_540] : memref<1600x32xf32, #tpu.memory_space<vmem>> -> memref<100x32xf32, #tpu.memory_space<vmem>>
      %dma_start3A_542 = arith.constant 0 : i32
      %dma_start3A_543 = tpu.memref_slice %arg6[%dma_start3A_538, %dma_start3A_542] : memref<16x100xi32, #tpu.memory_space<vmem>> -> memref<1x100xi32, #tpu.memory_space<vmem>>
      %dma_start3A_544 = tpu.memref_squeeze %dma_start3A_543 : memref<1x100xi32, #tpu.memory_space<vmem>> -> memref<100xi32, #tpu.memory_space<vmem>>
      %dma_start3A_545 = arith.constant 0 : i32
      %dma_start3A_546 = arith.constant 0 : i32
      %dma_start3A_547 = tpu.memref_slice %arg3[%dma_start3A_545, %dma_start3A_546] : memref<1000000x32xf32, #tpu.memory_space<hbm>> -> memref<1000000x32xf32, #tpu.memory_space<hbm>>
      tpu.enqueue_indirect_dma source(%dma_start3A_547 : memref<1000000x32xf32, #tpu.memory_space<hbm>>) target(%dma_start3A_541 : memref<100x32xf32, #tpu.memory_space<vmem>>) offsets(%dma_start3A_544 : memref<100xi32, #tpu.memory_space<vmem>>) semaphore(%arg10 : memref<!tpu.dma_semaphore, #tpu.memory_space<semaphore_mem>>)
      %dma_start3A_548 = arith.constant 8 : i32
      %dma_start3A_549 = arith.constant 800 : i32
      %dma_start3A_550 = arith.constant 0 : i32
      %dma_start3A_551 = tpu.memref_slice %arg8[%dma_start3A_549, %dma_start3A_550] : memref<1600x32xf32, #tpu.memory_space<vmem>> -> memref<100x32xf32, #tpu.memory_space<vmem>>
      %dma_start3A_552 = arith.constant 0 : i32
      %dma_start3A_553 = tpu.memref_slice %arg6[%dma_start3A_548, %dma_start3A_552] : memref<16x100xi32, #tpu.memory_space<vmem>> -> memref<1x100xi32, #tpu.memory_space<vmem>>
      %dma_start3A_554 = tpu.memref_squeeze %dma_start3A_553 : memref<1x100xi32, #tpu.memory_space<vmem>> -> memref<100xi32, #tpu.memory_space<vmem>>
      %dma_start3A_555 = arith.constant 0 : i32
      %dma_start3A_556 = arith.constant 0 : i32
      %dma_start3A_557 = tpu.memref_slice %arg3[%dma_start3A_555, %dma_start3A_556] : memref<1000000x32xf32, #tpu.memory_space<hbm>> -> memref<1000000x32xf32, #tpu.memory_space<hbm>>
      tpu.enqueue_indirect_dma source(%dma_start3A_557 : memref<1000000x32xf32, #tpu.memory_space<hbm>>) target(%dma_start3A_551 : memref<100x32xf32, #tpu.memory_space<vmem>>) offsets(%dma_start3A_554 : memref<100xi32, #tpu.memory_space<vmem>>) semaphore(%arg10 : memref<!tpu.dma_semaphore, #tpu.memory_space<semaphore_mem>>)
      %dma_start3A_558 = arith.constant 9 : i32
      %dma_start3A_559 = arith.constant 900 : i32
      %dma_start3A_560 = arith.constant 0 : i32
      %dma_start3A_561 = tpu.memref_slice %arg8[%dma_start3A_559, %dma_start3A_560] : memref<1600x32xf32, #tpu.memory_space<vmem>> -> memref<100x32xf32, #tpu.memory_space<vmem>>
      %dma_start3A_562 = arith.constant 0 : i32
      %dma_start3A_563 = tpu.memref_slice %arg6[%dma_start3A_558, %dma_start3A_562] : memref<16x100xi32, #tpu.memory_space<vmem>> -> memref<1x100xi32, #tpu.memory_space<vmem>>
      %dma_start3A_564 = tpu.memref_squeeze %dma_start3A_563 : memref<1x100xi32, #tpu.memory_space<vmem>> -> memref<100xi32, #tpu.memory_space<vmem>>
      %dma_start3A_565 = arith.constant 0 : i32
      %dma_start3A_566 = arith.constant 0 : i32
      %dma_start3A_567 = tpu.memref_slice %arg3[%dma_start3A_565, %dma_start3A_566] : memref<1000000x32xf32, #tpu.memory_space<hbm>> -> memref<1000000x32xf32, #tpu.memory_space<hbm>>
      tpu.enqueue_indirect_dma source(%dma_start3A_567 : memref<1000000x32xf32, #tpu.memory_space<hbm>>) target(%dma_start3A_561 : memref<100x32xf32, #tpu.memory_space<vmem>>) offsets(%dma_start3A_564 : memref<100xi32, #tpu.memory_space<vmem>>) semaphore(%arg10 : memref<!tpu.dma_semaphore, #tpu.memory_space<semaphore_mem>>)
      %dma_start3A_568 = arith.constant 10 : i32
      %dma_start3A_569 = arith.constant 1000 : i32
      %dma_start3A_570 = arith.constant 0 : i32
      %dma_start3A_571 = tpu.memref_slice %arg8[%dma_start3A_569, %dma_start3A_570] : memref<1600x32xf32, #tpu.memory_space<vmem>> -> memref<100x32xf32, #tpu.memory_space<vmem>>
      %dma_start3A_572 = arith.constant 0 : i32
      %dma_start3A_573 = tpu.memref_slice %arg6[%dma_start3A_568, %dma_start3A_572] : memref<16x100xi32, #tpu.memory_space<vmem>> -> memref<1x100xi32, #tpu.memory_space<vmem>>
      %dma_start3A_574 = tpu.memref_squeeze %dma_start3A_573 : memref<1x100xi32, #tpu.memory_space<vmem>> -> memref<100xi32, #tpu.memory_space<vmem>>
      %dma_start3A_575 = arith.constant 0 : i32
      %dma_start3A_576 = arith.constant 0 : i32
      %dma_start3A_577 = tpu.memref_slice %arg3[%dma_start3A_575, %dma_start3A_576] : memref<1000000x32xf32, #tpu.memory_space<hbm>> -> memref<1000000x32xf32, #tpu.memory_space<hbm>>
      tpu.enqueue_indirect_dma source(%dma_start3A_577 : memref<1000000x32xf32, #tpu.memory_space<hbm>>) target(%dma_start3A_571 : memref<100x32xf32, #tpu.memory_space<vmem>>) offsets(%dma_start3A_574 : memref<100xi32, #tpu.memory_space<vmem>>) semaphore(%arg10 : memref<!tpu.dma_semaphore, #tpu.memory_space<semaphore_mem>>)
      %dma_start3A_578 = arith.constant 11 : i32
      %dma_start3A_579 = arith.constant 1100 : i32
      %dma_start3A_580 = arith.constant 0 : i32
      %dma_start3A_581 = tpu.memref_slice %arg8[%dma_start3A_579, %dma_start3A_580] : memref<1600x32xf32, #tpu.memory_space<vmem>> -> memref<100x32xf32, #tpu.memory_space<vmem>>
      %dma_start3A_582 = arith.constant 0 : i32
      %dma_start3A_583 = tpu.memref_slice %arg6[%dma_start3A_578, %dma_start3A_582] : memref<16x100xi32, #tpu.memory_space<vmem>> -> memref<1x100xi32, #tpu.memory_space<vmem>>
      %dma_start3A_584 = tpu.memref_squeeze %dma_start3A_583 : memref<1x100xi32, #tpu.memory_space<vmem>> -> memref<100xi32, #tpu.memory_space<vmem>>
      %dma_start3A_585 = arith.constant 0 : i32
      %dma_start3A_586 = arith.constant 0 : i32
      %dma_start3A_587 = tpu.memref_slice %arg3[%dma_start3A_585, %dma_start3A_586] : memref<1000000x32xf32, #tpu.memory_space<hbm>> -> memref<1000000x32xf32, #tpu.memory_space<hbm>>
      tpu.enqueue_indirect_dma source(%dma_start3A_587 : memref<1000000x32xf32, #tpu.memory_space<hbm>>) target(%dma_start3A_581 : memref<100x32xf32, #tpu.memory_space<vmem>>) offsets(%dma_start3A_584 : memref<100xi32, #tpu.memory_space<vmem>>) semaphore(%arg10 : memref<!tpu.dma_semaphore, #tpu.memory_space<semaphore_mem>>)
      %dma_start3A_588 = arith.constant 12 : i32
      %dma_start3A_589 = arith.constant 1200 : i32
      %dma_start3A_590 = arith.constant 0 : i32
      %dma_start3A_591 = tpu.memref_slice %arg8[%dma_start3A_589, %dma_start3A_590] : memref<1600x32xf32, #tpu.memory_space<vmem>> -> memref<100x32xf32, #tpu.memory_space<vmem>>
      %dma_start3A_592 = arith.constant 0 : i32
      %dma_start3A_593 = tpu.memref_slice %arg6[%dma_start3A_588, %dma_start3A_592] : memref<16x100xi32, #tpu.memory_space<vmem>> -> memref<1x100xi32, #tpu.memory_space<vmem>>
      %dma_start3A_594 = tpu.memref_squeeze %dma_start3A_593 : memref<1x100xi32, #tpu.memory_space<vmem>> -> memref<100xi32, #tpu.memory_space<vmem>>
      %dma_start3A_595 = arith.constant 0 : i32
      %dma_start3A_596 = arith.constant 0 : i32
      %dma_start3A_597 = tpu.memref_slice %arg3[%dma_start3A_595, %dma_start3A_596] : memref<1000000x32xf32, #tpu.memory_space<hbm>> -> memref<1000000x32xf32, #tpu.memory_space<hbm>>
      tpu.enqueue_indirect_dma source(%dma_start3A_597 : memref<1000000x32xf32, #tpu.memory_space<hbm>>) target(%dma_start3A_591 : memref<100x32xf32, #tpu.memory_space<vmem>>) offsets(%dma_start3A_594 : memref<100xi32, #tpu.memory_space<vmem>>) semaphore(%arg10 : memref<!tpu.dma_semaphore, #tpu.memory_space<semaphore_mem>>)
      %dma_start3A_598 = arith.constant 13 : i32
      %dma_start3A_599 = arith.constant 1300 : i32
      %dma_start3A_600 = arith.constant 0 : i32
      %dma_start3A_601 = tpu.memref_slice %arg8[%dma_start3A_599, %dma_start3A_600] : memref<1600x32xf32, #tpu.memory_space<vmem>> -> memref<100x32xf32, #tpu.memory_space<vmem>>
      %dma_start3A_602 = arith.constant 0 : i32
      %dma_start3A_603 = tpu.memref_slice %arg6[%dma_start3A_598, %dma_start3A_602] : memref<16x100xi32, #tpu.memory_space<vmem>> -> memref<1x100xi32, #tpu.memory_space<vmem>>
      %dma_start3A_604 = tpu.memref_squeeze %dma_start3A_603 : memref<1x100xi32, #tpu.memory_space<vmem>> -> memref<100xi32, #tpu.memory_space<vmem>>
      %dma_start3A_605 = arith.constant 0 : i32
      %dma_start3A_606 = arith.constant 0 : i32
      %dma_start3A_607 = tpu.memref_slice %arg3[%dma_start3A_605, %dma_start3A_606] : memref<1000000x32xf32, #tpu.memory_space<hbm>> -> memref<1000000x32xf32, #tpu.memory_space<hbm>>
      tpu.enqueue_indirect_dma source(%dma_start3A_607 : memref<1000000x32xf32, #tpu.memory_space<hbm>>) target(%dma_start3A_601 : memref<100x32xf32, #tpu.memory_space<vmem>>) offsets(%dma_start3A_604 : memref<100xi32, #tpu.memory_space<vmem>>) semaphore(%arg10 : memref<!tpu.dma_semaphore, #tpu.memory_space<semaphore_mem>>)
      %dma_start3A_608 = arith.constant 14 : i32
      %dma_start3A_609 = arith.constant 1400 : i32
      %dma_start3A_610 = arith.constant 0 : i32
      %dma_start3A_611 = tpu.memref_slice %arg8[%dma_start3A_609, %dma_start3A_610] : memref<1600x32xf32, #tpu.memory_space<vmem>> -> memref<100x32xf32, #tpu.memory_space<vmem>>
      %dma_start3A_612 = arith.constant 0 : i32
      %dma_start3A_613 = tpu.memref_slice %arg6[%dma_start3A_608, %dma_start3A_612] : memref<16x100xi32, #tpu.memory_space<vmem>> -> memref<1x100xi32, #tpu.memory_space<vmem>>
      %dma_start3A_614 = tpu.memref_squeeze %dma_start3A_613 : memref<1x100xi32, #tpu.memory_space<vmem>> -> memref<100xi32, #tpu.memory_space<vmem>>
      %dma_start3A_615 = arith.constant 0 : i32
      %dma_start3A_616 = arith.constant 0 : i32
      %dma_start3A_617 = tpu.memref_slice %arg3[%dma_start3A_615, %dma_start3A_616] : memref<1000000x32xf32, #tpu.memory_space<hbm>> -> memref<1000000x32xf32, #tpu.memory_space<hbm>>
      tpu.enqueue_indirect_dma source(%dma_start3A_617 : memref<1000000x32xf32, #tpu.memory_space<hbm>>) target(%dma_start3A_611 : memref<100x32xf32, #tpu.memory_space<vmem>>) offsets(%dma_start3A_614 : memref<100xi32, #tpu.memory_space<vmem>>) semaphore(%arg10 : memref<!tpu.dma_semaphore, #tpu.memory_space<semaphore_mem>>)
      %dma_start3A_618 = arith.constant 15 : i32
      %dma_start3A_619 = arith.constant 1500 : i32
      %dma_start3A_620 = arith.constant 0 : i32
      %dma_start3A_621 = tpu.memref_slice %arg8[%dma_start3A_619, %dma_start3A_620] : memref<1600x32xf32, #tpu.memory_space<vmem>> -> memref<100x32xf32, #tpu.memory_space<vmem>>
      %dma_start3A_622 = arith.constant 0 : i32
      %dma_start3A_623 = tpu.memref_slice %arg6[%dma_start3A_618, %dma_start3A_622] : memref<16x100xi32, #tpu.memory_space<vmem>> -> memref<1x100xi32, #tpu.memory_space<vmem>>
      %dma_start3A_624 = tpu.memref_squeeze %dma_start3A_623 : memref<1x100xi32, #tpu.memory_space<vmem>> -> memref<100xi32, #tpu.memory_space<vmem>>
      %dma_start3A_625 = arith.constant 0 : i32
      %dma_start3A_626 = arith.constant 0 : i32
      %dma_start3A_627 = tpu.memref_slice %arg3[%dma_start3A_625, %dma_start3A_626] : memref<1000000x32xf32, #tpu.memory_space<hbm>> -> memref<1000000x32xf32, #tpu.memory_space<hbm>>
      tpu.enqueue_indirect_dma source(%dma_start3A_627 : memref<1000000x32xf32, #tpu.memory_space<hbm>>) target(%dma_start3A_621 : memref<100x32xf32, #tpu.memory_space<vmem>>) offsets(%dma_start3A_624 : memref<100xi32, #tpu.memory_space<vmem>>) semaphore(%arg10 : memref<!tpu.dma_semaphore, #tpu.memory_space<semaphore_mem>>)
      %dma_wait3A_628 = arith.constant 0 : i32
      %dma_wait3A_629 = arith.constant 0 : i32
      %dma_wait3A_630 = arith.constant 0 : i32
      %dma_wait3A_631 = tpu.memref_slice %arg7[%dma_wait3A_629, %dma_wait3A_630] : memref<1600x32xf32, #tpu.memory_space<vmem>> -> memref<100x32xf32, #tpu.memory_space<vmem>>
      %dma_wait3A_632 = arith.constant 0 : i32
      %dma_wait3A_633 = tpu.memref_slice %arg5[%dma_wait3A_628, %dma_wait3A_632] : memref<16x100xi32, #tpu.memory_space<vmem>> -> memref<1x100xi32, #tpu.memory_space<vmem>>
      %dma_wait3A_634 = tpu.memref_squeeze %dma_wait3A_633 : memref<1x100xi32, #tpu.memory_space<vmem>> -> memref<100xi32, #tpu.memory_space<vmem>>
      %dma_wait3A_635 = arith.constant 0 : i32
      %dma_wait3A_636 = arith.constant 0 : i32
      %dma_wait3A_637 = tpu.memref_slice %arg3[%dma_wait3A_635, %dma_wait3A_636] : memref<1000000x32xf32, #tpu.memory_space<hbm>> -> memref<1000000x32xf32, #tpu.memory_space<hbm>>
      tpu.wait_indirect_dma semaphore(%arg9 : memref<!tpu.dma_semaphore, #tpu.memory_space<semaphore_mem>>) src(%dma_wait3A_637 : memref<1000000x32xf32, #tpu.memory_space<hbm>>) dst(%dma_wait3A_631 : memref<100x32xf32, #tpu.memory_space<vmem>>)
      %dma_wait3A_638 = arith.constant 1 : i32
      %dma_wait3A_639 = arith.constant 100 : i32
      %dma_wait3A_640 = arith.constant 0 : i32
      %dma_wait3A_641 = tpu.memref_slice %arg7[%dma_wait3A_639, %dma_wait3A_640] : memref<1600x32xf32, #tpu.memory_space<vmem>> -> memref<100x32xf32, #tpu.memory_space<vmem>>
      %dma_wait3A_642 = arith.constant 0 : i32
      %dma_wait3A_643 = tpu.memref_slice %arg5[%dma_wait3A_638, %dma_wait3A_642] : memref<16x100xi32, #tpu.memory_space<vmem>> -> memref<1x100xi32, #tpu.memory_space<vmem>>
      %dma_wait3A_644 = tpu.memref_squeeze %dma_wait3A_643 : memref<1x100xi32, #tpu.memory_space<vmem>> -> memref<100xi32, #tpu.memory_space<vmem>>
      %dma_wait3A_645 = arith.constant 0 : i32
      %dma_wait3A_646 = arith.constant 0 : i32
      %dma_wait3A_647 = tpu.memref_slice %arg3[%dma_wait3A_645, %dma_wait3A_646] : memref<1000000x32xf32, #tpu.memory_space<hbm>> -> memref<1000000x32xf32, #tpu.memory_space<hbm>>
      tpu.wait_indirect_dma semaphore(%arg9 : memref<!tpu.dma_semaphore, #tpu.memory_space<semaphore_mem>>) src(%dma_wait3A_647 : memref<1000000x32xf32, #tpu.memory_space<hbm>>) dst(%dma_wait3A_641 : memref<100x32xf32, #tpu.memory_space<vmem>>)
      %dma_wait3A_648 = arith.constant 2 : i32
      %dma_wait3A_649 = arith.constant 200 : i32
      %dma_wait3A_650 = arith.constant 0 : i32
      %dma_wait3A_651 = tpu.memref_slice %arg7[%dma_wait3A_649, %dma_wait3A_650] : memref<1600x32xf32, #tpu.memory_space<vmem>> -> memref<100x32xf32, #tpu.memory_space<vmem>>
      %dma_wait3A_652 = arith.constant 0 : i32
      %dma_wait3A_653 = tpu.memref_slice %arg5[%dma_wait3A_648, %dma_wait3A_652] : memref<16x100xi32, #tpu.memory_space<vmem>> -> memref<1x100xi32, #tpu.memory_space<vmem>>
      %dma_wait3A_654 = tpu.memref_squeeze %dma_wait3A_653 : memref<1x100xi32, #tpu.memory_space<vmem>> -> memref<100xi32, #tpu.memory_space<vmem>>
      %dma_wait3A_655 = arith.constant 0 : i32
      %dma_wait3A_656 = arith.constant 0 : i32
      %dma_wait3A_657 = tpu.memref_slice %arg3[%dma_wait3A_655, %dma_wait3A_656] : memref<1000000x32xf32, #tpu.memory_space<hbm>> -> memref<1000000x32xf32, #tpu.memory_space<hbm>>
      tpu.wait_indirect_dma semaphore(%arg9 : memref<!tpu.dma_semaphore, #tpu.memory_space<semaphore_mem>>) src(%dma_wait3A_657 : memref<1000000x32xf32, #tpu.memory_space<hbm>>) dst(%dma_wait3A_651 : memref<100x32xf32, #tpu.memory_space<vmem>>)
      %dma_wait3A_658 = arith.constant 3 : i32
      %dma_wait3A_659 = arith.constant 300 : i32
      %dma_wait3A_660 = arith.constant 0 : i32
      %dma_wait3A_661 = tpu.memref_slice %arg7[%dma_wait3A_659, %dma_wait3A_660] : memref<1600x32xf32, #tpu.memory_space<vmem>> -> memref<100x32xf32, #tpu.memory_space<vmem>>
      %dma_wait3A_662 = arith.constant 0 : i32
      %dma_wait3A_663 = tpu.memref_slice %arg5[%dma_wait3A_658, %dma_wait3A_662] : memref<16x100xi32, #tpu.memory_space<vmem>> -> memref<1x100xi32, #tpu.memory_space<vmem>>
      %dma_wait3A_664 = tpu.memref_squeeze %dma_wait3A_663 : memref<1x100xi32, #tpu.memory_space<vmem>> -> memref<100xi32, #tpu.memory_space<vmem>>
      %dma_wait3A_665 = arith.constant 0 : i32
      %dma_wait3A_666 = arith.constant 0 : i32
      %dma_wait3A_667 = tpu.memref_slice %arg3[%dma_wait3A_665, %dma_wait3A_666] : memref<1000000x32xf32, #tpu.memory_space<hbm>> -> memref<1000000x32xf32, #tpu.memory_space<hbm>>
      tpu.wait_indirect_dma semaphore(%arg9 : memref<!tpu.dma_semaphore, #tpu.memory_space<semaphore_mem>>) src(%dma_wait3A_667 : memref<1000000x32xf32, #tpu.memory_space<hbm>>) dst(%dma_wait3A_661 : memref<100x32xf32, #tpu.memory_space<vmem>>)
      %dma_wait3A_668 = arith.constant 4 : i32
      %dma_wait3A_669 = arith.constant 400 : i32
      %dma_wait3A_670 = arith.constant 0 : i32
      %dma_wait3A_671 = tpu.memref_slice %arg7[%dma_wait3A_669, %dma_wait3A_670] : memref<1600x32xf32, #tpu.memory_space<vmem>> -> memref<100x32xf32, #tpu.memory_space<vmem>>
      %dma_wait3A_672 = arith.constant 0 : i32
      %dma_wait3A_673 = tpu.memref_slice %arg5[%dma_wait3A_668, %dma_wait3A_672] : memref<16x100xi32, #tpu.memory_space<vmem>> -> memref<1x100xi32, #tpu.memory_space<vmem>>
      %dma_wait3A_674 = tpu.memref_squeeze %dma_wait3A_673 : memref<1x100xi32, #tpu.memory_space<vmem>> -> memref<100xi32, #tpu.memory_space<vmem>>
      %dma_wait3A_675 = arith.constant 0 : i32
      %dma_wait3A_676 = arith.constant 0 : i32
      %dma_wait3A_677 = tpu.memref_slice %arg3[%dma_wait3A_675, %dma_wait3A_676] : memref<1000000x32xf32, #tpu.memory_space<hbm>> -> memref<1000000x32xf32, #tpu.memory_space<hbm>>
      tpu.wait_indirect_dma semaphore(%arg9 : memref<!tpu.dma_semaphore, #tpu.memory_space<semaphore_mem>>) src(%dma_wait3A_677 : memref<1000000x32xf32, #tpu.memory_space<hbm>>) dst(%dma_wait3A_671 : memref<100x32xf32, #tpu.memory_space<vmem>>)
      %dma_wait3A_678 = arith.constant 5 : i32
      %dma_wait3A_679 = arith.constant 500 : i32
      %dma_wait3A_680 = arith.constant 0 : i32
      %dma_wait3A_681 = tpu.memref_slice %arg7[%dma_wait3A_679, %dma_wait3A_680] : memref<1600x32xf32, #tpu.memory_space<vmem>> -> memref<100x32xf32, #tpu.memory_space<vmem>>
      %dma_wait3A_682 = arith.constant 0 : i32
      %dma_wait3A_683 = tpu.memref_slice %arg5[%dma_wait3A_678, %dma_wait3A_682] : memref<16x100xi32, #tpu.memory_space<vmem>> -> memref<1x100xi32, #tpu.memory_space<vmem>>
      %dma_wait3A_684 = tpu.memref_squeeze %dma_wait3A_683 : memref<1x100xi32, #tpu.memory_space<vmem>> -> memref<100xi32, #tpu.memory_space<vmem>>
      %dma_wait3A_685 = arith.constant 0 : i32
      %dma_wait3A_686 = arith.constant 0 : i32
      %dma_wait3A_687 = tpu.memref_slice %arg3[%dma_wait3A_685, %dma_wait3A_686] : memref<1000000x32xf32, #tpu.memory_space<hbm>> -> memref<1000000x32xf32, #tpu.memory_space<hbm>>
      tpu.wait_indirect_dma semaphore(%arg9 : memref<!tpu.dma_semaphore, #tpu.memory_space<semaphore_mem>>) src(%dma_wait3A_687 : memref<1000000x32xf32, #tpu.memory_space<hbm>>) dst(%dma_wait3A_681 : memref<100x32xf32, #tpu.memory_space<vmem>>)
      %dma_wait3A_688 = arith.constant 6 : i32
      %dma_wait3A_689 = arith.constant 600 : i32
      %dma_wait3A_690 = arith.constant 0 : i32
      %dma_wait3A_691 = tpu.memref_slice %arg7[%dma_wait3A_689, %dma_wait3A_690] : memref<1600x32xf32, #tpu.memory_space<vmem>> -> memref<100x32xf32, #tpu.memory_space<vmem>>
      %dma_wait3A_692 = arith.constant 0 : i32
      %dma_wait3A_693 = tpu.memref_slice %arg5[%dma_wait3A_688, %dma_wait3A_692] : memref<16x100xi32, #tpu.memory_space<vmem>> -> memref<1x100xi32, #tpu.memory_space<vmem>>
      %dma_wait3A_694 = tpu.memref_squeeze %dma_wait3A_693 : memref<1x100xi32, #tpu.memory_space<vmem>> -> memref<100xi32, #tpu.memory_space<vmem>>
      %dma_wait3A_695 = arith.constant 0 : i32
      %dma_wait3A_696 = arith.constant 0 : i32
      %dma_wait3A_697 = tpu.memref_slice %arg3[%dma_wait3A_695, %dma_wait3A_696] : memref<1000000x32xf32, #tpu.memory_space<hbm>> -> memref<1000000x32xf32, #tpu.memory_space<hbm>>
      tpu.wait_indirect_dma semaphore(%arg9 : memref<!tpu.dma_semaphore, #tpu.memory_space<semaphore_mem>>) src(%dma_wait3A_697 : memref<1000000x32xf32, #tpu.memory_space<hbm>>) dst(%dma_wait3A_691 : memref<100x32xf32, #tpu.memory_space<vmem>>)
      %dma_wait3A_698 = arith.constant 7 : i32
      %dma_wait3A_699 = arith.constant 700 : i32
      %dma_wait3A_700 = arith.constant 0 : i32
      %dma_wait3A_701 = tpu.memref_slice %arg7[%dma_wait3A_699, %dma_wait3A_700] : memref<1600x32xf32, #tpu.memory_space<vmem>> -> memref<100x32xf32, #tpu.memory_space<vmem>>
      %dma_wait3A_702 = arith.constant 0 : i32
      %dma_wait3A_703 = tpu.memref_slice %arg5[%dma_wait3A_698, %dma_wait3A_702] : memref<16x100xi32, #tpu.memory_space<vmem>> -> memref<1x100xi32, #tpu.memory_space<vmem>>
      %dma_wait3A_704 = tpu.memref_squeeze %dma_wait3A_703 : memref<1x100xi32, #tpu.memory_space<vmem>> -> memref<100xi32, #tpu.memory_space<vmem>>
      %dma_wait3A_705 = arith.constant 0 : i32
      %dma_wait3A_706 = arith.constant 0 : i32
      %dma_wait3A_707 = tpu.memref_slice %arg3[%dma_wait3A_705, %dma_wait3A_706] : memref<1000000x32xf32, #tpu.memory_space<hbm>> -> memref<1000000x32xf32, #tpu.memory_space<hbm>>
      tpu.wait_indirect_dma semaphore(%arg9 : memref<!tpu.dma_semaphore, #tpu.memory_space<semaphore_mem>>) src(%dma_wait3A_707 : memref<1000000x32xf32, #tpu.memory_space<hbm>>) dst(%dma_wait3A_701 : memref<100x32xf32, #tpu.memory_space<vmem>>)
      %dma_wait3A_708 = arith.constant 8 : i32
      %dma_wait3A_709 = arith.constant 800 : i32
      %dma_wait3A_710 = arith.constant 0 : i32
      %dma_wait3A_711 = tpu.memref_slice %arg7[%dma_wait3A_709, %dma_wait3A_710] : memref<1600x32xf32, #tpu.memory_space<vmem>> -> memref<100x32xf32, #tpu.memory_space<vmem>>
      %dma_wait3A_712 = arith.constant 0 : i32
      %dma_wait3A_713 = tpu.memref_slice %arg5[%dma_wait3A_708, %dma_wait3A_712] : memref<16x100xi32, #tpu.memory_space<vmem>> -> memref<1x100xi32, #tpu.memory_space<vmem>>
      %dma_wait3A_714 = tpu.memref_squeeze %dma_wait3A_713 : memref<1x100xi32, #tpu.memory_space<vmem>> -> memref<100xi32, #tpu.memory_space<vmem>>
      %dma_wait3A_715 = arith.constant 0 : i32
      %dma_wait3A_716 = arith.constant 0 : i32
      %dma_wait3A_717 = tpu.memref_slice %arg3[%dma_wait3A_715, %dma_wait3A_716] : memref<1000000x32xf32, #tpu.memory_space<hbm>> -> memref<1000000x32xf32, #tpu.memory_space<hbm>>
      tpu.wait_indirect_dma semaphore(%arg9 : memref<!tpu.dma_semaphore, #tpu.memory_space<semaphore_mem>>) src(%dma_wait3A_717 : memref<1000000x32xf32, #tpu.memory_space<hbm>>) dst(%dma_wait3A_711 : memref<100x32xf32, #tpu.memory_space<vmem>>)
      %dma_wait3A_718 = arith.constant 9 : i32
      %dma_wait3A_719 = arith.constant 900 : i32
      %dma_wait3A_720 = arith.constant 0 : i32
      %dma_wait3A_721 = tpu.memref_slice %arg7[%dma_wait3A_719, %dma_wait3A_720] : memref<1600x32xf32, #tpu.memory_space<vmem>> -> memref<100x32xf32, #tpu.memory_space<vmem>>
      %dma_wait3A_722 = arith.constant 0 : i32
      %dma_wait3A_723 = tpu.memref_slice %arg5[%dma_wait3A_718, %dma_wait3A_722] : memref<16x100xi32, #tpu.memory_space<vmem>> -> memref<1x100xi32, #tpu.memory_space<vmem>>
      %dma_wait3A_724 = tpu.memref_squeeze %dma_wait3A_723 : memref<1x100xi32, #tpu.memory_space<vmem>> -> memref<100xi32, #tpu.memory_space<vmem>>
      %dma_wait3A_725 = arith.constant 0 : i32
      %dma_wait3A_726 = arith.constant 0 : i32
      %dma_wait3A_727 = tpu.memref_slice %arg3[%dma_wait3A_725, %dma_wait3A_726] : memref<1000000x32xf32, #tpu.memory_space<hbm>> -> memref<1000000x32xf32, #tpu.memory_space<hbm>>
      tpu.wait_indirect_dma semaphore(%arg9 : memref<!tpu.dma_semaphore, #tpu.memory_space<semaphore_mem>>) src(%dma_wait3A_727 : memref<1000000x32xf32, #tpu.memory_space<hbm>>) dst(%dma_wait3A_721 : memref<100x32xf32, #tpu.memory_space<vmem>>)
      %dma_wait3A_728 = arith.constant 10 : i32
      %dma_wait3A_729 = arith.constant 1000 : i32
      %dma_wait3A_730 = arith.constant 0 : i32
      %dma_wait3A_731 = tpu.memref_slice %arg7[%dma_wait3A_729, %dma_wait3A_730] : memref<1600x32xf32, #tpu.memory_space<vmem>> -> memref<100x32xf32, #tpu.memory_space<vmem>>
      %dma_wait3A_732 = arith.constant 0 : i32
      %dma_wait3A_733 = tpu.memref_slice %arg5[%dma_wait3A_728, %dma_wait3A_732] : memref<16x100xi32, #tpu.memory_space<vmem>> -> memref<1x100xi32, #tpu.memory_space<vmem>>
      %dma_wait3A_734 = tpu.memref_squeeze %dma_wait3A_733 : memref<1x100xi32, #tpu.memory_space<vmem>> -> memref<100xi32, #tpu.memory_space<vmem>>
      %dma_wait3A_735 = arith.constant 0 : i32
      %dma_wait3A_736 = arith.constant 0 : i32
      %dma_wait3A_737 = tpu.memref_slice %arg3[%dma_wait3A_735, %dma_wait3A_736] : memref<1000000x32xf32, #tpu.memory_space<hbm>> -> memref<1000000x32xf32, #tpu.memory_space<hbm>>
      tpu.wait_indirect_dma semaphore(%arg9 : memref<!tpu.dma_semaphore, #tpu.memory_space<semaphore_mem>>) src(%dma_wait3A_737 : memref<1000000x32xf32, #tpu.memory_space<hbm>>) dst(%dma_wait3A_731 : memref<100x32xf32, #tpu.memory_space<vmem>>)
      %dma_wait3A_738 = arith.constant 11 : i32
      %dma_wait3A_739 = arith.constant 1100 : i32
      %dma_wait3A_740 = arith.constant 0 : i32
      %dma_wait3A_741 = tpu.memref_slice %arg7[%dma_wait3A_739, %dma_wait3A_740] : memref<1600x32xf32, #tpu.memory_space<vmem>> -> memref<100x32xf32, #tpu.memory_space<vmem>>
      %dma_wait3A_742 = arith.constant 0 : i32
      %dma_wait3A_743 = tpu.memref_slice %arg5[%dma_wait3A_738, %dma_wait3A_742] : memref<16x100xi32, #tpu.memory_space<vmem>> -> memref<1x100xi32, #tpu.memory_space<vmem>>
      %dma_wait3A_744 = tpu.memref_squeeze %dma_wait3A_743 : memref<1x100xi32, #tpu.memory_space<vmem>> -> memref<100xi32, #tpu.memory_space<vmem>>
      %dma_wait3A_745 = arith.constant 0 : i32
      %dma_wait3A_746 = arith.constant 0 : i32
      %dma_wait3A_747 = tpu.memref_slice %arg3[%dma_wait3A_745, %dma_wait3A_746] : memref<1000000x32xf32, #tpu.memory_space<hbm>> -> memref<1000000x32xf32, #tpu.memory_space<hbm>>
      tpu.wait_indirect_dma semaphore(%arg9 : memref<!tpu.dma_semaphore, #tpu.memory_space<semaphore_mem>>) src(%dma_wait3A_747 : memref<1000000x32xf32, #tpu.memory_space<hbm>>) dst(%dma_wait3A_741 : memref<100x32xf32, #tpu.memory_space<vmem>>)
      %dma_wait3A_748 = arith.constant 12 : i32
      %dma_wait3A_749 = arith.constant 1200 : i32
      %dma_wait3A_750 = arith.constant 0 : i32
      %dma_wait3A_751 = tpu.memref_slice %arg7[%dma_wait3A_749, %dma_wait3A_750] : memref<1600x32xf32, #tpu.memory_space<vmem>> -> memref<100x32xf32, #tpu.memory_space<vmem>>
      %dma_wait3A_752 = arith.constant 0 : i32
      %dma_wait3A_753 = tpu.memref_slice %arg5[%dma_wait3A_748, %dma_wait3A_752] : memref<16x100xi32, #tpu.memory_space<vmem>> -> memref<1x100xi32, #tpu.memory_space<vmem>>
      %dma_wait3A_754 = tpu.memref_squeeze %dma_wait3A_753 : memref<1x100xi32, #tpu.memory_space<vmem>> -> memref<100xi32, #tpu.memory_space<vmem>>
      %dma_wait3A_755 = arith.constant 0 : i32
      %dma_wait3A_756 = arith.constant 0 : i32
      %dma_wait3A_757 = tpu.memref_slice %arg3[%dma_wait3A_755, %dma_wait3A_756] : memref<1000000x32xf32, #tpu.memory_space<hbm>> -> memref<1000000x32xf32, #tpu.memory_space<hbm>>
      tpu.wait_indirect_dma semaphore(%arg9 : memref<!tpu.dma_semaphore, #tpu.memory_space<semaphore_mem>>) src(%dma_wait3A_757 : memref<1000000x32xf32, #tpu.memory_space<hbm>>) dst(%dma_wait3A_751 : memref<100x32xf32, #tpu.memory_space<vmem>>)
      %dma_wait3A_758 = arith.constant 13 : i32
      %dma_wait3A_759 = arith.constant 1300 : i32
      %dma_wait3A_760 = arith.constant 0 : i32
      %dma_wait3A_761 = tpu.memref_slice %arg7[%dma_wait3A_759, %dma_wait3A_760] : memref<1600x32xf32, #tpu.memory_space<vmem>> -> memref<100x32xf32, #tpu.memory_space<vmem>>
      %dma_wait3A_762 = arith.constant 0 : i32
      %dma_wait3A_763 = tpu.memref_slice %arg5[%dma_wait3A_758, %dma_wait3A_762] : memref<16x100xi32, #tpu.memory_space<vmem>> -> memref<1x100xi32, #tpu.memory_space<vmem>>
      %dma_wait3A_764 = tpu.memref_squeeze %dma_wait3A_763 : memref<1x100xi32, #tpu.memory_space<vmem>> -> memref<100xi32, #tpu.memory_space<vmem>>
      %dma_wait3A_765 = arith.constant 0 : i32
      %dma_wait3A_766 = arith.constant 0 : i32
      %dma_wait3A_767 = tpu.memref_slice %arg3[%dma_wait3A_765, %dma_wait3A_766] : memref<1000000x32xf32, #tpu.memory_space<hbm>> -> memref<1000000x32xf32, #tpu.memory_space<hbm>>
      tpu.wait_indirect_dma semaphore(%arg9 : memref<!tpu.dma_semaphore, #tpu.memory_space<semaphore_mem>>) src(%dma_wait3A_767 : memref<1000000x32xf32, #tpu.memory_space<hbm>>) dst(%dma_wait3A_761 : memref<100x32xf32, #tpu.memory_space<vmem>>)
      %dma_wait3A_768 = arith.constant 14 : i32
      %dma_wait3A_769 = arith.constant 1400 : i32
      %dma_wait3A_770 = arith.constant 0 : i32
      %dma_wait3A_771 = tpu.memref_slice %arg7[%dma_wait3A_769, %dma_wait3A_770] : memref<1600x32xf32, #tpu.memory_space<vmem>> -> memref<100x32xf32, #tpu.memory_space<vmem>>
      %dma_wait3A_772 = arith.constant 0 : i32
      %dma_wait3A_773 = tpu.memref_slice %arg5[%dma_wait3A_768, %dma_wait3A_772] : memref<16x100xi32, #tpu.memory_space<vmem>> -> memref<1x100xi32, #tpu.memory_space<vmem>>
      %dma_wait3A_774 = tpu.memref_squeeze %dma_wait3A_773 : memref<1x100xi32, #tpu.memory_space<vmem>> -> memref<100xi32, #tpu.memory_space<vmem>>
      %dma_wait3A_775 = arith.constant 0 : i32
      %dma_wait3A_776 = arith.constant 0 : i32
      %dma_wait3A_777 = tpu.memref_slice %arg3[%dma_wait3A_775, %dma_wait3A_776] : memref<1000000x32xf32, #tpu.memory_space<hbm>> -> memref<1000000x32xf32, #tpu.memory_space<hbm>>
      tpu.wait_indirect_dma semaphore(%arg9 : memref<!tpu.dma_semaphore, #tpu.memory_space<semaphore_mem>>) src(%dma_wait3A_777 : memref<1000000x32xf32, #tpu.memory_space<hbm>>) dst(%dma_wait3A_771 : memref<100x32xf32, #tpu.memory_space<vmem>>)
      %dma_wait3A_778 = arith.constant 15 : i32
      %dma_wait3A_779 = arith.constant 1500 : i32
      %dma_wait3A_780 = arith.constant 0 : i32
      %dma_wait3A_781 = tpu.memref_slice %arg7[%dma_wait3A_779, %dma_wait3A_780] : memref<1600x32xf32, #tpu.memory_space<vmem>> -> memref<100x32xf32, #tpu.memory_space<vmem>>
      %dma_wait3A_782 = arith.constant 0 : i32
      %dma_wait3A_783 = tpu.memref_slice %arg5[%dma_wait3A_778, %dma_wait3A_782] : memref<16x100xi32, #tpu.memory_space<vmem>> -> memref<1x100xi32, #tpu.memory_space<vmem>>
      %dma_wait3A_784 = tpu.memref_squeeze %dma_wait3A_783 : memref<1x100xi32, #tpu.memory_space<vmem>> -> memref<100xi32, #tpu.memory_space<vmem>>
      %dma_wait3A_785 = arith.constant 0 : i32
      %dma_wait3A_786 = arith.constant 0 : i32
      %dma_wait3A_787 = tpu.memref_slice %arg3[%dma_wait3A_785, %dma_wait3A_786] : memref<1000000x32xf32, #tpu.memory_space<hbm>> -> memref<1000000x32xf32, #tpu.memory_space<hbm>>
      tpu.wait_indirect_dma semaphore(%arg9 : memref<!tpu.dma_semaphore, #tpu.memory_space<semaphore_mem>>) src(%dma_wait3A_787 : memref<1000000x32xf32, #tpu.memory_space<hbm>>) dst(%dma_wait3A_781 : memref<100x32xf32, #tpu.memory_space<vmem>>)
      %mul3A_788 = arith.constant 8 : i32
      %mul3A_789 = arith.muli %mul3A_460, %mul3A_788 : i32
      %add3A_790 = arith.addi %mul3A_2, %mul3A_789 : i32
      %add3A_791 = arith.constant 0 : i32
      %add3A_792 = arith.addi %add3A_790, %add3A_791 : i32
      %dma_start3A_793 = arith.constant 0 : i32
      %dma_start3A_794 = arith.constant 0 : i32
      %dma_start3A_795 = tpu.memref_slice %arg7[%dma_start3A_793, %dma_start3A_794] : memref<1600x32xf32, #tpu.memory_space<vmem>> -> memref<200x32xf32, #tpu.memory_space<vmem>>
      %dma_start3A_796 = arith.constant 0 : i32
      %dma_start3A_797 = arith.constant 0 : i32
      %dma_start3A_798 = tpu.memref_slice %arg4[%add3A_792, %dma_start3A_796, %dma_start3A_797] : memref<16384x200x32xf32, #tpu.memory_space<hbm>> -> memref<1x200x32xf32, #tpu.memory_space<hbm>>
      %dma_start3A_799 = tpu.memref_squeeze %dma_start3A_798 : memref<1x200x32xf32, #tpu.memory_space<hbm>> -> memref<200x32xf32, #tpu.memory_space<hbm>>
      %dma_start3A_800 = arith.constant 0 : i32
      %dma_start3A_801 = arith.constant 0 : i32
      %dma_start3A_802 = tpu.memref_slice %arg4[%add3A_792, %dma_start3A_800, %dma_start3A_801] : memref<16384x200x32xf32, #tpu.memory_space<hbm>> -> memref<1x200x32xf32, #tpu.memory_space<hbm>>
      %dma_start3A_803 = tpu.memref_squeeze %dma_start3A_802 : memref<1x200x32xf32, #tpu.memory_space<hbm>> -> memref<200x32xf32, #tpu.memory_space<hbm>>
      %dma_start3A_804 = arith.constant 0 : i32
      %dma_start3A_805 = arith.constant 0 : i32
      %dma_start3A_806 = tpu.memref_slice %arg7[%dma_start3A_804, %dma_start3A_805] : memref<1600x32xf32, #tpu.memory_space<vmem>> -> memref<200x32xf32, #tpu.memory_space<vmem>>
      tpu.enqueue_dma source(%dma_start3A_806 : memref<200x32xf32, #tpu.memory_space<vmem>>) target(%dma_start3A_803 : memref<200x32xf32, #tpu.memory_space<hbm>>) target_semaphore(%arg11 : memref<!tpu.dma_semaphore, #tpu.memory_space<semaphore_mem>>)
      %mul3A_807 = arith.constant 8 : i32
      %mul3A_808 = arith.muli %mul3A_460, %mul3A_807 : i32
      %add3A_809 = arith.addi %mul3A_2, %mul3A_808 : i32
      %add3A_810 = arith.constant 1 : i32
      %add3A_811 = arith.addi %add3A_809, %add3A_810 : i32
      %dma_start3A_812 = arith.constant 200 : i32
      %dma_start3A_813 = arith.constant 0 : i32
      %dma_start3A_814 = tpu.memref_slice %arg7[%dma_start3A_812, %dma_start3A_813] : memref<1600x32xf32, #tpu.memory_space<vmem>> -> memref<200x32xf32, #tpu.memory_space<vmem>>
      %dma_start3A_815 = arith.constant 0 : i32
      %dma_start3A_816 = arith.constant 0 : i32
      %dma_start3A_817 = tpu.memref_slice %arg4[%add3A_811, %dma_start3A_815, %dma_start3A_816] : memref<16384x200x32xf32, #tpu.memory_space<hbm>> -> memref<1x200x32xf32, #tpu.memory_space<hbm>>
      %dma_start3A_818 = tpu.memref_squeeze %dma_start3A_817 : memref<1x200x32xf32, #tpu.memory_space<hbm>> -> memref<200x32xf32, #tpu.memory_space<hbm>>
      %dma_start3A_819 = arith.constant 0 : i32
      %dma_start3A_820 = arith.constant 0 : i32
      %dma_start3A_821 = tpu.memref_slice %arg4[%add3A_811, %dma_start3A_819, %dma_start3A_820] : memref<16384x200x32xf32, #tpu.memory_space<hbm>> -> memref<1x200x32xf32, #tpu.memory_space<hbm>>
      %dma_start3A_822 = tpu.memref_squeeze %dma_start3A_821 : memref<1x200x32xf32, #tpu.memory_space<hbm>> -> memref<200x32xf32, #tpu.memory_space<hbm>>
      %dma_start3A_823 = arith.constant 200 : i32
      %dma_start3A_824 = arith.constant 0 : i32
      %dma_start3A_825 = tpu.memref_slice %arg7[%dma_start3A_823, %dma_start3A_824] : memref<1600x32xf32, #tpu.memory_space<vmem>> -> memref<200x32xf32, #tpu.memory_space<vmem>>
      tpu.enqueue_dma source(%dma_start3A_825 : memref<200x32xf32, #tpu.memory_space<vmem>>) target(%dma_start3A_822 : memref<200x32xf32, #tpu.memory_space<hbm>>) target_semaphore(%arg11 : memref<!tpu.dma_semaphore, #tpu.memory_space<semaphore_mem>>)
      %mul3A_826 = arith.constant 8 : i32
      %mul3A_827 = arith.muli %mul3A_460, %mul3A_826 : i32
      %add3A_828 = arith.addi %mul3A_2, %mul3A_827 : i32
      %add3A_829 = arith.constant 2 : i32
      %add3A_830 = arith.addi %add3A_828, %add3A_829 : i32
      %dma_start3A_831 = arith.constant 400 : i32
      %dma_start3A_832 = arith.constant 0 : i32
      %dma_start3A_833 = tpu.memref_slice %arg7[%dma_start3A_831, %dma_start3A_832] : memref<1600x32xf32, #tpu.memory_space<vmem>> -> memref<200x32xf32, #tpu.memory_space<vmem>>
      %dma_start3A_834 = arith.constant 0 : i32
      %dma_start3A_835 = arith.constant 0 : i32
      %dma_start3A_836 = tpu.memref_slice %arg4[%add3A_830, %dma_start3A_834, %dma_start3A_835] : memref<16384x200x32xf32, #tpu.memory_space<hbm>> -> memref<1x200x32xf32, #tpu.memory_space<hbm>>
      %dma_start3A_837 = tpu.memref_squeeze %dma_start3A_836 : memref<1x200x32xf32, #tpu.memory_space<hbm>> -> memref<200x32xf32, #tpu.memory_space<hbm>>
      %dma_start3A_838 = arith.constant 0 : i32
      %dma_start3A_839 = arith.constant 0 : i32
      %dma_start3A_840 = tpu.memref_slice %arg4[%add3A_830, %dma_start3A_838, %dma_start3A_839] : memref<16384x200x32xf32, #tpu.memory_space<hbm>> -> memref<1x200x32xf32, #tpu.memory_space<hbm>>
      %dma_start3A_841 = tpu.memref_squeeze %dma_start3A_840 : memref<1x200x32xf32, #tpu.memory_space<hbm>> -> memref<200x32xf32, #tpu.memory_space<hbm>>
      %dma_start3A_842 = arith.constant 400 : i32
      %dma_start3A_843 = arith.constant 0 : i32
      %dma_start3A_844 = tpu.memref_slice %arg7[%dma_start3A_842, %dma_start3A_843] : memref<1600x32xf32, #tpu.memory_space<vmem>> -> memref<200x32xf32, #tpu.memory_space<vmem>>
      tpu.enqueue_dma source(%dma_start3A_844 : memref<200x32xf32, #tpu.memory_space<vmem>>) target(%dma_start3A_841 : memref<200x32xf32, #tpu.memory_space<hbm>>) target_semaphore(%arg11 : memref<!tpu.dma_semaphore, #tpu.memory_space<semaphore_mem>>)
      %mul3A_845 = arith.constant 8 : i32
      %mul3A_846 = arith.muli %mul3A_460, %mul3A_845 : i32
      %add3A_847 = arith.addi %mul3A_2, %mul3A_846 : i32
      %add3A_848 = arith.constant 3 : i32
      %add3A_849 = arith.addi %add3A_847, %add3A_848 : i32
      %dma_start3A_850 = arith.constant 600 : i32
      %dma_start3A_851 = arith.constant 0 : i32
      %dma_start3A_852 = tpu.memref_slice %arg7[%dma_start3A_850, %dma_start3A_851] : memref<1600x32xf32, #tpu.memory_space<vmem>> -> memref<200x32xf32, #tpu.memory_space<vmem>>
      %dma_start3A_853 = arith.constant 0 : i32
      %dma_start3A_854 = arith.constant 0 : i32
      %dma_start3A_855 = tpu.memref_slice %arg4[%add3A_849, %dma_start3A_853, %dma_start3A_854] : memref<16384x200x32xf32, #tpu.memory_space<hbm>> -> memref<1x200x32xf32, #tpu.memory_space<hbm>>
      %dma_start3A_856 = tpu.memref_squeeze %dma_start3A_855 : memref<1x200x32xf32, #tpu.memory_space<hbm>> -> memref<200x32xf32, #tpu.memory_space<hbm>>
      %dma_start3A_857 = arith.constant 0 : i32
      %dma_start3A_858 = arith.constant 0 : i32
      %dma_start3A_859 = tpu.memref_slice %arg4[%add3A_849, %dma_start3A_857, %dma_start3A_858] : memref<16384x200x32xf32, #tpu.memory_space<hbm>> -> memref<1x200x32xf32, #tpu.memory_space<hbm>>
      %dma_start3A_860 = tpu.memref_squeeze %dma_start3A_859 : memref<1x200x32xf32, #tpu.memory_space<hbm>> -> memref<200x32xf32, #tpu.memory_space<hbm>>
      %dma_start3A_861 = arith.constant 600 : i32
      %dma_start3A_862 = arith.constant 0 : i32
      %dma_start3A_863 = tpu.memref_slice %arg7[%dma_start3A_861, %dma_start3A_862] : memref<1600x32xf32, #tpu.memory_space<vmem>> -> memref<200x32xf32, #tpu.memory_space<vmem>>
      tpu.enqueue_dma source(%dma_start3A_863 : memref<200x32xf32, #tpu.memory_space<vmem>>) target(%dma_start3A_860 : memref<200x32xf32, #tpu.memory_space<hbm>>) target_semaphore(%arg11 : memref<!tpu.dma_semaphore, #tpu.memory_space<semaphore_mem>>)
      %mul3A_864 = arith.constant 8 : i32
      %mul3A_865 = arith.muli %mul3A_460, %mul3A_864 : i32
      %add3A_866 = arith.addi %mul3A_2, %mul3A_865 : i32
      %add3A_867 = arith.constant 4 : i32
      %add3A_868 = arith.addi %add3A_866, %add3A_867 : i32
      %dma_start3A_869 = arith.constant 800 : i32
      %dma_start3A_870 = arith.constant 0 : i32
      %dma_start3A_871 = tpu.memref_slice %arg7[%dma_start3A_869, %dma_start3A_870] : memref<1600x32xf32, #tpu.memory_space<vmem>> -> memref<200x32xf32, #tpu.memory_space<vmem>>
      %dma_start3A_872 = arith.constant 0 : i32
      %dma_start3A_873 = arith.constant 0 : i32
      %dma_start3A_874 = tpu.memref_slice %arg4[%add3A_868, %dma_start3A_872, %dma_start3A_873] : memref<16384x200x32xf32, #tpu.memory_space<hbm>> -> memref<1x200x32xf32, #tpu.memory_space<hbm>>
      %dma_start3A_875 = tpu.memref_squeeze %dma_start3A_874 : memref<1x200x32xf32, #tpu.memory_space<hbm>> -> memref<200x32xf32, #tpu.memory_space<hbm>>
      %dma_start3A_876 = arith.constant 0 : i32
      %dma_start3A_877 = arith.constant 0 : i32
      %dma_start3A_878 = tpu.memref_slice %arg4[%add3A_868, %dma_start3A_876, %dma_start3A_877] : memref<16384x200x32xf32, #tpu.memory_space<hbm>> -> memref<1x200x32xf32, #tpu.memory_space<hbm>>
      %dma_start3A_879 = tpu.memref_squeeze %dma_start3A_878 : memref<1x200x32xf32, #tpu.memory_space<hbm>> -> memref<200x32xf32, #tpu.memory_space<hbm>>
      %dma_start3A_880 = arith.constant 800 : i32
      %dma_start3A_881 = arith.constant 0 : i32
      %dma_start3A_882 = tpu.memref_slice %arg7[%dma_start3A_880, %dma_start3A_881] : memref<1600x32xf32, #tpu.memory_space<vmem>> -> memref<200x32xf32, #tpu.memory_space<vmem>>
      tpu.enqueue_dma source(%dma_start3A_882 : memref<200x32xf32, #tpu.memory_space<vmem>>) target(%dma_start3A_879 : memref<200x32xf32, #tpu.memory_space<hbm>>) target_semaphore(%arg11 : memref<!tpu.dma_semaphore, #tpu.memory_space<semaphore_mem>>)
      %mul3A_883 = arith.constant 8 : i32
      %mul3A_884 = arith.muli %mul3A_460, %mul3A_883 : i32
      %add3A_885 = arith.addi %mul3A_2, %mul3A_884 : i32
      %add3A_886 = arith.constant 5 : i32
      %add3A_887 = arith.addi %add3A_885, %add3A_886 : i32
      %dma_start3A_888 = arith.constant 1000 : i32
      %dma_start3A_889 = arith.constant 0 : i32
      %dma_start3A_890 = tpu.memref_slice %arg7[%dma_start3A_888, %dma_start3A_889] : memref<1600x32xf32, #tpu.memory_space<vmem>> -> memref<200x32xf32, #tpu.memory_space<vmem>>
      %dma_start3A_891 = arith.constant 0 : i32
      %dma_start3A_892 = arith.constant 0 : i32
      %dma_start3A_893 = tpu.memref_slice %arg4[%add3A_887, %dma_start3A_891, %dma_start3A_892] : memref<16384x200x32xf32, #tpu.memory_space<hbm>> -> memref<1x200x32xf32, #tpu.memory_space<hbm>>
      %dma_start3A_894 = tpu.memref_squeeze %dma_start3A_893 : memref<1x200x32xf32, #tpu.memory_space<hbm>> -> memref<200x32xf32, #tpu.memory_space<hbm>>
      %dma_start3A_895 = arith.constant 0 : i32
      %dma_start3A_896 = arith.constant 0 : i32
      %dma_start3A_897 = tpu.memref_slice %arg4[%add3A_887, %dma_start3A_895, %dma_start3A_896] : memref<16384x200x32xf32, #tpu.memory_space<hbm>> -> memref<1x200x32xf32, #tpu.memory_space<hbm>>
      %dma_start3A_898 = tpu.memref_squeeze %dma_start3A_897 : memref<1x200x32xf32, #tpu.memory_space<hbm>> -> memref<200x32xf32, #tpu.memory_space<hbm>>
      %dma_start3A_899 = arith.constant 1000 : i32
      %dma_start3A_900 = arith.constant 0 : i32
      %dma_start3A_901 = tpu.memref_slice %arg7[%dma_start3A_899, %dma_start3A_900] : memref<1600x32xf32, #tpu.memory_space<vmem>> -> memref<200x32xf32, #tpu.memory_space<vmem>>
      tpu.enqueue_dma source(%dma_start3A_901 : memref<200x32xf32, #tpu.memory_space<vmem>>) target(%dma_start3A_898 : memref<200x32xf32, #tpu.memory_space<hbm>>) target_semaphore(%arg11 : memref<!tpu.dma_semaphore, #tpu.memory_space<semaphore_mem>>)
      %mul3A_902 = arith.constant 8 : i32
      %mul3A_903 = arith.muli %mul3A_460, %mul3A_902 : i32
      %add3A_904 = arith.addi %mul3A_2, %mul3A_903 : i32
      %add3A_905 = arith.constant 6 : i32
      %add3A_906 = arith.addi %add3A_904, %add3A_905 : i32
      %dma_start3A_907 = arith.constant 1200 : i32
      %dma_start3A_908 = arith.constant 0 : i32
      %dma_start3A_909 = tpu.memref_slice %arg7[%dma_start3A_907, %dma_start3A_908] : memref<1600x32xf32, #tpu.memory_space<vmem>> -> memref<200x32xf32, #tpu.memory_space<vmem>>
      %dma_start3A_910 = arith.constant 0 : i32
      %dma_start3A_911 = arith.constant 0 : i32
      %dma_start3A_912 = tpu.memref_slice %arg4[%add3A_906, %dma_start3A_910, %dma_start3A_911] : memref<16384x200x32xf32, #tpu.memory_space<hbm>> -> memref<1x200x32xf32, #tpu.memory_space<hbm>>
      %dma_start3A_913 = tpu.memref_squeeze %dma_start3A_912 : memref<1x200x32xf32, #tpu.memory_space<hbm>> -> memref<200x32xf32, #tpu.memory_space<hbm>>
      %dma_start3A_914 = arith.constant 0 : i32
      %dma_start3A_915 = arith.constant 0 : i32
      %dma_start3A_916 = tpu.memref_slice %arg4[%add3A_906, %dma_start3A_914, %dma_start3A_915] : memref<16384x200x32xf32, #tpu.memory_space<hbm>> -> memref<1x200x32xf32, #tpu.memory_space<hbm>>
      %dma_start3A_917 = tpu.memref_squeeze %dma_start3A_916 : memref<1x200x32xf32, #tpu.memory_space<hbm>> -> memref<200x32xf32, #tpu.memory_space<hbm>>
      %dma_start3A_918 = arith.constant 1200 : i32
      %dma_start3A_919 = arith.constant 0 : i32
      %dma_start3A_920 = tpu.memref_slice %arg7[%dma_start3A_918, %dma_start3A_919] : memref<1600x32xf32, #tpu.memory_space<vmem>> -> memref<200x32xf32, #tpu.memory_space<vmem>>
      tpu.enqueue_dma source(%dma_start3A_920 : memref<200x32xf32, #tpu.memory_space<vmem>>) target(%dma_start3A_917 : memref<200x32xf32, #tpu.memory_space<hbm>>) target_semaphore(%arg11 : memref<!tpu.dma_semaphore, #tpu.memory_space<semaphore_mem>>)
      %mul3A_921 = arith.constant 8 : i32
      %mul3A_922 = arith.muli %mul3A_460, %mul3A_921 : i32
      %add3A_923 = arith.addi %mul3A_2, %mul3A_922 : i32
      %add3A_924 = arith.constant 7 : i32
      %add3A_925 = arith.addi %add3A_923, %add3A_924 : i32
      %dma_start3A_926 = arith.constant 1400 : i32
      %dma_start3A_927 = arith.constant 0 : i32
      %dma_start3A_928 = tpu.memref_slice %arg7[%dma_start3A_926, %dma_start3A_927] : memref<1600x32xf32, #tpu.memory_space<vmem>> -> memref<200x32xf32, #tpu.memory_space<vmem>>
      %dma_start3A_929 = arith.constant 0 : i32
      %dma_start3A_930 = arith.constant 0 : i32
      %dma_start3A_931 = tpu.memref_slice %arg4[%add3A_925, %dma_start3A_929, %dma_start3A_930] : memref<16384x200x32xf32, #tpu.memory_space<hbm>> -> memref<1x200x32xf32, #tpu.memory_space<hbm>>
      %dma_start3A_932 = tpu.memref_squeeze %dma_start3A_931 : memref<1x200x32xf32, #tpu.memory_space<hbm>> -> memref<200x32xf32, #tpu.memory_space<hbm>>
      %dma_start3A_933 = arith.constant 0 : i32
      %dma_start3A_934 = arith.constant 0 : i32
      %dma_start3A_935 = tpu.memref_slice %arg4[%add3A_925, %dma_start3A_933, %dma_start3A_934] : memref<16384x200x32xf32, #tpu.memory_space<hbm>> -> memref<1x200x32xf32, #tpu.memory_space<hbm>>
      %dma_start3A_936 = tpu.memref_squeeze %dma_start3A_935 : memref<1x200x32xf32, #tpu.memory_space<hbm>> -> memref<200x32xf32, #tpu.memory_space<hbm>>
      %dma_start3A_937 = arith.constant 1400 : i32
      %dma_start3A_938 = arith.constant 0 : i32
      %dma_start3A_939 = tpu.memref_slice %arg7[%dma_start3A_937, %dma_start3A_938] : memref<1600x32xf32, #tpu.memory_space<vmem>> -> memref<200x32xf32, #tpu.memory_space<vmem>>
      tpu.enqueue_dma source(%dma_start3A_939 : memref<200x32xf32, #tpu.memory_space<vmem>>) target(%dma_start3A_936 : memref<200x32xf32, #tpu.memory_space<hbm>>) target_semaphore(%arg11 : memref<!tpu.dma_semaphore, #tpu.memory_space<semaphore_mem>>)
      %lt3A = arith.constant 31 : i32
      %lt3A_940 = arith.cmpi slt, %scan3A_458, %lt3A : i32
      %convert_element_type3A_941 = arith.extui %lt3A_940 : i1 to i32
      %cond3A_942 = arith.constant 0 : i32
      %cond3A_943 = arith.cmpi ne, %convert_element_type3A_941, %cond3A_942 : i32
      scf.if %cond3A_943 {
        %mul3A_1256 = arith.constant 8 : i32
        %mul3A_1257 = arith.muli %mul3A_460, %mul3A_1256 : i32
        %add3A_1258 = arith.addi %mul3A_2, %mul3A_1257 : i32
        %add3A_1259 = arith.constant 0 : i32
        %add3A_1260 = arith.addi %add3A_1258, %add3A_1259 : i32
        %dma_wait3A_1261 = arith.constant 0 : i32
        %dma_wait3A_1262 = arith.constant 0 : i32
        %dma_wait3A_1263 = tpu.memref_slice %arg7[%dma_wait3A_1261, %dma_wait3A_1262] : memref<1600x32xf32, #tpu.memory_space<vmem>> -> memref<200x32xf32, #tpu.memory_space<vmem>>
        %dma_wait3A_1264 = arith.constant 0 : i32
        %dma_wait3A_1265 = arith.constant 0 : i32
        %dma_wait3A_1266 = tpu.memref_slice %arg4[%add3A_1260, %dma_wait3A_1264, %dma_wait3A_1265] : memref<16384x200x32xf32, #tpu.memory_space<hbm>> -> memref<1x200x32xf32, #tpu.memory_space<hbm>>
        %dma_wait3A_1267 = tpu.memref_squeeze %dma_wait3A_1266 : memref<1x200x32xf32, #tpu.memory_space<hbm>> -> memref<200x32xf32, #tpu.memory_space<hbm>>
        %dma_wait3A_1268 = arith.constant 0 : i32
        %dma_wait3A_1269 = arith.constant 0 : i32
        %dma_wait3A_1270 = tpu.memref_slice %arg4[%add3A_1260, %dma_wait3A_1268, %dma_wait3A_1269] : memref<16384x200x32xf32, #tpu.memory_space<hbm>> -> memref<1x200x32xf32, #tpu.memory_space<hbm>>
        %dma_wait3A_1271 = tpu.memref_squeeze %dma_wait3A_1270 : memref<1x200x32xf32, #tpu.memory_space<hbm>> -> memref<200x32xf32, #tpu.memory_space<hbm>>
        %dma_wait3A_1272 = arith.constant 0 : i32
        %dma_wait3A_1273 = arith.constant 0 : i32
        %dma_wait3A_1274 = tpu.memref_slice %arg7[%dma_wait3A_1272, %dma_wait3A_1273] : memref<1600x32xf32, #tpu.memory_space<vmem>> -> memref<200x32xf32, #tpu.memory_space<vmem>>
        tpu.wait_dma2 semaphore(%arg11 : memref<!tpu.dma_semaphore, #tpu.memory_space<semaphore_mem>>) src(%dma_wait3A_1274 : memref<200x32xf32, #tpu.memory_space<vmem>>) dst(%dma_wait3A_1271 : memref<200x32xf32, #tpu.memory_space<hbm>>)
        %mul3A_1275 = arith.constant 8 : i32
        %mul3A_1276 = arith.muli %mul3A_460, %mul3A_1275 : i32
        %add3A_1277 = arith.addi %mul3A_2, %mul3A_1276 : i32
        %add3A_1278 = arith.constant 1 : i32
        %add3A_1279 = arith.addi %add3A_1277, %add3A_1278 : i32
        %dma_wait3A_1280 = arith.constant 200 : i32
        %dma_wait3A_1281 = arith.constant 0 : i32
        %dma_wait3A_1282 = tpu.memref_slice %arg7[%dma_wait3A_1280, %dma_wait3A_1281] : memref<1600x32xf32, #tpu.memory_space<vmem>> -> memref<200x32xf32, #tpu.memory_space<vmem>>
        %dma_wait3A_1283 = arith.constant 0 : i32
        %dma_wait3A_1284 = arith.constant 0 : i32
        %dma_wait3A_1285 = tpu.memref_slice %arg4[%add3A_1279, %dma_wait3A_1283, %dma_wait3A_1284] : memref<16384x200x32xf32, #tpu.memory_space<hbm>> -> memref<1x200x32xf32, #tpu.memory_space<hbm>>
        %dma_wait3A_1286 = tpu.memref_squeeze %dma_wait3A_1285 : memref<1x200x32xf32, #tpu.memory_space<hbm>> -> memref<200x32xf32, #tpu.memory_space<hbm>>
        %dma_wait3A_1287 = arith.constant 0 : i32
        %dma_wait3A_1288 = arith.constant 0 : i32
        %dma_wait3A_1289 = tpu.memref_slice %arg4[%add3A_1279, %dma_wait3A_1287, %dma_wait3A_1288] : memref<16384x200x32xf32, #tpu.memory_space<hbm>> -> memref<1x200x32xf32, #tpu.memory_space<hbm>>
        %dma_wait3A_1290 = tpu.memref_squeeze %dma_wait3A_1289 : memref<1x200x32xf32, #tpu.memory_space<hbm>> -> memref<200x32xf32, #tpu.memory_space<hbm>>
        %dma_wait3A_1291 = arith.constant 200 : i32
        %dma_wait3A_1292 = arith.constant 0 : i32
        %dma_wait3A_1293 = tpu.memref_slice %arg7[%dma_wait3A_1291, %dma_wait3A_1292] : memref<1600x32xf32, #tpu.memory_space<vmem>> -> memref<200x32xf32, #tpu.memory_space<vmem>>
        tpu.wait_dma2 semaphore(%arg11 : memref<!tpu.dma_semaphore, #tpu.memory_space<semaphore_mem>>) src(%dma_wait3A_1293 : memref<200x32xf32, #tpu.memory_space<vmem>>) dst(%dma_wait3A_1290 : memref<200x32xf32, #tpu.memory_space<hbm>>)
        %mul3A_1294 = arith.constant 8 : i32
        %mul3A_1295 = arith.muli %mul3A_460, %mul3A_1294 : i32
        %add3A_1296 = arith.addi %mul3A_2, %mul3A_1295 : i32
        %add3A_1297 = arith.constant 2 : i32
        %add3A_1298 = arith.addi %add3A_1296, %add3A_1297 : i32
        %dma_wait3A_1299 = arith.constant 400 : i32
        %dma_wait3A_1300 = arith.constant 0 : i32
        %dma_wait3A_1301 = tpu.memref_slice %arg7[%dma_wait3A_1299, %dma_wait3A_1300] : memref<1600x32xf32, #tpu.memory_space<vmem>> -> memref<200x32xf32, #tpu.memory_space<vmem>>
        %dma_wait3A_1302 = arith.constant 0 : i32
        %dma_wait3A_1303 = arith.constant 0 : i32
        %dma_wait3A_1304 = tpu.memref_slice %arg4[%add3A_1298, %dma_wait3A_1302, %dma_wait3A_1303] : memref<16384x200x32xf32, #tpu.memory_space<hbm>> -> memref<1x200x32xf32, #tpu.memory_space<hbm>>
        %dma_wait3A_1305 = tpu.memref_squeeze %dma_wait3A_1304 : memref<1x200x32xf32, #tpu.memory_space<hbm>> -> memref<200x32xf32, #tpu.memory_space<hbm>>
        %dma_wait3A_1306 = arith.constant 0 : i32
        %dma_wait3A_1307 = arith.constant 0 : i32
        %dma_wait3A_1308 = tpu.memref_slice %arg4[%add3A_1298, %dma_wait3A_1306, %dma_wait3A_1307] : memref<16384x200x32xf32, #tpu.memory_space<hbm>> -> memref<1x200x32xf32, #tpu.memory_space<hbm>>
        %dma_wait3A_1309 = tpu.memref_squeeze %dma_wait3A_1308 : memref<1x200x32xf32, #tpu.memory_space<hbm>> -> memref<200x32xf32, #tpu.memory_space<hbm>>
        %dma_wait3A_1310 = arith.constant 400 : i32
        %dma_wait3A_1311 = arith.constant 0 : i32
        %dma_wait3A_1312 = tpu.memref_slice %arg7[%dma_wait3A_1310, %dma_wait3A_1311] : memref<1600x32xf32, #tpu.memory_space<vmem>> -> memref<200x32xf32, #tpu.memory_space<vmem>>
        tpu.wait_dma2 semaphore(%arg11 : memref<!tpu.dma_semaphore, #tpu.memory_space<semaphore_mem>>) src(%dma_wait3A_1312 : memref<200x32xf32, #tpu.memory_space<vmem>>) dst(%dma_wait3A_1309 : memref<200x32xf32, #tpu.memory_space<hbm>>)
        %mul3A_1313 = arith.constant 8 : i32
        %mul3A_1314 = arith.muli %mul3A_460, %mul3A_1313 : i32
        %add3A_1315 = arith.addi %mul3A_2, %mul3A_1314 : i32
        %add3A_1316 = arith.constant 3 : i32
        %add3A_1317 = arith.addi %add3A_1315, %add3A_1316 : i32
        %dma_wait3A_1318 = arith.constant 600 : i32
        %dma_wait3A_1319 = arith.constant 0 : i32
        %dma_wait3A_1320 = tpu.memref_slice %arg7[%dma_wait3A_1318, %dma_wait3A_1319] : memref<1600x32xf32, #tpu.memory_space<vmem>> -> memref<200x32xf32, #tpu.memory_space<vmem>>
        %dma_wait3A_1321 = arith.constant 0 : i32
        %dma_wait3A_1322 = arith.constant 0 : i32
        %dma_wait3A_1323 = tpu.memref_slice %arg4[%add3A_1317, %dma_wait3A_1321, %dma_wait3A_1322] : memref<16384x200x32xf32, #tpu.memory_space<hbm>> -> memref<1x200x32xf32, #tpu.memory_space<hbm>>
        %dma_wait3A_1324 = tpu.memref_squeeze %dma_wait3A_1323 : memref<1x200x32xf32, #tpu.memory_space<hbm>> -> memref<200x32xf32, #tpu.memory_space<hbm>>
        %dma_wait3A_1325 = arith.constant 0 : i32
        %dma_wait3A_1326 = arith.constant 0 : i32
        %dma_wait3A_1327 = tpu.memref_slice %arg4[%add3A_1317, %dma_wait3A_1325, %dma_wait3A_1326] : memref<16384x200x32xf32, #tpu.memory_space<hbm>> -> memref<1x200x32xf32, #tpu.memory_space<hbm>>
        %dma_wait3A_1328 = tpu.memref_squeeze %dma_wait3A_1327 : memref<1x200x32xf32, #tpu.memory_space<hbm>> -> memref<200x32xf32, #tpu.memory_space<hbm>>
        %dma_wait3A_1329 = arith.constant 600 : i32
        %dma_wait3A_1330 = arith.constant 0 : i32
        %dma_wait3A_1331 = tpu.memref_slice %arg7[%dma_wait3A_1329, %dma_wait3A_1330] : memref<1600x32xf32, #tpu.memory_space<vmem>> -> memref<200x32xf32, #tpu.memory_space<vmem>>
        tpu.wait_dma2 semaphore(%arg11 : memref<!tpu.dma_semaphore, #tpu.memory_space<semaphore_mem>>) src(%dma_wait3A_1331 : memref<200x32xf32, #tpu.memory_space<vmem>>) dst(%dma_wait3A_1328 : memref<200x32xf32, #tpu.memory_space<hbm>>)
        %mul3A_1332 = arith.constant 8 : i32
        %mul3A_1333 = arith.muli %mul3A_460, %mul3A_1332 : i32
        %add3A_1334 = arith.addi %mul3A_2, %mul3A_1333 : i32
        %add3A_1335 = arith.constant 4 : i32
        %add3A_1336 = arith.addi %add3A_1334, %add3A_1335 : i32
        %dma_wait3A_1337 = arith.constant 800 : i32
        %dma_wait3A_1338 = arith.constant 0 : i32
        %dma_wait3A_1339 = tpu.memref_slice %arg7[%dma_wait3A_1337, %dma_wait3A_1338] : memref<1600x32xf32, #tpu.memory_space<vmem>> -> memref<200x32xf32, #tpu.memory_space<vmem>>
        %dma_wait3A_1340 = arith.constant 0 : i32
        %dma_wait3A_1341 = arith.constant 0 : i32
        %dma_wait3A_1342 = tpu.memref_slice %arg4[%add3A_1336, %dma_wait3A_1340, %dma_wait3A_1341] : memref<16384x200x32xf32, #tpu.memory_space<hbm>> -> memref<1x200x32xf32, #tpu.memory_space<hbm>>
        %dma_wait3A_1343 = tpu.memref_squeeze %dma_wait3A_1342 : memref<1x200x32xf32, #tpu.memory_space<hbm>> -> memref<200x32xf32, #tpu.memory_space<hbm>>
        %dma_wait3A_1344 = arith.constant 0 : i32
        %dma_wait3A_1345 = arith.constant 0 : i32
        %dma_wait3A_1346 = tpu.memref_slice %arg4[%add3A_1336, %dma_wait3A_1344, %dma_wait3A_1345] : memref<16384x200x32xf32, #tpu.memory_space<hbm>> -> memref<1x200x32xf32, #tpu.memory_space<hbm>>
        %dma_wait3A_1347 = tpu.memref_squeeze %dma_wait3A_1346 : memref<1x200x32xf32, #tpu.memory_space<hbm>> -> memref<200x32xf32, #tpu.memory_space<hbm>>
        %dma_wait3A_1348 = arith.constant 800 : i32
        %dma_wait3A_1349 = arith.constant 0 : i32
        %dma_wait3A_1350 = tpu.memref_slice %arg7[%dma_wait3A_1348, %dma_wait3A_1349] : memref<1600x32xf32, #tpu.memory_space<vmem>> -> memref<200x32xf32, #tpu.memory_space<vmem>>
        tpu.wait_dma2 semaphore(%arg11 : memref<!tpu.dma_semaphore, #tpu.memory_space<semaphore_mem>>) src(%dma_wait3A_1350 : memref<200x32xf32, #tpu.memory_space<vmem>>) dst(%dma_wait3A_1347 : memref<200x32xf32, #tpu.memory_space<hbm>>)
        %mul3A_1351 = arith.constant 8 : i32
        %mul3A_1352 = arith.muli %mul3A_460, %mul3A_1351 : i32
        %add3A_1353 = arith.addi %mul3A_2, %mul3A_1352 : i32
        %add3A_1354 = arith.constant 5 : i32
        %add3A_1355 = arith.addi %add3A_1353, %add3A_1354 : i32
        %dma_wait3A_1356 = arith.constant 1000 : i32
        %dma_wait3A_1357 = arith.constant 0 : i32
        %dma_wait3A_1358 = tpu.memref_slice %arg7[%dma_wait3A_1356, %dma_wait3A_1357] : memref<1600x32xf32, #tpu.memory_space<vmem>> -> memref<200x32xf32, #tpu.memory_space<vmem>>
        %dma_wait3A_1359 = arith.constant 0 : i32
        %dma_wait3A_1360 = arith.constant 0 : i32
        %dma_wait3A_1361 = tpu.memref_slice %arg4[%add3A_1355, %dma_wait3A_1359, %dma_wait3A_1360] : memref<16384x200x32xf32, #tpu.memory_space<hbm>> -> memref<1x200x32xf32, #tpu.memory_space<hbm>>
        %dma_wait3A_1362 = tpu.memref_squeeze %dma_wait3A_1361 : memref<1x200x32xf32, #tpu.memory_space<hbm>> -> memref<200x32xf32, #tpu.memory_space<hbm>>
        %dma_wait3A_1363 = arith.constant 0 : i32
        %dma_wait3A_1364 = arith.constant 0 : i32
        %dma_wait3A_1365 = tpu.memref_slice %arg4[%add3A_1355, %dma_wait3A_1363, %dma_wait3A_1364] : memref<16384x200x32xf32, #tpu.memory_space<hbm>> -> memref<1x200x32xf32, #tpu.memory_space<hbm>>
        %dma_wait3A_1366 = tpu.memref_squeeze %dma_wait3A_1365 : memref<1x200x32xf32, #tpu.memory_space<hbm>> -> memref<200x32xf32, #tpu.memory_space<hbm>>
        %dma_wait3A_1367 = arith.constant 1000 : i32
        %dma_wait3A_1368 = arith.constant 0 : i32
        %dma_wait3A_1369 = tpu.memref_slice %arg7[%dma_wait3A_1367, %dma_wait3A_1368] : memref<1600x32xf32, #tpu.memory_space<vmem>> -> memref<200x32xf32, #tpu.memory_space<vmem>>
        tpu.wait_dma2 semaphore(%arg11 : memref<!tpu.dma_semaphore, #tpu.memory_space<semaphore_mem>>) src(%dma_wait3A_1369 : memref<200x32xf32, #tpu.memory_space<vmem>>) dst(%dma_wait3A_1366 : memref<200x32xf32, #tpu.memory_space<hbm>>)
        %mul3A_1370 = arith.constant 8 : i32
        %mul3A_1371 = arith.muli %mul3A_460, %mul3A_1370 : i32
        %add3A_1372 = arith.addi %mul3A_2, %mul3A_1371 : i32
        %add3A_1373 = arith.constant 6 : i32
        %add3A_1374 = arith.addi %add3A_1372, %add3A_1373 : i32
        %dma_wait3A_1375 = arith.constant 1200 : i32
        %dma_wait3A_1376 = arith.constant 0 : i32
        %dma_wait3A_1377 = tpu.memref_slice %arg7[%dma_wait3A_1375, %dma_wait3A_1376] : memref<1600x32xf32, #tpu.memory_space<vmem>> -> memref<200x32xf32, #tpu.memory_space<vmem>>
        %dma_wait3A_1378 = arith.constant 0 : i32
        %dma_wait3A_1379 = arith.constant 0 : i32
        %dma_wait3A_1380 = tpu.memref_slice %arg4[%add3A_1374, %dma_wait3A_1378, %dma_wait3A_1379] : memref<16384x200x32xf32, #tpu.memory_space<hbm>> -> memref<1x200x32xf32, #tpu.memory_space<hbm>>
        %dma_wait3A_1381 = tpu.memref_squeeze %dma_wait3A_1380 : memref<1x200x32xf32, #tpu.memory_space<hbm>> -> memref<200x32xf32, #tpu.memory_space<hbm>>
        %dma_wait3A_1382 = arith.constant 0 : i32
        %dma_wait3A_1383 = arith.constant 0 : i32
        %dma_wait3A_1384 = tpu.memref_slice %arg4[%add3A_1374, %dma_wait3A_1382, %dma_wait3A_1383] : memref<16384x200x32xf32, #tpu.memory_space<hbm>> -> memref<1x200x32xf32, #tpu.memory_space<hbm>>
        %dma_wait3A_1385 = tpu.memref_squeeze %dma_wait3A_1384 : memref<1x200x32xf32, #tpu.memory_space<hbm>> -> memref<200x32xf32, #tpu.memory_space<hbm>>
        %dma_wait3A_1386 = arith.constant 1200 : i32
        %dma_wait3A_1387 = arith.constant 0 : i32
        %dma_wait3A_1388 = tpu.memref_slice %arg7[%dma_wait3A_1386, %dma_wait3A_1387] : memref<1600x32xf32, #tpu.memory_space<vmem>> -> memref<200x32xf32, #tpu.memory_space<vmem>>
        tpu.wait_dma2 semaphore(%arg11 : memref<!tpu.dma_semaphore, #tpu.memory_space<semaphore_mem>>) src(%dma_wait3A_1388 : memref<200x32xf32, #tpu.memory_space<vmem>>) dst(%dma_wait3A_1385 : memref<200x32xf32, #tpu.memory_space<hbm>>)
        %mul3A_1389 = arith.constant 8 : i32
        %mul3A_1390 = arith.muli %mul3A_460, %mul3A_1389 : i32
        %add3A_1391 = arith.addi %mul3A_2, %mul3A_1390 : i32
        %add3A_1392 = arith.constant 7 : i32
        %add3A_1393 = arith.addi %add3A_1391, %add3A_1392 : i32
        %dma_wait3A_1394 = arith.constant 1400 : i32
        %dma_wait3A_1395 = arith.constant 0 : i32
        %dma_wait3A_1396 = tpu.memref_slice %arg7[%dma_wait3A_1394, %dma_wait3A_1395] : memref<1600x32xf32, #tpu.memory_space<vmem>> -> memref<200x32xf32, #tpu.memory_space<vmem>>
        %dma_wait3A_1397 = arith.constant 0 : i32
        %dma_wait3A_1398 = arith.constant 0 : i32
        %dma_wait3A_1399 = tpu.memref_slice %arg4[%add3A_1393, %dma_wait3A_1397, %dma_wait3A_1398] : memref<16384x200x32xf32, #tpu.memory_space<hbm>> -> memref<1x200x32xf32, #tpu.memory_space<hbm>>
        %dma_wait3A_1400 = tpu.memref_squeeze %dma_wait3A_1399 : memref<1x200x32xf32, #tpu.memory_space<hbm>> -> memref<200x32xf32, #tpu.memory_space<hbm>>
        %dma_wait3A_1401 = arith.constant 0 : i32
        %dma_wait3A_1402 = arith.constant 0 : i32
        %dma_wait3A_1403 = tpu.memref_slice %arg4[%add3A_1393, %dma_wait3A_1401, %dma_wait3A_1402] : memref<16384x200x32xf32, #tpu.memory_space<hbm>> -> memref<1x200x32xf32, #tpu.memory_space<hbm>>
        %dma_wait3A_1404 = tpu.memref_squeeze %dma_wait3A_1403 : memref<1x200x32xf32, #tpu.memory_space<hbm>> -> memref<200x32xf32, #tpu.memory_space<hbm>>
        %dma_wait3A_1405 = arith.constant 1400 : i32
        %dma_wait3A_1406 = arith.constant 0 : i32
        %dma_wait3A_1407 = tpu.memref_slice %arg7[%dma_wait3A_1405, %dma_wait3A_1406] : memref<1600x32xf32, #tpu.memory_space<vmem>> -> memref<200x32xf32, #tpu.memory_space<vmem>>
        tpu.wait_dma2 semaphore(%arg11 : memref<!tpu.dma_semaphore, #tpu.memory_space<semaphore_mem>>) src(%dma_wait3A_1407 : memref<200x32xf32, #tpu.memory_space<vmem>>) dst(%dma_wait3A_1404 : memref<200x32xf32, #tpu.memory_space<hbm>>)
        %add3A_1408 = arith.constant 2 : i32
        %add3A_1409 = arith.addi %mul3A_460, %add3A_1408 : i32
        %mul3A_1410 = arith.constant 16 : i32
        %mul3A_1411 = arith.muli %add3A_1409, %mul3A_1410 : i32
        %add3A_1412 = arith.addi %mul3A_4, %mul3A_1411 : i32
        "tpu.region"() ({
          %run_scoped3A = tpu.sem_alloc : memref<!tpu.dma_semaphore, #tpu.memory_space<semaphore_mem>>
          %dma_start3A_1573 = arith.constant 0 : i32
          %dma_start3A_1574 = tpu.memref_slice %arg2[%add3A_1412, %dma_start3A_1573] : memref<32768x100xi32, #tpu.memory_space<hbm>> -> memref<16x100xi32, #tpu.memory_space<hbm>>
          %dma_start3A_1575 = arith.constant 0 : i32
          %dma_start3A_1576 = tpu.memref_slice %arg2[%add3A_1412, %dma_start3A_1575] : memref<32768x100xi32, #tpu.memory_space<hbm>> -> memref<16x100xi32, #tpu.memory_space<hbm>>
          tpu.enqueue_dma source(%dma_start3A_1576 : memref<16x100xi32, #tpu.memory_space<hbm>>) target(%arg5 : memref<16x100xi32, #tpu.memory_space<vmem>>) target_semaphore(%run_scoped3A : memref<!tpu.dma_semaphore, #tpu.memory_space<semaphore_mem>>)
          %dma_wait3A_1577 = arith.constant 0 : i32
          %dma_wait3A_1578 = tpu.memref_slice %arg2[%add3A_1412, %dma_wait3A_1577] : memref<32768x100xi32, #tpu.memory_space<hbm>> -> memref<16x100xi32, #tpu.memory_space<hbm>>
          %dma_wait3A_1579 = arith.constant 0 : i32
          %dma_wait3A_1580 = tpu.memref_slice %arg2[%add3A_1412, %dma_wait3A_1579] : memref<32768x100xi32, #tpu.memory_space<hbm>> -> memref<16x100xi32, #tpu.memory_space<hbm>>
          tpu.wait_dma2 semaphore(%run_scoped3A : memref<!tpu.dma_semaphore, #tpu.memory_space<semaphore_mem>>) src(%dma_wait3A_1580 : memref<16x100xi32, #tpu.memory_space<hbm>>) dst(%arg5 : memref<16x100xi32, #tpu.memory_space<vmem>>)
          tpu.yield
        }) : () -> ()
        %dma_start3A_1413 = arith.constant 0 : i32
        %dma_start3A_1414 = arith.constant 0 : i32
        %dma_start3A_1415 = arith.constant 0 : i32
        %dma_start3A_1416 = tpu.memref_slice %arg7[%dma_start3A_1414, %dma_start3A_1415] : memref<1600x32xf32, #tpu.memory_space<vmem>> -> memref<100x32xf32, #tpu.memory_space<vmem>>
        %dma_start3A_1417 = arith.constant 0 : i32
        %dma_start3A_1418 = tpu.memref_slice %arg5[%dma_start3A_1413, %dma_start3A_1417] : memref<16x100xi32, #tpu.memory_space<vmem>> -> memref<1x100xi32, #tpu.memory_space<vmem>>
        %dma_start3A_1419 = tpu.memref_squeeze %dma_start3A_1418 : memref<1x100xi32, #tpu.memory_space<vmem>> -> memref<100xi32, #tpu.memory_space<vmem>>
        %dma_start3A_1420 = arith.constant 0 : i32
        %dma_start3A_1421 = arith.constant 0 : i32
        %dma_start3A_1422 = tpu.memref_slice %arg3[%dma_start3A_1420, %dma_start3A_1421] : memref<1000000x32xf32, #tpu.memory_space<hbm>> -> memref<1000000x32xf32, #tpu.memory_space<hbm>>
        tpu.enqueue_indirect_dma source(%dma_start3A_1422 : memref<1000000x32xf32, #tpu.memory_space<hbm>>) target(%dma_start3A_1416 : memref<100x32xf32, #tpu.memory_space<vmem>>) offsets(%dma_start3A_1419 : memref<100xi32, #tpu.memory_space<vmem>>) semaphore(%arg9 : memref<!tpu.dma_semaphore, #tpu.memory_space<semaphore_mem>>)
        %dma_start3A_1423 = arith.constant 1 : i32
        %dma_start3A_1424 = arith.constant 100 : i32
        %dma_start3A_1425 = arith.constant 0 : i32
        %dma_start3A_1426 = tpu.memref_slice %arg7[%dma_start3A_1424, %dma_start3A_1425] : memref<1600x32xf32, #tpu.memory_space<vmem>> -> memref<100x32xf32, #tpu.memory_space<vmem>>
        %dma_start3A_1427 = arith.constant 0 : i32
        %dma_start3A_1428 = tpu.memref_slice %arg5[%dma_start3A_1423, %dma_start3A_1427] : memref<16x100xi32, #tpu.memory_space<vmem>> -> memref<1x100xi32, #tpu.memory_space<vmem>>
        %dma_start3A_1429 = tpu.memref_squeeze %dma_start3A_1428 : memref<1x100xi32, #tpu.memory_space<vmem>> -> memref<100xi32, #tpu.memory_space<vmem>>
        %dma_start3A_1430 = arith.constant 0 : i32
        %dma_start3A_1431 = arith.constant 0 : i32
        %dma_start3A_1432 = tpu.memref_slice %arg3[%dma_start3A_1430, %dma_start3A_1431] : memref<1000000x32xf32, #tpu.memory_space<hbm>> -> memref<1000000x32xf32, #tpu.memory_space<hbm>>
        tpu.enqueue_indirect_dma source(%dma_start3A_1432 : memref<1000000x32xf32, #tpu.memory_space<hbm>>) target(%dma_start3A_1426 : memref<100x32xf32, #tpu.memory_space<vmem>>) offsets(%dma_start3A_1429 : memref<100xi32, #tpu.memory_space<vmem>>) semaphore(%arg9 : memref<!tpu.dma_semaphore, #tpu.memory_space<semaphore_mem>>)
        %dma_start3A_1433 = arith.constant 2 : i32
        %dma_start3A_1434 = arith.constant 200 : i32
        %dma_start3A_1435 = arith.constant 0 : i32
        %dma_start3A_1436 = tpu.memref_slice %arg7[%dma_start3A_1434, %dma_start3A_1435] : memref<1600x32xf32, #tpu.memory_space<vmem>> -> memref<100x32xf32, #tpu.memory_space<vmem>>
        %dma_start3A_1437 = arith.constant 0 : i32
        %dma_start3A_1438 = tpu.memref_slice %arg5[%dma_start3A_1433, %dma_start3A_1437] : memref<16x100xi32, #tpu.memory_space<vmem>> -> memref<1x100xi32, #tpu.memory_space<vmem>>
        %dma_start3A_1439 = tpu.memref_squeeze %dma_start3A_1438 : memref<1x100xi32, #tpu.memory_space<vmem>> -> memref<100xi32, #tpu.memory_space<vmem>>
        %dma_start3A_1440 = arith.constant 0 : i32
        %dma_start3A_1441 = arith.constant 0 : i32
        %dma_start3A_1442 = tpu.memref_slice %arg3[%dma_start3A_1440, %dma_start3A_1441] : memref<1000000x32xf32, #tpu.memory_space<hbm>> -> memref<1000000x32xf32, #tpu.memory_space<hbm>>
        tpu.enqueue_indirect_dma source(%dma_start3A_1442 : memref<1000000x32xf32, #tpu.memory_space<hbm>>) target(%dma_start3A_1436 : memref<100x32xf32, #tpu.memory_space<vmem>>) offsets(%dma_start3A_1439 : memref<100xi32, #tpu.memory_space<vmem>>) semaphore(%arg9 : memref<!tpu.dma_semaphore, #tpu.memory_space<semaphore_mem>>)
        %dma_start3A_1443 = arith.constant 3 : i32
        %dma_start3A_1444 = arith.constant 300 : i32
        %dma_start3A_1445 = arith.constant 0 : i32
        %dma_start3A_1446 = tpu.memref_slice %arg7[%dma_start3A_1444, %dma_start3A_1445] : memref<1600x32xf32, #tpu.memory_space<vmem>> -> memref<100x32xf32, #tpu.memory_space<vmem>>
        %dma_start3A_1447 = arith.constant 0 : i32
        %dma_start3A_1448 = tpu.memref_slice %arg5[%dma_start3A_1443, %dma_start3A_1447] : memref<16x100xi32, #tpu.memory_space<vmem>> -> memref<1x100xi32, #tpu.memory_space<vmem>>
        %dma_start3A_1449 = tpu.memref_squeeze %dma_start3A_1448 : memref<1x100xi32, #tpu.memory_space<vmem>> -> memref<100xi32, #tpu.memory_space<vmem>>
        %dma_start3A_1450 = arith.constant 0 : i32
        %dma_start3A_1451 = arith.constant 0 : i32
        %dma_start3A_1452 = tpu.memref_slice %arg3[%dma_start3A_1450, %dma_start3A_1451] : memref<1000000x32xf32, #tpu.memory_space<hbm>> -> memref<1000000x32xf32, #tpu.memory_space<hbm>>
        tpu.enqueue_indirect_dma source(%dma_start3A_1452 : memref<1000000x32xf32, #tpu.memory_space<hbm>>) target(%dma_start3A_1446 : memref<100x32xf32, #tpu.memory_space<vmem>>) offsets(%dma_start3A_1449 : memref<100xi32, #tpu.memory_space<vmem>>) semaphore(%arg9 : memref<!tpu.dma_semaphore, #tpu.memory_space<semaphore_mem>>)
        %dma_start3A_1453 = arith.constant 4 : i32
        %dma_start3A_1454 = arith.constant 400 : i32
        %dma_start3A_1455 = arith.constant 0 : i32
        %dma_start3A_1456 = tpu.memref_slice %arg7[%dma_start3A_1454, %dma_start3A_1455] : memref<1600x32xf32, #tpu.memory_space<vmem>> -> memref<100x32xf32, #tpu.memory_space<vmem>>
        %dma_start3A_1457 = arith.constant 0 : i32
        %dma_start3A_1458 = tpu.memref_slice %arg5[%dma_start3A_1453, %dma_start3A_1457] : memref<16x100xi32, #tpu.memory_space<vmem>> -> memref<1x100xi32, #tpu.memory_space<vmem>>
        %dma_start3A_1459 = tpu.memref_squeeze %dma_start3A_1458 : memref<1x100xi32, #tpu.memory_space<vmem>> -> memref<100xi32, #tpu.memory_space<vmem>>
        %dma_start3A_1460 = arith.constant 0 : i32
        %dma_start3A_1461 = arith.constant 0 : i32
        %dma_start3A_1462 = tpu.memref_slice %arg3[%dma_start3A_1460, %dma_start3A_1461] : memref<1000000x32xf32, #tpu.memory_space<hbm>> -> memref<1000000x32xf32, #tpu.memory_space<hbm>>
        tpu.enqueue_indirect_dma source(%dma_start3A_1462 : memref<1000000x32xf32, #tpu.memory_space<hbm>>) target(%dma_start3A_1456 : memref<100x32xf32, #tpu.memory_space<vmem>>) offsets(%dma_start3A_1459 : memref<100xi32, #tpu.memory_space<vmem>>) semaphore(%arg9 : memref<!tpu.dma_semaphore, #tpu.memory_space<semaphore_mem>>)
        %dma_start3A_1463 = arith.constant 5 : i32
        %dma_start3A_1464 = arith.constant 500 : i32
        %dma_start3A_1465 = arith.constant 0 : i32
        %dma_start3A_1466 = tpu.memref_slice %arg7[%dma_start3A_1464, %dma_start3A_1465] : memref<1600x32xf32, #tpu.memory_space<vmem>> -> memref<100x32xf32, #tpu.memory_space<vmem>>
        %dma_start3A_1467 = arith.constant 0 : i32
        %dma_start3A_1468 = tpu.memref_slice %arg5[%dma_start3A_1463, %dma_start3A_1467] : memref<16x100xi32, #tpu.memory_space<vmem>> -> memref<1x100xi32, #tpu.memory_space<vmem>>
        %dma_start3A_1469 = tpu.memref_squeeze %dma_start3A_1468 : memref<1x100xi32, #tpu.memory_space<vmem>> -> memref<100xi32, #tpu.memory_space<vmem>>
        %dma_start3A_1470 = arith.constant 0 : i32
        %dma_start3A_1471 = arith.constant 0 : i32
        %dma_start3A_1472 = tpu.memref_slice %arg3[%dma_start3A_1470, %dma_start3A_1471] : memref<1000000x32xf32, #tpu.memory_space<hbm>> -> memref<1000000x32xf32, #tpu.memory_space<hbm>>
        tpu.enqueue_indirect_dma source(%dma_start3A_1472 : memref<1000000x32xf32, #tpu.memory_space<hbm>>) target(%dma_start3A_1466 : memref<100x32xf32, #tpu.memory_space<vmem>>) offsets(%dma_start3A_1469 : memref<100xi32, #tpu.memory_space<vmem>>) semaphore(%arg9 : memref<!tpu.dma_semaphore, #tpu.memory_space<semaphore_mem>>)
        %dma_start3A_1473 = arith.constant 6 : i32
        %dma_start3A_1474 = arith.constant 600 : i32
        %dma_start3A_1475 = arith.constant 0 : i32
        %dma_start3A_1476 = tpu.memref_slice %arg7[%dma_start3A_1474, %dma_start3A_1475] : memref<1600x32xf32, #tpu.memory_space<vmem>> -> memref<100x32xf32, #tpu.memory_space<vmem>>
        %dma_start3A_1477 = arith.constant 0 : i32
        %dma_start3A_1478 = tpu.memref_slice %arg5[%dma_start3A_1473, %dma_start3A_1477] : memref<16x100xi32, #tpu.memory_space<vmem>> -> memref<1x100xi32, #tpu.memory_space<vmem>>
        %dma_start3A_1479 = tpu.memref_squeeze %dma_start3A_1478 : memref<1x100xi32, #tpu.memory_space<vmem>> -> memref<100xi32, #tpu.memory_space<vmem>>
        %dma_start3A_1480 = arith.constant 0 : i32
        %dma_start3A_1481 = arith.constant 0 : i32
        %dma_start3A_1482 = tpu.memref_slice %arg3[%dma_start3A_1480, %dma_start3A_1481] : memref<1000000x32xf32, #tpu.memory_space<hbm>> -> memref<1000000x32xf32, #tpu.memory_space<hbm>>
        tpu.enqueue_indirect_dma source(%dma_start3A_1482 : memref<1000000x32xf32, #tpu.memory_space<hbm>>) target(%dma_start3A_1476 : memref<100x32xf32, #tpu.memory_space<vmem>>) offsets(%dma_start3A_1479 : memref<100xi32, #tpu.memory_space<vmem>>) semaphore(%arg9 : memref<!tpu.dma_semaphore, #tpu.memory_space<semaphore_mem>>)
        %dma_start3A_1483 = arith.constant 7 : i32
        %dma_start3A_1484 = arith.constant 700 : i32
        %dma_start3A_1485 = arith.constant 0 : i32
        %dma_start3A_1486 = tpu.memref_slice %arg7[%dma_start3A_1484, %dma_start3A_1485] : memref<1600x32xf32, #tpu.memory_space<vmem>> -> memref<100x32xf32, #tpu.memory_space<vmem>>
        %dma_start3A_1487 = arith.constant 0 : i32
        %dma_start3A_1488 = tpu.memref_slice %arg5[%dma_start3A_1483, %dma_start3A_1487] : memref<16x100xi32, #tpu.memory_space<vmem>> -> memref<1x100xi32, #tpu.memory_space<vmem>>
        %dma_start3A_1489 = tpu.memref_squeeze %dma_start3A_1488 : memref<1x100xi32, #tpu.memory_space<vmem>> -> memref<100xi32, #tpu.memory_space<vmem>>
        %dma_start3A_1490 = arith.constant 0 : i32
        %dma_start3A_1491 = arith.constant 0 : i32
        %dma_start3A_1492 = tpu.memref_slice %arg3[%dma_start3A_1490, %dma_start3A_1491] : memref<1000000x32xf32, #tpu.memory_space<hbm>> -> memref<1000000x32xf32, #tpu.memory_space<hbm>>
        tpu.enqueue_indirect_dma source(%dma_start3A_1492 : memref<1000000x32xf32, #tpu.memory_space<hbm>>) target(%dma_start3A_1486 : memref<100x32xf32, #tpu.memory_space<vmem>>) offsets(%dma_start3A_1489 : memref<100xi32, #tpu.memory_space<vmem>>) semaphore(%arg9 : memref<!tpu.dma_semaphore, #tpu.memory_space<semaphore_mem>>)
        %dma_start3A_1493 = arith.constant 8 : i32
        %dma_start3A_1494 = arith.constant 800 : i32
        %dma_start3A_1495 = arith.constant 0 : i32
        %dma_start3A_1496 = tpu.memref_slice %arg7[%dma_start3A_1494, %dma_start3A_1495] : memref<1600x32xf32, #tpu.memory_space<vmem>> -> memref<100x32xf32, #tpu.memory_space<vmem>>
        %dma_start3A_1497 = arith.constant 0 : i32
        %dma_start3A_1498 = tpu.memref_slice %arg5[%dma_start3A_1493, %dma_start3A_1497] : memref<16x100xi32, #tpu.memory_space<vmem>> -> memref<1x100xi32, #tpu.memory_space<vmem>>
        %dma_start3A_1499 = tpu.memref_squeeze %dma_start3A_1498 : memref<1x100xi32, #tpu.memory_space<vmem>> -> memref<100xi32, #tpu.memory_space<vmem>>
        %dma_start3A_1500 = arith.constant 0 : i32
        %dma_start3A_1501 = arith.constant 0 : i32
        %dma_start3A_1502 = tpu.memref_slice %arg3[%dma_start3A_1500, %dma_start3A_1501] : memref<1000000x32xf32, #tpu.memory_space<hbm>> -> memref<1000000x32xf32, #tpu.memory_space<hbm>>
        tpu.enqueue_indirect_dma source(%dma_start3A_1502 : memref<1000000x32xf32, #tpu.memory_space<hbm>>) target(%dma_start3A_1496 : memref<100x32xf32, #tpu.memory_space<vmem>>) offsets(%dma_start3A_1499 : memref<100xi32, #tpu.memory_space<vmem>>) semaphore(%arg9 : memref<!tpu.dma_semaphore, #tpu.memory_space<semaphore_mem>>)
        %dma_start3A_1503 = arith.constant 9 : i32
        %dma_start3A_1504 = arith.constant 900 : i32
        %dma_start3A_1505 = arith.constant 0 : i32
        %dma_start3A_1506 = tpu.memref_slice %arg7[%dma_start3A_1504, %dma_start3A_1505] : memref<1600x32xf32, #tpu.memory_space<vmem>> -> memref<100x32xf32, #tpu.memory_space<vmem>>
        %dma_start3A_1507 = arith.constant 0 : i32
        %dma_start3A_1508 = tpu.memref_slice %arg5[%dma_start3A_1503, %dma_start3A_1507] : memref<16x100xi32, #tpu.memory_space<vmem>> -> memref<1x100xi32, #tpu.memory_space<vmem>>
        %dma_start3A_1509 = tpu.memref_squeeze %dma_start3A_1508 : memref<1x100xi32, #tpu.memory_space<vmem>> -> memref<100xi32, #tpu.memory_space<vmem>>
        %dma_start3A_1510 = arith.constant 0 : i32
        %dma_start3A_1511 = arith.constant 0 : i32
        %dma_start3A_1512 = tpu.memref_slice %arg3[%dma_start3A_1510, %dma_start3A_1511] : memref<1000000x32xf32, #tpu.memory_space<hbm>> -> memref<1000000x32xf32, #tpu.memory_space<hbm>>
        tpu.enqueue_indirect_dma source(%dma_start3A_1512 : memref<1000000x32xf32, #tpu.memory_space<hbm>>) target(%dma_start3A_1506 : memref<100x32xf32, #tpu.memory_space<vmem>>) offsets(%dma_start3A_1509 : memref<100xi32, #tpu.memory_space<vmem>>) semaphore(%arg9 : memref<!tpu.dma_semaphore, #tpu.memory_space<semaphore_mem>>)
        %dma_start3A_1513 = arith.constant 10 : i32
        %dma_start3A_1514 = arith.constant 1000 : i32
        %dma_start3A_1515 = arith.constant 0 : i32
        %dma_start3A_1516 = tpu.memref_slice %arg7[%dma_start3A_1514, %dma_start3A_1515] : memref<1600x32xf32, #tpu.memory_space<vmem>> -> memref<100x32xf32, #tpu.memory_space<vmem>>
        %dma_start3A_1517 = arith.constant 0 : i32
        %dma_start3A_1518 = tpu.memref_slice %arg5[%dma_start3A_1513, %dma_start3A_1517] : memref<16x100xi32, #tpu.memory_space<vmem>> -> memref<1x100xi32, #tpu.memory_space<vmem>>
        %dma_start3A_1519 = tpu.memref_squeeze %dma_start3A_1518 : memref<1x100xi32, #tpu.memory_space<vmem>> -> memref<100xi32, #tpu.memory_space<vmem>>
        %dma_start3A_1520 = arith.constant 0 : i32
        %dma_start3A_1521 = arith.constant 0 : i32
        %dma_start3A_1522 = tpu.memref_slice %arg3[%dma_start3A_1520, %dma_start3A_1521] : memref<1000000x32xf32, #tpu.memory_space<hbm>> -> memref<1000000x32xf32, #tpu.memory_space<hbm>>
        tpu.enqueue_indirect_dma source(%dma_start3A_1522 : memref<1000000x32xf32, #tpu.memory_space<hbm>>) target(%dma_start3A_1516 : memref<100x32xf32, #tpu.memory_space<vmem>>) offsets(%dma_start3A_1519 : memref<100xi32, #tpu.memory_space<vmem>>) semaphore(%arg9 : memref<!tpu.dma_semaphore, #tpu.memory_space<semaphore_mem>>)
        %dma_start3A_1523 = arith.constant 11 : i32
        %dma_start3A_1524 = arith.constant 1100 : i32
        %dma_start3A_1525 = arith.constant 0 : i32
        %dma_start3A_1526 = tpu.memref_slice %arg7[%dma_start3A_1524, %dma_start3A_1525] : memref<1600x32xf32, #tpu.memory_space<vmem>> -> memref<100x32xf32, #tpu.memory_space<vmem>>
        %dma_start3A_1527 = arith.constant 0 : i32
        %dma_start3A_1528 = tpu.memref_slice %arg5[%dma_start3A_1523, %dma_start3A_1527] : memref<16x100xi32, #tpu.memory_space<vmem>> -> memref<1x100xi32, #tpu.memory_space<vmem>>
        %dma_start3A_1529 = tpu.memref_squeeze %dma_start3A_1528 : memref<1x100xi32, #tpu.memory_space<vmem>> -> memref<100xi32, #tpu.memory_space<vmem>>
        %dma_start3A_1530 = arith.constant 0 : i32
        %dma_start3A_1531 = arith.constant 0 : i32
        %dma_start3A_1532 = tpu.memref_slice %arg3[%dma_start3A_1530, %dma_start3A_1531] : memref<1000000x32xf32, #tpu.memory_space<hbm>> -> memref<1000000x32xf32, #tpu.memory_space<hbm>>
        tpu.enqueue_indirect_dma source(%dma_start3A_1532 : memref<1000000x32xf32, #tpu.memory_space<hbm>>) target(%dma_start3A_1526 : memref<100x32xf32, #tpu.memory_space<vmem>>) offsets(%dma_start3A_1529 : memref<100xi32, #tpu.memory_space<vmem>>) semaphore(%arg9 : memref<!tpu.dma_semaphore, #tpu.memory_space<semaphore_mem>>)
        %dma_start3A_1533 = arith.constant 12 : i32
        %dma_start3A_1534 = arith.constant 1200 : i32
        %dma_start3A_1535 = arith.constant 0 : i32
        %dma_start3A_1536 = tpu.memref_slice %arg7[%dma_start3A_1534, %dma_start3A_1535] : memref<1600x32xf32, #tpu.memory_space<vmem>> -> memref<100x32xf32, #tpu.memory_space<vmem>>
        %dma_start3A_1537 = arith.constant 0 : i32
        %dma_start3A_1538 = tpu.memref_slice %arg5[%dma_start3A_1533, %dma_start3A_1537] : memref<16x100xi32, #tpu.memory_space<vmem>> -> memref<1x100xi32, #tpu.memory_space<vmem>>
        %dma_start3A_1539 = tpu.memref_squeeze %dma_start3A_1538 : memref<1x100xi32, #tpu.memory_space<vmem>> -> memref<100xi32, #tpu.memory_space<vmem>>
        %dma_start3A_1540 = arith.constant 0 : i32
        %dma_start3A_1541 = arith.constant 0 : i32
        %dma_start3A_1542 = tpu.memref_slice %arg3[%dma_start3A_1540, %dma_start3A_1541] : memref<1000000x32xf32, #tpu.memory_space<hbm>> -> memref<1000000x32xf32, #tpu.memory_space<hbm>>
        tpu.enqueue_indirect_dma source(%dma_start3A_1542 : memref<1000000x32xf32, #tpu.memory_space<hbm>>) target(%dma_start3A_1536 : memref<100x32xf32, #tpu.memory_space<vmem>>) offsets(%dma_start3A_1539 : memref<100xi32, #tpu.memory_space<vmem>>) semaphore(%arg9 : memref<!tpu.dma_semaphore, #tpu.memory_space<semaphore_mem>>)
        %dma_start3A_1543 = arith.constant 13 : i32
        %dma_start3A_1544 = arith.constant 1300 : i32
        %dma_start3A_1545 = arith.constant 0 : i32
        %dma_start3A_1546 = tpu.memref_slice %arg7[%dma_start3A_1544, %dma_start3A_1545] : memref<1600x32xf32, #tpu.memory_space<vmem>> -> memref<100x32xf32, #tpu.memory_space<vmem>>
        %dma_start3A_1547 = arith.constant 0 : i32
        %dma_start3A_1548 = tpu.memref_slice %arg5[%dma_start3A_1543, %dma_start3A_1547] : memref<16x100xi32, #tpu.memory_space<vmem>> -> memref<1x100xi32, #tpu.memory_space<vmem>>
        %dma_start3A_1549 = tpu.memref_squeeze %dma_start3A_1548 : memref<1x100xi32, #tpu.memory_space<vmem>> -> memref<100xi32, #tpu.memory_space<vmem>>
        %dma_start3A_1550 = arith.constant 0 : i32
        %dma_start3A_1551 = arith.constant 0 : i32
        %dma_start3A_1552 = tpu.memref_slice %arg3[%dma_start3A_1550, %dma_start3A_1551] : memref<1000000x32xf32, #tpu.memory_space<hbm>> -> memref<1000000x32xf32, #tpu.memory_space<hbm>>
        tpu.enqueue_indirect_dma source(%dma_start3A_1552 : memref<1000000x32xf32, #tpu.memory_space<hbm>>) target(%dma_start3A_1546 : memref<100x32xf32, #tpu.memory_space<vmem>>) offsets(%dma_start3A_1549 : memref<100xi32, #tpu.memory_space<vmem>>) semaphore(%arg9 : memref<!tpu.dma_semaphore, #tpu.memory_space<semaphore_mem>>)
        %dma_start3A_1553 = arith.constant 14 : i32
        %dma_start3A_1554 = arith.constant 1400 : i32
        %dma_start3A_1555 = arith.constant 0 : i32
        %dma_start3A_1556 = tpu.memref_slice %arg7[%dma_start3A_1554, %dma_start3A_1555] : memref<1600x32xf32, #tpu.memory_space<vmem>> -> memref<100x32xf32, #tpu.memory_space<vmem>>
        %dma_start3A_1557 = arith.constant 0 : i32
        %dma_start3A_1558 = tpu.memref_slice %arg5[%dma_start3A_1553, %dma_start3A_1557] : memref<16x100xi32, #tpu.memory_space<vmem>> -> memref<1x100xi32, #tpu.memory_space<vmem>>
        %dma_start3A_1559 = tpu.memref_squeeze %dma_start3A_1558 : memref<1x100xi32, #tpu.memory_space<vmem>> -> memref<100xi32, #tpu.memory_space<vmem>>
        %dma_start3A_1560 = arith.constant 0 : i32
        %dma_start3A_1561 = arith.constant 0 : i32
        %dma_start3A_1562 = tpu.memref_slice %arg3[%dma_start3A_1560, %dma_start3A_1561] : memref<1000000x32xf32, #tpu.memory_space<hbm>> -> memref<1000000x32xf32, #tpu.memory_space<hbm>>
        tpu.enqueue_indirect_dma source(%dma_start3A_1562 : memref<1000000x32xf32, #tpu.memory_space<hbm>>) target(%dma_start3A_1556 : memref<100x32xf32, #tpu.memory_space<vmem>>) offsets(%dma_start3A_1559 : memref<100xi32, #tpu.memory_space<vmem>>) semaphore(%arg9 : memref<!tpu.dma_semaphore, #tpu.memory_space<semaphore_mem>>)
        %dma_start3A_1563 = arith.constant 15 : i32
        %dma_start3A_1564 = arith.constant 1500 : i32
        %dma_start3A_1565 = arith.constant 0 : i32
        %dma_start3A_1566 = tpu.memref_slice %arg7[%dma_start3A_1564, %dma_start3A_1565] : memref<1600x32xf32, #tpu.memory_space<vmem>> -> memref<100x32xf32, #tpu.memory_space<vmem>>
        %dma_start3A_1567 = arith.constant 0 : i32
        %dma_start3A_1568 = tpu.memref_slice %arg5[%dma_start3A_1563, %dma_start3A_1567] : memref<16x100xi32, #tpu.memory_space<vmem>> -> memref<1x100xi32, #tpu.memory_space<vmem>>
        %dma_start3A_1569 = tpu.memref_squeeze %dma_start3A_1568 : memref<1x100xi32, #tpu.memory_space<vmem>> -> memref<100xi32, #tpu.memory_space<vmem>>
        %dma_start3A_1570 = arith.constant 0 : i32
        %dma_start3A_1571 = arith.constant 0 : i32
        %dma_start3A_1572 = tpu.memref_slice %arg3[%dma_start3A_1570, %dma_start3A_1571] : memref<1000000x32xf32, #tpu.memory_space<hbm>> -> memref<1000000x32xf32, #tpu.memory_space<hbm>>
        tpu.enqueue_indirect_dma source(%dma_start3A_1572 : memref<1000000x32xf32, #tpu.memory_space<hbm>>) target(%dma_start3A_1566 : memref<100x32xf32, #tpu.memory_space<vmem>>) offsets(%dma_start3A_1569 : memref<100xi32, #tpu.memory_space<vmem>>) semaphore(%arg9 : memref<!tpu.dma_semaphore, #tpu.memory_space<semaphore_mem>>)
      } else {
      }
      %dma_wait3A_944 = arith.constant 0 : i32
      %dma_wait3A_945 = arith.constant 0 : i32
      %dma_wait3A_946 = arith.constant 0 : i32
      %dma_wait3A_947 = tpu.memref_slice %arg8[%dma_wait3A_945, %dma_wait3A_946] : memref<1600x32xf32, #tpu.memory_space<vmem>> -> memref<100x32xf32, #tpu.memory_space<vmem>>
      %dma_wait3A_948 = arith.constant 0 : i32
      %dma_wait3A_949 = tpu.memref_slice %arg6[%dma_wait3A_944, %dma_wait3A_948] : memref<16x100xi32, #tpu.memory_space<vmem>> -> memref<1x100xi32, #tpu.memory_space<vmem>>
      %dma_wait3A_950 = tpu.memref_squeeze %dma_wait3A_949 : memref<1x100xi32, #tpu.memory_space<vmem>> -> memref<100xi32, #tpu.memory_space<vmem>>
      %dma_wait3A_951 = arith.constant 0 : i32
      %dma_wait3A_952 = arith.constant 0 : i32
      %dma_wait3A_953 = tpu.memref_slice %arg3[%dma_wait3A_951, %dma_wait3A_952] : memref<1000000x32xf32, #tpu.memory_space<hbm>> -> memref<1000000x32xf32, #tpu.memory_space<hbm>>
      tpu.wait_indirect_dma semaphore(%arg10 : memref<!tpu.dma_semaphore, #tpu.memory_space<semaphore_mem>>) src(%dma_wait3A_953 : memref<1000000x32xf32, #tpu.memory_space<hbm>>) dst(%dma_wait3A_947 : memref<100x32xf32, #tpu.memory_space<vmem>>)
      %dma_wait3A_954 = arith.constant 1 : i32
      %dma_wait3A_955 = arith.constant 100 : i32
      %dma_wait3A_956 = arith.constant 0 : i32
      %dma_wait3A_957 = tpu.memref_slice %arg8[%dma_wait3A_955, %dma_wait3A_956] : memref<1600x32xf32, #tpu.memory_space<vmem>> -> memref<100x32xf32, #tpu.memory_space<vmem>>
      %dma_wait3A_958 = arith.constant 0 : i32
      %dma_wait3A_959 = tpu.memref_slice %arg6[%dma_wait3A_954, %dma_wait3A_958] : memref<16x100xi32, #tpu.memory_space<vmem>> -> memref<1x100xi32, #tpu.memory_space<vmem>>
      %dma_wait3A_960 = tpu.memref_squeeze %dma_wait3A_959 : memref<1x100xi32, #tpu.memory_space<vmem>> -> memref<100xi32, #tpu.memory_space<vmem>>
      %dma_wait3A_961 = arith.constant 0 : i32
      %dma_wait3A_962 = arith.constant 0 : i32
      %dma_wait3A_963 = tpu.memref_slice %arg3[%dma_wait3A_961, %dma_wait3A_962] : memref<1000000x32xf32, #tpu.memory_space<hbm>> -> memref<1000000x32xf32, #tpu.memory_space<hbm>>
      tpu.wait_indirect_dma semaphore(%arg10 : memref<!tpu.dma_semaphore, #tpu.memory_space<semaphore_mem>>) src(%dma_wait3A_963 : memref<1000000x32xf32, #tpu.memory_space<hbm>>) dst(%dma_wait3A_957 : memref<100x32xf32, #tpu.memory_space<vmem>>)
      %dma_wait3A_964 = arith.constant 2 : i32
      %dma_wait3A_965 = arith.constant 200 : i32
      %dma_wait3A_966 = arith.constant 0 : i32
      %dma_wait3A_967 = tpu.memref_slice %arg8[%dma_wait3A_965, %dma_wait3A_966] : memref<1600x32xf32, #tpu.memory_space<vmem>> -> memref<100x32xf32, #tpu.memory_space<vmem>>
      %dma_wait3A_968 = arith.constant 0 : i32
      %dma_wait3A_969 = tpu.memref_slice %arg6[%dma_wait3A_964, %dma_wait3A_968] : memref<16x100xi32, #tpu.memory_space<vmem>> -> memref<1x100xi32, #tpu.memory_space<vmem>>
      %dma_wait3A_970 = tpu.memref_squeeze %dma_wait3A_969 : memref<1x100xi32, #tpu.memory_space<vmem>> -> memref<100xi32, #tpu.memory_space<vmem>>
      %dma_wait3A_971 = arith.constant 0 : i32
      %dma_wait3A_972 = arith.constant 0 : i32
      %dma_wait3A_973 = tpu.memref_slice %arg3[%dma_wait3A_971, %dma_wait3A_972] : memref<1000000x32xf32, #tpu.memory_space<hbm>> -> memref<1000000x32xf32, #tpu.memory_space<hbm>>
      tpu.wait_indirect_dma semaphore(%arg10 : memref<!tpu.dma_semaphore, #tpu.memory_space<semaphore_mem>>) src(%dma_wait3A_973 : memref<1000000x32xf32, #tpu.memory_space<hbm>>) dst(%dma_wait3A_967 : memref<100x32xf32, #tpu.memory_space<vmem>>)
      %dma_wait3A_974 = arith.constant 3 : i32
      %dma_wait3A_975 = arith.constant 300 : i32
      %dma_wait3A_976 = arith.constant 0 : i32
      %dma_wait3A_977 = tpu.memref_slice %arg8[%dma_wait3A_975, %dma_wait3A_976] : memref<1600x32xf32, #tpu.memory_space<vmem>> -> memref<100x32xf32, #tpu.memory_space<vmem>>
      %dma_wait3A_978 = arith.constant 0 : i32
      %dma_wait3A_979 = tpu.memref_slice %arg6[%dma_wait3A_974, %dma_wait3A_978] : memref<16x100xi32, #tpu.memory_space<vmem>> -> memref<1x100xi32, #tpu.memory_space<vmem>>
      %dma_wait3A_980 = tpu.memref_squeeze %dma_wait3A_979 : memref<1x100xi32, #tpu.memory_space<vmem>> -> memref<100xi32, #tpu.memory_space<vmem>>
      %dma_wait3A_981 = arith.constant 0 : i32
      %dma_wait3A_982 = arith.constant 0 : i32
      %dma_wait3A_983 = tpu.memref_slice %arg3[%dma_wait3A_981, %dma_wait3A_982] : memref<1000000x32xf32, #tpu.memory_space<hbm>> -> memref<1000000x32xf32, #tpu.memory_space<hbm>>
      tpu.wait_indirect_dma semaphore(%arg10 : memref<!tpu.dma_semaphore, #tpu.memory_space<semaphore_mem>>) src(%dma_wait3A_983 : memref<1000000x32xf32, #tpu.memory_space<hbm>>) dst(%dma_wait3A_977 : memref<100x32xf32, #tpu.memory_space<vmem>>)
      %dma_wait3A_984 = arith.constant 4 : i32
      %dma_wait3A_985 = arith.constant 400 : i32
      %dma_wait3A_986 = arith.constant 0 : i32
      %dma_wait3A_987 = tpu.memref_slice %arg8[%dma_wait3A_985, %dma_wait3A_986] : memref<1600x32xf32, #tpu.memory_space<vmem>> -> memref<100x32xf32, #tpu.memory_space<vmem>>
      %dma_wait3A_988 = arith.constant 0 : i32
      %dma_wait3A_989 = tpu.memref_slice %arg6[%dma_wait3A_984, %dma_wait3A_988] : memref<16x100xi32, #tpu.memory_space<vmem>> -> memref<1x100xi32, #tpu.memory_space<vmem>>
      %dma_wait3A_990 = tpu.memref_squeeze %dma_wait3A_989 : memref<1x100xi32, #tpu.memory_space<vmem>> -> memref<100xi32, #tpu.memory_space<vmem>>
      %dma_wait3A_991 = arith.constant 0 : i32
      %dma_wait3A_992 = arith.constant 0 : i32
      %dma_wait3A_993 = tpu.memref_slice %arg3[%dma_wait3A_991, %dma_wait3A_992] : memref<1000000x32xf32, #tpu.memory_space<hbm>> -> memref<1000000x32xf32, #tpu.memory_space<hbm>>
      tpu.wait_indirect_dma semaphore(%arg10 : memref<!tpu.dma_semaphore, #tpu.memory_space<semaphore_mem>>) src(%dma_wait3A_993 : memref<1000000x32xf32, #tpu.memory_space<hbm>>) dst(%dma_wait3A_987 : memref<100x32xf32, #tpu.memory_space<vmem>>)
      %dma_wait3A_994 = arith.constant 5 : i32
      %dma_wait3A_995 = arith.constant 500 : i32
      %dma_wait3A_996 = arith.constant 0 : i32
      %dma_wait3A_997 = tpu.memref_slice %arg8[%dma_wait3A_995, %dma_wait3A_996] : memref<1600x32xf32, #tpu.memory_space<vmem>> -> memref<100x32xf32, #tpu.memory_space<vmem>>
      %dma_wait3A_998 = arith.constant 0 : i32
      %dma_wait3A_999 = tpu.memref_slice %arg6[%dma_wait3A_994, %dma_wait3A_998] : memref<16x100xi32, #tpu.memory_space<vmem>> -> memref<1x100xi32, #tpu.memory_space<vmem>>
      %dma_wait3A_1000 = tpu.memref_squeeze %dma_wait3A_999 : memref<1x100xi32, #tpu.memory_space<vmem>> -> memref<100xi32, #tpu.memory_space<vmem>>
      %dma_wait3A_1001 = arith.constant 0 : i32
      %dma_wait3A_1002 = arith.constant 0 : i32
      %dma_wait3A_1003 = tpu.memref_slice %arg3[%dma_wait3A_1001, %dma_wait3A_1002] : memref<1000000x32xf32, #tpu.memory_space<hbm>> -> memref<1000000x32xf32, #tpu.memory_space<hbm>>
      tpu.wait_indirect_dma semaphore(%arg10 : memref<!tpu.dma_semaphore, #tpu.memory_space<semaphore_mem>>) src(%dma_wait3A_1003 : memref<1000000x32xf32, #tpu.memory_space<hbm>>) dst(%dma_wait3A_997 : memref<100x32xf32, #tpu.memory_space<vmem>>)
      %dma_wait3A_1004 = arith.constant 6 : i32
      %dma_wait3A_1005 = arith.constant 600 : i32
      %dma_wait3A_1006 = arith.constant 0 : i32
      %dma_wait3A_1007 = tpu.memref_slice %arg8[%dma_wait3A_1005, %dma_wait3A_1006] : memref<1600x32xf32, #tpu.memory_space<vmem>> -> memref<100x32xf32, #tpu.memory_space<vmem>>
      %dma_wait3A_1008 = arith.constant 0 : i32
      %dma_wait3A_1009 = tpu.memref_slice %arg6[%dma_wait3A_1004, %dma_wait3A_1008] : memref<16x100xi32, #tpu.memory_space<vmem>> -> memref<1x100xi32, #tpu.memory_space<vmem>>
      %dma_wait3A_1010 = tpu.memref_squeeze %dma_wait3A_1009 : memref<1x100xi32, #tpu.memory_space<vmem>> -> memref<100xi32, #tpu.memory_space<vmem>>
      %dma_wait3A_1011 = arith.constant 0 : i32
      %dma_wait3A_1012 = arith.constant 0 : i32
      %dma_wait3A_1013 = tpu.memref_slice %arg3[%dma_wait3A_1011, %dma_wait3A_1012] : memref<1000000x32xf32, #tpu.memory_space<hbm>> -> memref<1000000x32xf32, #tpu.memory_space<hbm>>
      tpu.wait_indirect_dma semaphore(%arg10 : memref<!tpu.dma_semaphore, #tpu.memory_space<semaphore_mem>>) src(%dma_wait3A_1013 : memref<1000000x32xf32, #tpu.memory_space<hbm>>) dst(%dma_wait3A_1007 : memref<100x32xf32, #tpu.memory_space<vmem>>)
      %dma_wait3A_1014 = arith.constant 7 : i32
      %dma_wait3A_1015 = arith.constant 700 : i32
      %dma_wait3A_1016 = arith.constant 0 : i32
      %dma_wait3A_1017 = tpu.memref_slice %arg8[%dma_wait3A_1015, %dma_wait3A_1016] : memref<1600x32xf32, #tpu.memory_space<vmem>> -> memref<100x32xf32, #tpu.memory_space<vmem>>
      %dma_wait3A_1018 = arith.constant 0 : i32
      %dma_wait3A_1019 = tpu.memref_slice %arg6[%dma_wait3A_1014, %dma_wait3A_1018] : memref<16x100xi32, #tpu.memory_space<vmem>> -> memref<1x100xi32, #tpu.memory_space<vmem>>
      %dma_wait3A_1020 = tpu.memref_squeeze %dma_wait3A_1019 : memref<1x100xi32, #tpu.memory_space<vmem>> -> memref<100xi32, #tpu.memory_space<vmem>>
      %dma_wait3A_1021 = arith.constant 0 : i32
      %dma_wait3A_1022 = arith.constant 0 : i32
      %dma_wait3A_1023 = tpu.memref_slice %arg3[%dma_wait3A_1021, %dma_wait3A_1022] : memref<1000000x32xf32, #tpu.memory_space<hbm>> -> memref<1000000x32xf32, #tpu.memory_space<hbm>>
      tpu.wait_indirect_dma semaphore(%arg10 : memref<!tpu.dma_semaphore, #tpu.memory_space<semaphore_mem>>) src(%dma_wait3A_1023 : memref<1000000x32xf32, #tpu.memory_space<hbm>>) dst(%dma_wait3A_1017 : memref<100x32xf32, #tpu.memory_space<vmem>>)
      %dma_wait3A_1024 = arith.constant 8 : i32
      %dma_wait3A_1025 = arith.constant 800 : i32
      %dma_wait3A_1026 = arith.constant 0 : i32
      %dma_wait3A_1027 = tpu.memref_slice %arg8[%dma_wait3A_1025, %dma_wait3A_1026] : memref<1600x32xf32, #tpu.memory_space<vmem>> -> memref<100x32xf32, #tpu.memory_space<vmem>>
      %dma_wait3A_1028 = arith.constant 0 : i32
      %dma_wait3A_1029 = tpu.memref_slice %arg6[%dma_wait3A_1024, %dma_wait3A_1028] : memref<16x100xi32, #tpu.memory_space<vmem>> -> memref<1x100xi32, #tpu.memory_space<vmem>>
      %dma_wait3A_1030 = tpu.memref_squeeze %dma_wait3A_1029 : memref<1x100xi32, #tpu.memory_space<vmem>> -> memref<100xi32, #tpu.memory_space<vmem>>
      %dma_wait3A_1031 = arith.constant 0 : i32
      %dma_wait3A_1032 = arith.constant 0 : i32
      %dma_wait3A_1033 = tpu.memref_slice %arg3[%dma_wait3A_1031, %dma_wait3A_1032] : memref<1000000x32xf32, #tpu.memory_space<hbm>> -> memref<1000000x32xf32, #tpu.memory_space<hbm>>
      tpu.wait_indirect_dma semaphore(%arg10 : memref<!tpu.dma_semaphore, #tpu.memory_space<semaphore_mem>>) src(%dma_wait3A_1033 : memref<1000000x32xf32, #tpu.memory_space<hbm>>) dst(%dma_wait3A_1027 : memref<100x32xf32, #tpu.memory_space<vmem>>)
      %dma_wait3A_1034 = arith.constant 9 : i32
      %dma_wait3A_1035 = arith.constant 900 : i32
      %dma_wait3A_1036 = arith.constant 0 : i32
      %dma_wait3A_1037 = tpu.memref_slice %arg8[%dma_wait3A_1035, %dma_wait3A_1036] : memref<1600x32xf32, #tpu.memory_space<vmem>> -> memref<100x32xf32, #tpu.memory_space<vmem>>
      %dma_wait3A_1038 = arith.constant 0 : i32
      %dma_wait3A_1039 = tpu.memref_slice %arg6[%dma_wait3A_1034, %dma_wait3A_1038] : memref<16x100xi32, #tpu.memory_space<vmem>> -> memref<1x100xi32, #tpu.memory_space<vmem>>
      %dma_wait3A_1040 = tpu.memref_squeeze %dma_wait3A_1039 : memref<1x100xi32, #tpu.memory_space<vmem>> -> memref<100xi32, #tpu.memory_space<vmem>>
      %dma_wait3A_1041 = arith.constant 0 : i32
      %dma_wait3A_1042 = arith.constant 0 : i32
      %dma_wait3A_1043 = tpu.memref_slice %arg3[%dma_wait3A_1041, %dma_wait3A_1042] : memref<1000000x32xf32, #tpu.memory_space<hbm>> -> memref<1000000x32xf32, #tpu.memory_space<hbm>>
      tpu.wait_indirect_dma semaphore(%arg10 : memref<!tpu.dma_semaphore, #tpu.memory_space<semaphore_mem>>) src(%dma_wait3A_1043 : memref<1000000x32xf32, #tpu.memory_space<hbm>>) dst(%dma_wait3A_1037 : memref<100x32xf32, #tpu.memory_space<vmem>>)
      %dma_wait3A_1044 = arith.constant 10 : i32
      %dma_wait3A_1045 = arith.constant 1000 : i32
      %dma_wait3A_1046 = arith.constant 0 : i32
      %dma_wait3A_1047 = tpu.memref_slice %arg8[%dma_wait3A_1045, %dma_wait3A_1046] : memref<1600x32xf32, #tpu.memory_space<vmem>> -> memref<100x32xf32, #tpu.memory_space<vmem>>
      %dma_wait3A_1048 = arith.constant 0 : i32
      %dma_wait3A_1049 = tpu.memref_slice %arg6[%dma_wait3A_1044, %dma_wait3A_1048] : memref<16x100xi32, #tpu.memory_space<vmem>> -> memref<1x100xi32, #tpu.memory_space<vmem>>
      %dma_wait3A_1050 = tpu.memref_squeeze %dma_wait3A_1049 : memref<1x100xi32, #tpu.memory_space<vmem>> -> memref<100xi32, #tpu.memory_space<vmem>>
      %dma_wait3A_1051 = arith.constant 0 : i32
      %dma_wait3A_1052 = arith.constant 0 : i32
      %dma_wait3A_1053 = tpu.memref_slice %arg3[%dma_wait3A_1051, %dma_wait3A_1052] : memref<1000000x32xf32, #tpu.memory_space<hbm>> -> memref<1000000x32xf32, #tpu.memory_space<hbm>>
      tpu.wait_indirect_dma semaphore(%arg10 : memref<!tpu.dma_semaphore, #tpu.memory_space<semaphore_mem>>) src(%dma_wait3A_1053 : memref<1000000x32xf32, #tpu.memory_space<hbm>>) dst(%dma_wait3A_1047 : memref<100x32xf32, #tpu.memory_space<vmem>>)
      %dma_wait3A_1054 = arith.constant 11 : i32
      %dma_wait3A_1055 = arith.constant 1100 : i32
      %dma_wait3A_1056 = arith.constant 0 : i32
      %dma_wait3A_1057 = tpu.memref_slice %arg8[%dma_wait3A_1055, %dma_wait3A_1056] : memref<1600x32xf32, #tpu.memory_space<vmem>> -> memref<100x32xf32, #tpu.memory_space<vmem>>
      %dma_wait3A_1058 = arith.constant 0 : i32
      %dma_wait3A_1059 = tpu.memref_slice %arg6[%dma_wait3A_1054, %dma_wait3A_1058] : memref<16x100xi32, #tpu.memory_space<vmem>> -> memref<1x100xi32, #tpu.memory_space<vmem>>
      %dma_wait3A_1060 = tpu.memref_squeeze %dma_wait3A_1059 : memref<1x100xi32, #tpu.memory_space<vmem>> -> memref<100xi32, #tpu.memory_space<vmem>>
      %dma_wait3A_1061 = arith.constant 0 : i32
      %dma_wait3A_1062 = arith.constant 0 : i32
      %dma_wait3A_1063 = tpu.memref_slice %arg3[%dma_wait3A_1061, %dma_wait3A_1062] : memref<1000000x32xf32, #tpu.memory_space<hbm>> -> memref<1000000x32xf32, #tpu.memory_space<hbm>>
      tpu.wait_indirect_dma semaphore(%arg10 : memref<!tpu.dma_semaphore, #tpu.memory_space<semaphore_mem>>) src(%dma_wait3A_1063 : memref<1000000x32xf32, #tpu.memory_space<hbm>>) dst(%dma_wait3A_1057 : memref<100x32xf32, #tpu.memory_space<vmem>>)
      %dma_wait3A_1064 = arith.constant 12 : i32
      %dma_wait3A_1065 = arith.constant 1200 : i32
      %dma_wait3A_1066 = arith.constant 0 : i32
      %dma_wait3A_1067 = tpu.memref_slice %arg8[%dma_wait3A_1065, %dma_wait3A_1066] : memref<1600x32xf32, #tpu.memory_space<vmem>> -> memref<100x32xf32, #tpu.memory_space<vmem>>
      %dma_wait3A_1068 = arith.constant 0 : i32
      %dma_wait3A_1069 = tpu.memref_slice %arg6[%dma_wait3A_1064, %dma_wait3A_1068] : memref<16x100xi32, #tpu.memory_space<vmem>> -> memref<1x100xi32, #tpu.memory_space<vmem>>
      %dma_wait3A_1070 = tpu.memref_squeeze %dma_wait3A_1069 : memref<1x100xi32, #tpu.memory_space<vmem>> -> memref<100xi32, #tpu.memory_space<vmem>>
      %dma_wait3A_1071 = arith.constant 0 : i32
      %dma_wait3A_1072 = arith.constant 0 : i32
      %dma_wait3A_1073 = tpu.memref_slice %arg3[%dma_wait3A_1071, %dma_wait3A_1072] : memref<1000000x32xf32, #tpu.memory_space<hbm>> -> memref<1000000x32xf32, #tpu.memory_space<hbm>>
      tpu.wait_indirect_dma semaphore(%arg10 : memref<!tpu.dma_semaphore, #tpu.memory_space<semaphore_mem>>) src(%dma_wait3A_1073 : memref<1000000x32xf32, #tpu.memory_space<hbm>>) dst(%dma_wait3A_1067 : memref<100x32xf32, #tpu.memory_space<vmem>>)
      %dma_wait3A_1074 = arith.constant 13 : i32
      %dma_wait3A_1075 = arith.constant 1300 : i32
      %dma_wait3A_1076 = arith.constant 0 : i32
      %dma_wait3A_1077 = tpu.memref_slice %arg8[%dma_wait3A_1075, %dma_wait3A_1076] : memref<1600x32xf32, #tpu.memory_space<vmem>> -> memref<100x32xf32, #tpu.memory_space<vmem>>
      %dma_wait3A_1078 = arith.constant 0 : i32
      %dma_wait3A_1079 = tpu.memref_slice %arg6[%dma_wait3A_1074, %dma_wait3A_1078] : memref<16x100xi32, #tpu.memory_space<vmem>> -> memref<1x100xi32, #tpu.memory_space<vmem>>
      %dma_wait3A_1080 = tpu.memref_squeeze %dma_wait3A_1079 : memref<1x100xi32, #tpu.memory_space<vmem>> -> memref<100xi32, #tpu.memory_space<vmem>>
      %dma_wait3A_1081 = arith.constant 0 : i32
      %dma_wait3A_1082 = arith.constant 0 : i32
      %dma_wait3A_1083 = tpu.memref_slice %arg3[%dma_wait3A_1081, %dma_wait3A_1082] : memref<1000000x32xf32, #tpu.memory_space<hbm>> -> memref<1000000x32xf32, #tpu.memory_space<hbm>>
      tpu.wait_indirect_dma semaphore(%arg10 : memref<!tpu.dma_semaphore, #tpu.memory_space<semaphore_mem>>) src(%dma_wait3A_1083 : memref<1000000x32xf32, #tpu.memory_space<hbm>>) dst(%dma_wait3A_1077 : memref<100x32xf32, #tpu.memory_space<vmem>>)
      %dma_wait3A_1084 = arith.constant 14 : i32
      %dma_wait3A_1085 = arith.constant 1400 : i32
      %dma_wait3A_1086 = arith.constant 0 : i32
      %dma_wait3A_1087 = tpu.memref_slice %arg8[%dma_wait3A_1085, %dma_wait3A_1086] : memref<1600x32xf32, #tpu.memory_space<vmem>> -> memref<100x32xf32, #tpu.memory_space<vmem>>
      %dma_wait3A_1088 = arith.constant 0 : i32
      %dma_wait3A_1089 = tpu.memref_slice %arg6[%dma_wait3A_1084, %dma_wait3A_1088] : memref<16x100xi32, #tpu.memory_space<vmem>> -> memref<1x100xi32, #tpu.memory_space<vmem>>
      %dma_wait3A_1090 = tpu.memref_squeeze %dma_wait3A_1089 : memref<1x100xi32, #tpu.memory_space<vmem>> -> memref<100xi32, #tpu.memory_space<vmem>>
      %dma_wait3A_1091 = arith.constant 0 : i32
      %dma_wait3A_1092 = arith.constant 0 : i32
      %dma_wait3A_1093 = tpu.memref_slice %arg3[%dma_wait3A_1091, %dma_wait3A_1092] : memref<1000000x32xf32, #tpu.memory_space<hbm>> -> memref<1000000x32xf32, #tpu.memory_space<hbm>>
      tpu.wait_indirect_dma semaphore(%arg10 : memref<!tpu.dma_semaphore, #tpu.memory_space<semaphore_mem>>) src(%dma_wait3A_1093 : memref<1000000x32xf32, #tpu.memory_space<hbm>>) dst(%dma_wait3A_1087 : memref<100x32xf32, #tpu.memory_space<vmem>>)
      %dma_wait3A_1094 = arith.constant 15 : i32
      %dma_wait3A_1095 = arith.constant 1500 : i32
      %dma_wait3A_1096 = arith.constant 0 : i32
      %dma_wait3A_1097 = tpu.memref_slice %arg8[%dma_wait3A_1095, %dma_wait3A_1096] : memref<1600x32xf32, #tpu.memory_space<vmem>> -> memref<100x32xf32, #tpu.memory_space<vmem>>
      %dma_wait3A_1098 = arith.constant 0 : i32
      %dma_wait3A_1099 = tpu.memref_slice %arg6[%dma_wait3A_1094, %dma_wait3A_1098] : memref<16x100xi32, #tpu.memory_space<vmem>> -> memref<1x100xi32, #tpu.memory_space<vmem>>
      %dma_wait3A_1100 = tpu.memref_squeeze %dma_wait3A_1099 : memref<1x100xi32, #tpu.memory_space<vmem>> -> memref<100xi32, #tpu.memory_space<vmem>>
      %dma_wait3A_1101 = arith.constant 0 : i32
      %dma_wait3A_1102 = arith.constant 0 : i32
      %dma_wait3A_1103 = tpu.memref_slice %arg3[%dma_wait3A_1101, %dma_wait3A_1102] : memref<1000000x32xf32, #tpu.memory_space<hbm>> -> memref<1000000x32xf32, #tpu.memory_space<hbm>>
      tpu.wait_indirect_dma semaphore(%arg10 : memref<!tpu.dma_semaphore, #tpu.memory_space<semaphore_mem>>) src(%dma_wait3A_1103 : memref<1000000x32xf32, #tpu.memory_space<hbm>>) dst(%dma_wait3A_1097 : memref<100x32xf32, #tpu.memory_space<vmem>>)
      %mul3A_1104 = arith.constant 8 : i32
      %mul3A_1105 = arith.muli %add3A_462, %mul3A_1104 : i32
      %add3A_1106 = arith.addi %mul3A_2, %mul3A_1105 : i32
      %add3A_1107 = arith.constant 0 : i32
      %add3A_1108 = arith.addi %add3A_1106, %add3A_1107 : i32
      %dma_start3A_1109 = arith.constant 0 : i32
      %dma_start3A_1110 = arith.constant 0 : i32
      %dma_start3A_1111 = tpu.memref_slice %arg8[%dma_start3A_1109, %dma_start3A_1110] : memref<1600x32xf32, #tpu.memory_space<vmem>> -> memref<200x32xf32, #tpu.memory_space<vmem>>
      %dma_start3A_1112 = arith.constant 0 : i32
      %dma_start3A_1113 = arith.constant 0 : i32
      %dma_start3A_1114 = tpu.memref_slice %arg4[%add3A_1108, %dma_start3A_1112, %dma_start3A_1113] : memref<16384x200x32xf32, #tpu.memory_space<hbm>> -> memref<1x200x32xf32, #tpu.memory_space<hbm>>
      %dma_start3A_1115 = tpu.memref_squeeze %dma_start3A_1114 : memref<1x200x32xf32, #tpu.memory_space<hbm>> -> memref<200x32xf32, #tpu.memory_space<hbm>>
      %dma_start3A_1116 = arith.constant 0 : i32
      %dma_start3A_1117 = arith.constant 0 : i32
      %dma_start3A_1118 = tpu.memref_slice %arg4[%add3A_1108, %dma_start3A_1116, %dma_start3A_1117] : memref<16384x200x32xf32, #tpu.memory_space<hbm>> -> memref<1x200x32xf32, #tpu.memory_space<hbm>>
      %dma_start3A_1119 = tpu.memref_squeeze %dma_start3A_1118 : memref<1x200x32xf32, #tpu.memory_space<hbm>> -> memref<200x32xf32, #tpu.memory_space<hbm>>
      %dma_start3A_1120 = arith.constant 0 : i32
      %dma_start3A_1121 = arith.constant 0 : i32
      %dma_start3A_1122 = tpu.memref_slice %arg8[%dma_start3A_1120, %dma_start3A_1121] : memref<1600x32xf32, #tpu.memory_space<vmem>> -> memref<200x32xf32, #tpu.memory_space<vmem>>
      tpu.enqueue_dma source(%dma_start3A_1122 : memref<200x32xf32, #tpu.memory_space<vmem>>) target(%dma_start3A_1119 : memref<200x32xf32, #tpu.memory_space<hbm>>) target_semaphore(%arg12 : memref<!tpu.dma_semaphore, #tpu.memory_space<semaphore_mem>>)
      %mul3A_1123 = arith.constant 8 : i32
      %mul3A_1124 = arith.muli %add3A_462, %mul3A_1123 : i32
      %add3A_1125 = arith.addi %mul3A_2, %mul3A_1124 : i32
      %add3A_1126 = arith.constant 1 : i32
      %add3A_1127 = arith.addi %add3A_1125, %add3A_1126 : i32
      %dma_start3A_1128 = arith.constant 200 : i32
      %dma_start3A_1129 = arith.constant 0 : i32
      %dma_start3A_1130 = tpu.memref_slice %arg8[%dma_start3A_1128, %dma_start3A_1129] : memref<1600x32xf32, #tpu.memory_space<vmem>> -> memref<200x32xf32, #tpu.memory_space<vmem>>
      %dma_start3A_1131 = arith.constant 0 : i32
      %dma_start3A_1132 = arith.constant 0 : i32
      %dma_start3A_1133 = tpu.memref_slice %arg4[%add3A_1127, %dma_start3A_1131, %dma_start3A_1132] : memref<16384x200x32xf32, #tpu.memory_space<hbm>> -> memref<1x200x32xf32, #tpu.memory_space<hbm>>
      %dma_start3A_1134 = tpu.memref_squeeze %dma_start3A_1133 : memref<1x200x32xf32, #tpu.memory_space<hbm>> -> memref<200x32xf32, #tpu.memory_space<hbm>>
      %dma_start3A_1135 = arith.constant 0 : i32
      %dma_start3A_1136 = arith.constant 0 : i32
      %dma_start3A_1137 = tpu.memref_slice %arg4[%add3A_1127, %dma_start3A_1135, %dma_start3A_1136] : memref<16384x200x32xf32, #tpu.memory_space<hbm>> -> memref<1x200x32xf32, #tpu.memory_space<hbm>>
      %dma_start3A_1138 = tpu.memref_squeeze %dma_start3A_1137 : memref<1x200x32xf32, #tpu.memory_space<hbm>> -> memref<200x32xf32, #tpu.memory_space<hbm>>
      %dma_start3A_1139 = arith.constant 200 : i32
      %dma_start3A_1140 = arith.constant 0 : i32
      %dma_start3A_1141 = tpu.memref_slice %arg8[%dma_start3A_1139, %dma_start3A_1140] : memref<1600x32xf32, #tpu.memory_space<vmem>> -> memref<200x32xf32, #tpu.memory_space<vmem>>
      tpu.enqueue_dma source(%dma_start3A_1141 : memref<200x32xf32, #tpu.memory_space<vmem>>) target(%dma_start3A_1138 : memref<200x32xf32, #tpu.memory_space<hbm>>) target_semaphore(%arg12 : memref<!tpu.dma_semaphore, #tpu.memory_space<semaphore_mem>>)
      %mul3A_1142 = arith.constant 8 : i32
      %mul3A_1143 = arith.muli %add3A_462, %mul3A_1142 : i32
      %add3A_1144 = arith.addi %mul3A_2, %mul3A_1143 : i32
      %add3A_1145 = arith.constant 2 : i32
      %add3A_1146 = arith.addi %add3A_1144, %add3A_1145 : i32
      %dma_start3A_1147 = arith.constant 400 : i32
      %dma_start3A_1148 = arith.constant 0 : i32
      %dma_start3A_1149 = tpu.memref_slice %arg8[%dma_start3A_1147, %dma_start3A_1148] : memref<1600x32xf32, #tpu.memory_space<vmem>> -> memref<200x32xf32, #tpu.memory_space<vmem>>
      %dma_start3A_1150 = arith.constant 0 : i32
      %dma_start3A_1151 = arith.constant 0 : i32
      %dma_start3A_1152 = tpu.memref_slice %arg4[%add3A_1146, %dma_start3A_1150, %dma_start3A_1151] : memref<16384x200x32xf32, #tpu.memory_space<hbm>> -> memref<1x200x32xf32, #tpu.memory_space<hbm>>
      %dma_start3A_1153 = tpu.memref_squeeze %dma_start3A_1152 : memref<1x200x32xf32, #tpu.memory_space<hbm>> -> memref<200x32xf32, #tpu.memory_space<hbm>>
      %dma_start3A_1154 = arith.constant 0 : i32
      %dma_start3A_1155 = arith.constant 0 : i32
      %dma_start3A_1156 = tpu.memref_slice %arg4[%add3A_1146, %dma_start3A_1154, %dma_start3A_1155] : memref<16384x200x32xf32, #tpu.memory_space<hbm>> -> memref<1x200x32xf32, #tpu.memory_space<hbm>>
      %dma_start3A_1157 = tpu.memref_squeeze %dma_start3A_1156 : memref<1x200x32xf32, #tpu.memory_space<hbm>> -> memref<200x32xf32, #tpu.memory_space<hbm>>
      %dma_start3A_1158 = arith.constant 400 : i32
      %dma_start3A_1159 = arith.constant 0 : i32
      %dma_start3A_1160 = tpu.memref_slice %arg8[%dma_start3A_1158, %dma_start3A_1159] : memref<1600x32xf32, #tpu.memory_space<vmem>> -> memref<200x32xf32, #tpu.memory_space<vmem>>
      tpu.enqueue_dma source(%dma_start3A_1160 : memref<200x32xf32, #tpu.memory_space<vmem>>) target(%dma_start3A_1157 : memref<200x32xf32, #tpu.memory_space<hbm>>) target_semaphore(%arg12 : memref<!tpu.dma_semaphore, #tpu.memory_space<semaphore_mem>>)
      %mul3A_1161 = arith.constant 8 : i32
      %mul3A_1162 = arith.muli %add3A_462, %mul3A_1161 : i32
      %add3A_1163 = arith.addi %mul3A_2, %mul3A_1162 : i32
      %add3A_1164 = arith.constant 3 : i32
      %add3A_1165 = arith.addi %add3A_1163, %add3A_1164 : i32
      %dma_start3A_1166 = arith.constant 600 : i32
      %dma_start3A_1167 = arith.constant 0 : i32
      %dma_start3A_1168 = tpu.memref_slice %arg8[%dma_start3A_1166, %dma_start3A_1167] : memref<1600x32xf32, #tpu.memory_space<vmem>> -> memref<200x32xf32, #tpu.memory_space<vmem>>
      %dma_start3A_1169 = arith.constant 0 : i32
      %dma_start3A_1170 = arith.constant 0 : i32
      %dma_start3A_1171 = tpu.memref_slice %arg4[%add3A_1165, %dma_start3A_1169, %dma_start3A_1170] : memref<16384x200x32xf32, #tpu.memory_space<hbm>> -> memref<1x200x32xf32, #tpu.memory_space<hbm>>
      %dma_start3A_1172 = tpu.memref_squeeze %dma_start3A_1171 : memref<1x200x32xf32, #tpu.memory_space<hbm>> -> memref<200x32xf32, #tpu.memory_space<hbm>>
      %dma_start3A_1173 = arith.constant 0 : i32
      %dma_start3A_1174 = arith.constant 0 : i32
      %dma_start3A_1175 = tpu.memref_slice %arg4[%add3A_1165, %dma_start3A_1173, %dma_start3A_1174] : memref<16384x200x32xf32, #tpu.memory_space<hbm>> -> memref<1x200x32xf32, #tpu.memory_space<hbm>>
      %dma_start3A_1176 = tpu.memref_squeeze %dma_start3A_1175 : memref<1x200x32xf32, #tpu.memory_space<hbm>> -> memref<200x32xf32, #tpu.memory_space<hbm>>
      %dma_start3A_1177 = arith.constant 600 : i32
      %dma_start3A_1178 = arith.constant 0 : i32
      %dma_start3A_1179 = tpu.memref_slice %arg8[%dma_start3A_1177, %dma_start3A_1178] : memref<1600x32xf32, #tpu.memory_space<vmem>> -> memref<200x32xf32, #tpu.memory_space<vmem>>
      tpu.enqueue_dma source(%dma_start3A_1179 : memref<200x32xf32, #tpu.memory_space<vmem>>) target(%dma_start3A_1176 : memref<200x32xf32, #tpu.memory_space<hbm>>) target_semaphore(%arg12 : memref<!tpu.dma_semaphore, #tpu.memory_space<semaphore_mem>>)
      %mul3A_1180 = arith.constant 8 : i32
      %mul3A_1181 = arith.muli %add3A_462, %mul3A_1180 : i32
      %add3A_1182 = arith.addi %mul3A_2, %mul3A_1181 : i32
      %add3A_1183 = arith.constant 4 : i32
      %add3A_1184 = arith.addi %add3A_1182, %add3A_1183 : i32
      %dma_start3A_1185 = arith.constant 800 : i32
      %dma_start3A_1186 = arith.constant 0 : i32
      %dma_start3A_1187 = tpu.memref_slice %arg8[%dma_start3A_1185, %dma_start3A_1186] : memref<1600x32xf32, #tpu.memory_space<vmem>> -> memref<200x32xf32, #tpu.memory_space<vmem>>
      %dma_start3A_1188 = arith.constant 0 : i32
      %dma_start3A_1189 = arith.constant 0 : i32
      %dma_start3A_1190 = tpu.memref_slice %arg4[%add3A_1184, %dma_start3A_1188, %dma_start3A_1189] : memref<16384x200x32xf32, #tpu.memory_space<hbm>> -> memref<1x200x32xf32, #tpu.memory_space<hbm>>
      %dma_start3A_1191 = tpu.memref_squeeze %dma_start3A_1190 : memref<1x200x32xf32, #tpu.memory_space<hbm>> -> memref<200x32xf32, #tpu.memory_space<hbm>>
      %dma_start3A_1192 = arith.constant 0 : i32
      %dma_start3A_1193 = arith.constant 0 : i32
      %dma_start3A_1194 = tpu.memref_slice %arg4[%add3A_1184, %dma_start3A_1192, %dma_start3A_1193] : memref<16384x200x32xf32, #tpu.memory_space<hbm>> -> memref<1x200x32xf32, #tpu.memory_space<hbm>>
      %dma_start3A_1195 = tpu.memref_squeeze %dma_start3A_1194 : memref<1x200x32xf32, #tpu.memory_space<hbm>> -> memref<200x32xf32, #tpu.memory_space<hbm>>
      %dma_start3A_1196 = arith.constant 800 : i32
      %dma_start3A_1197 = arith.constant 0 : i32
      %dma_start3A_1198 = tpu.memref_slice %arg8[%dma_start3A_1196, %dma_start3A_1197] : memref<1600x32xf32, #tpu.memory_space<vmem>> -> memref<200x32xf32, #tpu.memory_space<vmem>>
      tpu.enqueue_dma source(%dma_start3A_1198 : memref<200x32xf32, #tpu.memory_space<vmem>>) target(%dma_start3A_1195 : memref<200x32xf32, #tpu.memory_space<hbm>>) target_semaphore(%arg12 : memref<!tpu.dma_semaphore, #tpu.memory_space<semaphore_mem>>)
      %mul3A_1199 = arith.constant 8 : i32
      %mul3A_1200 = arith.muli %add3A_462, %mul3A_1199 : i32
      %add3A_1201 = arith.addi %mul3A_2, %mul3A_1200 : i32
      %add3A_1202 = arith.constant 5 : i32
      %add3A_1203 = arith.addi %add3A_1201, %add3A_1202 : i32
      %dma_start3A_1204 = arith.constant 1000 : i32
      %dma_start3A_1205 = arith.constant 0 : i32
      %dma_start3A_1206 = tpu.memref_slice %arg8[%dma_start3A_1204, %dma_start3A_1205] : memref<1600x32xf32, #tpu.memory_space<vmem>> -> memref<200x32xf32, #tpu.memory_space<vmem>>
      %dma_start3A_1207 = arith.constant 0 : i32
      %dma_start3A_1208 = arith.constant 0 : i32
      %dma_start3A_1209 = tpu.memref_slice %arg4[%add3A_1203, %dma_start3A_1207, %dma_start3A_1208] : memref<16384x200x32xf32, #tpu.memory_space<hbm>> -> memref<1x200x32xf32, #tpu.memory_space<hbm>>
      %dma_start3A_1210 = tpu.memref_squeeze %dma_start3A_1209 : memref<1x200x32xf32, #tpu.memory_space<hbm>> -> memref<200x32xf32, #tpu.memory_space<hbm>>
      %dma_start3A_1211 = arith.constant 0 : i32
      %dma_start3A_1212 = arith.constant 0 : i32
      %dma_start3A_1213 = tpu.memref_slice %arg4[%add3A_1203, %dma_start3A_1211, %dma_start3A_1212] : memref<16384x200x32xf32, #tpu.memory_space<hbm>> -> memref<1x200x32xf32, #tpu.memory_space<hbm>>
      %dma_start3A_1214 = tpu.memref_squeeze %dma_start3A_1213 : memref<1x200x32xf32, #tpu.memory_space<hbm>> -> memref<200x32xf32, #tpu.memory_space<hbm>>
      %dma_start3A_1215 = arith.constant 1000 : i32
      %dma_start3A_1216 = arith.constant 0 : i32
      %dma_start3A_1217 = tpu.memref_slice %arg8[%dma_start3A_1215, %dma_start3A_1216] : memref<1600x32xf32, #tpu.memory_space<vmem>> -> memref<200x32xf32, #tpu.memory_space<vmem>>
      tpu.enqueue_dma source(%dma_start3A_1217 : memref<200x32xf32, #tpu.memory_space<vmem>>) target(%dma_start3A_1214 : memref<200x32xf32, #tpu.memory_space<hbm>>) target_semaphore(%arg12 : memref<!tpu.dma_semaphore, #tpu.memory_space<semaphore_mem>>)
      %mul3A_1218 = arith.constant 8 : i32
      %mul3A_1219 = arith.muli %add3A_462, %mul3A_1218 : i32
      %add3A_1220 = arith.addi %mul3A_2, %mul3A_1219 : i32
      %add3A_1221 = arith.constant 6 : i32
      %add3A_1222 = arith.addi %add3A_1220, %add3A_1221 : i32
      %dma_start3A_1223 = arith.constant 1200 : i32
      %dma_start3A_1224 = arith.constant 0 : i32
      %dma_start3A_1225 = tpu.memref_slice %arg8[%dma_start3A_1223, %dma_start3A_1224] : memref<1600x32xf32, #tpu.memory_space<vmem>> -> memref<200x32xf32, #tpu.memory_space<vmem>>
      %dma_start3A_1226 = arith.constant 0 : i32
      %dma_start3A_1227 = arith.constant 0 : i32
      %dma_start3A_1228 = tpu.memref_slice %arg4[%add3A_1222, %dma_start3A_1226, %dma_start3A_1227] : memref<16384x200x32xf32, #tpu.memory_space<hbm>> -> memref<1x200x32xf32, #tpu.memory_space<hbm>>
      %dma_start3A_1229 = tpu.memref_squeeze %dma_start3A_1228 : memref<1x200x32xf32, #tpu.memory_space<hbm>> -> memref<200x32xf32, #tpu.memory_space<hbm>>
      %dma_start3A_1230 = arith.constant 0 : i32
      %dma_start3A_1231 = arith.constant 0 : i32
      %dma_start3A_1232 = tpu.memref_slice %arg4[%add3A_1222, %dma_start3A_1230, %dma_start3A_1231] : memref<16384x200x32xf32, #tpu.memory_space<hbm>> -> memref<1x200x32xf32, #tpu.memory_space<hbm>>
      %dma_start3A_1233 = tpu.memref_squeeze %dma_start3A_1232 : memref<1x200x32xf32, #tpu.memory_space<hbm>> -> memref<200x32xf32, #tpu.memory_space<hbm>>
      %dma_start3A_1234 = arith.constant 1200 : i32
      %dma_start3A_1235 = arith.constant 0 : i32
      %dma_start3A_1236 = tpu.memref_slice %arg8[%dma_start3A_1234, %dma_start3A_1235] : memref<1600x32xf32, #tpu.memory_space<vmem>> -> memref<200x32xf32, #tpu.memory_space<vmem>>
      tpu.enqueue_dma source(%dma_start3A_1236 : memref<200x32xf32, #tpu.memory_space<vmem>>) target(%dma_start3A_1233 : memref<200x32xf32, #tpu.memory_space<hbm>>) target_semaphore(%arg12 : memref<!tpu.dma_semaphore, #tpu.memory_space<semaphore_mem>>)
      %mul3A_1237 = arith.constant 8 : i32
      %mul3A_1238 = arith.muli %add3A_462, %mul3A_1237 : i32
      %add3A_1239 = arith.addi %mul3A_2, %mul3A_1238 : i32
      %add3A_1240 = arith.constant 7 : i32
      %add3A_1241 = arith.addi %add3A_1239, %add3A_1240 : i32
      %dma_start3A_1242 = arith.constant 1400 : i32
      %dma_start3A_1243 = arith.constant 0 : i32
      %dma_start3A_1244 = tpu.memref_slice %arg8[%dma_start3A_1242, %dma_start3A_1243] : memref<1600x32xf32, #tpu.memory_space<vmem>> -> memref<200x32xf32, #tpu.memory_space<vmem>>
      %dma_start3A_1245 = arith.constant 0 : i32
      %dma_start3A_1246 = arith.constant 0 : i32
      %dma_start3A_1247 = tpu.memref_slice %arg4[%add3A_1241, %dma_start3A_1245, %dma_start3A_1246] : memref<16384x200x32xf32, #tpu.memory_space<hbm>> -> memref<1x200x32xf32, #tpu.memory_space<hbm>>
      %dma_start3A_1248 = tpu.memref_squeeze %dma_start3A_1247 : memref<1x200x32xf32, #tpu.memory_space<hbm>> -> memref<200x32xf32, #tpu.memory_space<hbm>>
      %dma_start3A_1249 = arith.constant 0 : i32
      %dma_start3A_1250 = arith.constant 0 : i32
      %dma_start3A_1251 = tpu.memref_slice %arg4[%add3A_1241, %dma_start3A_1249, %dma_start3A_1250] : memref<16384x200x32xf32, #tpu.memory_space<hbm>> -> memref<1x200x32xf32, #tpu.memory_space<hbm>>
      %dma_start3A_1252 = tpu.memref_squeeze %dma_start3A_1251 : memref<1x200x32xf32, #tpu.memory_space<hbm>> -> memref<200x32xf32, #tpu.memory_space<hbm>>
      %dma_start3A_1253 = arith.constant 1400 : i32
      %dma_start3A_1254 = arith.constant 0 : i32
      %dma_start3A_1255 = tpu.memref_slice %arg8[%dma_start3A_1253, %dma_start3A_1254] : memref<1600x32xf32, #tpu.memory_space<vmem>> -> memref<200x32xf32, #tpu.memory_space<vmem>>
      tpu.enqueue_dma source(%dma_start3A_1255 : memref<200x32xf32, #tpu.memory_space<vmem>>) target(%dma_start3A_1252 : memref<200x32xf32, #tpu.memory_space<hbm>>) target_semaphore(%arg12 : memref<!tpu.dma_semaphore, #tpu.memory_space<semaphore_mem>>)
    }
    %scan3A_170 = arith.constant 32 : i32
    %add3A_171 = arith.constant 496 : i32
    %add3A_172 = arith.addi %mul3A_2, %add3A_171 : i32
    %add3A_173 = arith.constant 0 : i32
    %add3A_174 = arith.addi %add3A_172, %add3A_173 : i32
    %dma_wait3A = arith.constant 0 : i32
    %dma_wait3A_175 = arith.constant 0 : i32
    %dma_wait3A_176 = tpu.memref_slice %arg7[%dma_wait3A, %dma_wait3A_175] : memref<1600x32xf32, #tpu.memory_space<vmem>> -> memref<200x32xf32, #tpu.memory_space<vmem>>
    %dma_wait3A_177 = arith.constant 0 : i32
    %dma_wait3A_178 = arith.constant 0 : i32
    %dma_wait3A_179 = tpu.memref_slice %arg4[%add3A_174, %dma_wait3A_177, %dma_wait3A_178] : memref<16384x200x32xf32, #tpu.memory_space<hbm>> -> memref<1x200x32xf32, #tpu.memory_space<hbm>>
    %dma_wait3A_180 = tpu.memref_squeeze %dma_wait3A_179 : memref<1x200x32xf32, #tpu.memory_space<hbm>> -> memref<200x32xf32, #tpu.memory_space<hbm>>
    %dma_wait3A_181 = arith.constant 0 : i32
    %dma_wait3A_182 = arith.constant 0 : i32
    %dma_wait3A_183 = tpu.memref_slice %arg4[%add3A_174, %dma_wait3A_181, %dma_wait3A_182] : memref<16384x200x32xf32, #tpu.memory_space<hbm>> -> memref<1x200x32xf32, #tpu.memory_space<hbm>>
    %dma_wait3A_184 = tpu.memref_squeeze %dma_wait3A_183 : memref<1x200x32xf32, #tpu.memory_space<hbm>> -> memref<200x32xf32, #tpu.memory_space<hbm>>
    %dma_wait3A_185 = arith.constant 0 : i32
    %dma_wait3A_186 = arith.constant 0 : i32
    %dma_wait3A_187 = tpu.memref_slice %arg7[%dma_wait3A_185, %dma_wait3A_186] : memref<1600x32xf32, #tpu.memory_space<vmem>> -> memref<200x32xf32, #tpu.memory_space<vmem>>
    tpu.wait_dma2 semaphore(%arg11 : memref<!tpu.dma_semaphore, #tpu.memory_space<semaphore_mem>>) src(%dma_wait3A_187 : memref<200x32xf32, #tpu.memory_space<vmem>>) dst(%dma_wait3A_184 : memref<200x32xf32, #tpu.memory_space<hbm>>)
    %add3A_188 = arith.constant 496 : i32
    %add3A_189 = arith.addi %mul3A_2, %add3A_188 : i32
    %add3A_190 = arith.constant 1 : i32
    %add3A_191 = arith.addi %add3A_189, %add3A_190 : i32
    %dma_wait3A_192 = arith.constant 200 : i32
    %dma_wait3A_193 = arith.constant 0 : i32
    %dma_wait3A_194 = tpu.memref_slice %arg7[%dma_wait3A_192, %dma_wait3A_193] : memref<1600x32xf32, #tpu.memory_space<vmem>> -> memref<200x32xf32, #tpu.memory_space<vmem>>
    %dma_wait3A_195 = arith.constant 0 : i32
    %dma_wait3A_196 = arith.constant 0 : i32
    %dma_wait3A_197 = tpu.memref_slice %arg4[%add3A_191, %dma_wait3A_195, %dma_wait3A_196] : memref<16384x200x32xf32, #tpu.memory_space<hbm>> -> memref<1x200x32xf32, #tpu.memory_space<hbm>>
    %dma_wait3A_198 = tpu.memref_squeeze %dma_wait3A_197 : memref<1x200x32xf32, #tpu.memory_space<hbm>> -> memref<200x32xf32, #tpu.memory_space<hbm>>
    %dma_wait3A_199 = arith.constant 0 : i32
    %dma_wait3A_200 = arith.constant 0 : i32
    %dma_wait3A_201 = tpu.memref_slice %arg4[%add3A_191, %dma_wait3A_199, %dma_wait3A_200] : memref<16384x200x32xf32, #tpu.memory_space<hbm>> -> memref<1x200x32xf32, #tpu.memory_space<hbm>>
    %dma_wait3A_202 = tpu.memref_squeeze %dma_wait3A_201 : memref<1x200x32xf32, #tpu.memory_space<hbm>> -> memref<200x32xf32, #tpu.memory_space<hbm>>
    %dma_wait3A_203 = arith.constant 200 : i32
    %dma_wait3A_204 = arith.constant 0 : i32
    %dma_wait3A_205 = tpu.memref_slice %arg7[%dma_wait3A_203, %dma_wait3A_204] : memref<1600x32xf32, #tpu.memory_space<vmem>> -> memref<200x32xf32, #tpu.memory_space<vmem>>
    tpu.wait_dma2 semaphore(%arg11 : memref<!tpu.dma_semaphore, #tpu.memory_space<semaphore_mem>>) src(%dma_wait3A_205 : memref<200x32xf32, #tpu.memory_space<vmem>>) dst(%dma_wait3A_202 : memref<200x32xf32, #tpu.memory_space<hbm>>)
    %add3A_206 = arith.constant 496 : i32
    %add3A_207 = arith.addi %mul3A_2, %add3A_206 : i32
    %add3A_208 = arith.constant 2 : i32
    %add3A_209 = arith.addi %add3A_207, %add3A_208 : i32
    %dma_wait3A_210 = arith.constant 400 : i32
    %dma_wait3A_211 = arith.constant 0 : i32
    %dma_wait3A_212 = tpu.memref_slice %arg7[%dma_wait3A_210, %dma_wait3A_211] : memref<1600x32xf32, #tpu.memory_space<vmem>> -> memref<200x32xf32, #tpu.memory_space<vmem>>
    %dma_wait3A_213 = arith.constant 0 : i32
    %dma_wait3A_214 = arith.constant 0 : i32
    %dma_wait3A_215 = tpu.memref_slice %arg4[%add3A_209, %dma_wait3A_213, %dma_wait3A_214] : memref<16384x200x32xf32, #tpu.memory_space<hbm>> -> memref<1x200x32xf32, #tpu.memory_space<hbm>>
    %dma_wait3A_216 = tpu.memref_squeeze %dma_wait3A_215 : memref<1x200x32xf32, #tpu.memory_space<hbm>> -> memref<200x32xf32, #tpu.memory_space<hbm>>
    %dma_wait3A_217 = arith.constant 0 : i32
    %dma_wait3A_218 = arith.constant 0 : i32
    %dma_wait3A_219 = tpu.memref_slice %arg4[%add3A_209, %dma_wait3A_217, %dma_wait3A_218] : memref<16384x200x32xf32, #tpu.memory_space<hbm>> -> memref<1x200x32xf32, #tpu.memory_space<hbm>>
    %dma_wait3A_220 = tpu.memref_squeeze %dma_wait3A_219 : memref<1x200x32xf32, #tpu.memory_space<hbm>> -> memref<200x32xf32, #tpu.memory_space<hbm>>
    %dma_wait3A_221 = arith.constant 400 : i32
    %dma_wait3A_222 = arith.constant 0 : i32
    %dma_wait3A_223 = tpu.memref_slice %arg7[%dma_wait3A_221, %dma_wait3A_222] : memref<1600x32xf32, #tpu.memory_space<vmem>> -> memref<200x32xf32, #tpu.memory_space<vmem>>
    tpu.wait_dma2 semaphore(%arg11 : memref<!tpu.dma_semaphore, #tpu.memory_space<semaphore_mem>>) src(%dma_wait3A_223 : memref<200x32xf32, #tpu.memory_space<vmem>>) dst(%dma_wait3A_220 : memref<200x32xf32, #tpu.memory_space<hbm>>)
    %add3A_224 = arith.constant 496 : i32
    %add3A_225 = arith.addi %mul3A_2, %add3A_224 : i32
    %add3A_226 = arith.constant 3 : i32
    %add3A_227 = arith.addi %add3A_225, %add3A_226 : i32
    %dma_wait3A_228 = arith.constant 600 : i32
    %dma_wait3A_229 = arith.constant 0 : i32
    %dma_wait3A_230 = tpu.memref_slice %arg7[%dma_wait3A_228, %dma_wait3A_229] : memref<1600x32xf32, #tpu.memory_space<vmem>> -> memref<200x32xf32, #tpu.memory_space<vmem>>
    %dma_wait3A_231 = arith.constant 0 : i32
    %dma_wait3A_232 = arith.constant 0 : i32
    %dma_wait3A_233 = tpu.memref_slice %arg4[%add3A_227, %dma_wait3A_231, %dma_wait3A_232] : memref<16384x200x32xf32, #tpu.memory_space<hbm>> -> memref<1x200x32xf32, #tpu.memory_space<hbm>>
    %dma_wait3A_234 = tpu.memref_squeeze %dma_wait3A_233 : memref<1x200x32xf32, #tpu.memory_space<hbm>> -> memref<200x32xf32, #tpu.memory_space<hbm>>
    %dma_wait3A_235 = arith.constant 0 : i32
    %dma_wait3A_236 = arith.constant 0 : i32
    %dma_wait3A_237 = tpu.memref_slice %arg4[%add3A_227, %dma_wait3A_235, %dma_wait3A_236] : memref<16384x200x32xf32, #tpu.memory_space<hbm>> -> memref<1x200x32xf32, #tpu.memory_space<hbm>>
    %dma_wait3A_238 = tpu.memref_squeeze %dma_wait3A_237 : memref<1x200x32xf32, #tpu.memory_space<hbm>> -> memref<200x32xf32, #tpu.memory_space<hbm>>
    %dma_wait3A_239 = arith.constant 600 : i32
    %dma_wait3A_240 = arith.constant 0 : i32
    %dma_wait3A_241 = tpu.memref_slice %arg7[%dma_wait3A_239, %dma_wait3A_240] : memref<1600x32xf32, #tpu.memory_space<vmem>> -> memref<200x32xf32, #tpu.memory_space<vmem>>
    tpu.wait_dma2 semaphore(%arg11 : memref<!tpu.dma_semaphore, #tpu.memory_space<semaphore_mem>>) src(%dma_wait3A_241 : memref<200x32xf32, #tpu.memory_space<vmem>>) dst(%dma_wait3A_238 : memref<200x32xf32, #tpu.memory_space<hbm>>)
    %add3A_242 = arith.constant 496 : i32
    %add3A_243 = arith.addi %mul3A_2, %add3A_242 : i32
    %add3A_244 = arith.constant 4 : i32
    %add3A_245 = arith.addi %add3A_243, %add3A_244 : i32
    %dma_wait3A_246 = arith.constant 800 : i32
    %dma_wait3A_247 = arith.constant 0 : i32
    %dma_wait3A_248 = tpu.memref_slice %arg7[%dma_wait3A_246, %dma_wait3A_247] : memref<1600x32xf32, #tpu.memory_space<vmem>> -> memref<200x32xf32, #tpu.memory_space<vmem>>
    %dma_wait3A_249 = arith.constant 0 : i32
    %dma_wait3A_250 = arith.constant 0 : i32
    %dma_wait3A_251 = tpu.memref_slice %arg4[%add3A_245, %dma_wait3A_249, %dma_wait3A_250] : memref<16384x200x32xf32, #tpu.memory_space<hbm>> -> memref<1x200x32xf32, #tpu.memory_space<hbm>>
    %dma_wait3A_252 = tpu.memref_squeeze %dma_wait3A_251 : memref<1x200x32xf32, #tpu.memory_space<hbm>> -> memref<200x32xf32, #tpu.memory_space<hbm>>
    %dma_wait3A_253 = arith.constant 0 : i32
    %dma_wait3A_254 = arith.constant 0 : i32
    %dma_wait3A_255 = tpu.memref_slice %arg4[%add3A_245, %dma_wait3A_253, %dma_wait3A_254] : memref<16384x200x32xf32, #tpu.memory_space<hbm>> -> memref<1x200x32xf32, #tpu.memory_space<hbm>>
    %dma_wait3A_256 = tpu.memref_squeeze %dma_wait3A_255 : memref<1x200x32xf32, #tpu.memory_space<hbm>> -> memref<200x32xf32, #tpu.memory_space<hbm>>
    %dma_wait3A_257 = arith.constant 800 : i32
    %dma_wait3A_258 = arith.constant 0 : i32
    %dma_wait3A_259 = tpu.memref_slice %arg7[%dma_wait3A_257, %dma_wait3A_258] : memref<1600x32xf32, #tpu.memory_space<vmem>> -> memref<200x32xf32, #tpu.memory_space<vmem>>
    tpu.wait_dma2 semaphore(%arg11 : memref<!tpu.dma_semaphore, #tpu.memory_space<semaphore_mem>>) src(%dma_wait3A_259 : memref<200x32xf32, #tpu.memory_space<vmem>>) dst(%dma_wait3A_256 : memref<200x32xf32, #tpu.memory_space<hbm>>)
    %add3A_260 = arith.constant 496 : i32
    %add3A_261 = arith.addi %mul3A_2, %add3A_260 : i32
    %add3A_262 = arith.constant 5 : i32
    %add3A_263 = arith.addi %add3A_261, %add3A_262 : i32
    %dma_wait3A_264 = arith.constant 1000 : i32
    %dma_wait3A_265 = arith.constant 0 : i32
    %dma_wait3A_266 = tpu.memref_slice %arg7[%dma_wait3A_264, %dma_wait3A_265] : memref<1600x32xf32, #tpu.memory_space<vmem>> -> memref<200x32xf32, #tpu.memory_space<vmem>>
    %dma_wait3A_267 = arith.constant 0 : i32
    %dma_wait3A_268 = arith.constant 0 : i32
    %dma_wait3A_269 = tpu.memref_slice %arg4[%add3A_263, %dma_wait3A_267, %dma_wait3A_268] : memref<16384x200x32xf32, #tpu.memory_space<hbm>> -> memref<1x200x32xf32, #tpu.memory_space<hbm>>
    %dma_wait3A_270 = tpu.memref_squeeze %dma_wait3A_269 : memref<1x200x32xf32, #tpu.memory_space<hbm>> -> memref<200x32xf32, #tpu.memory_space<hbm>>
    %dma_wait3A_271 = arith.constant 0 : i32
    %dma_wait3A_272 = arith.constant 0 : i32
    %dma_wait3A_273 = tpu.memref_slice %arg4[%add3A_263, %dma_wait3A_271, %dma_wait3A_272] : memref<16384x200x32xf32, #tpu.memory_space<hbm>> -> memref<1x200x32xf32, #tpu.memory_space<hbm>>
    %dma_wait3A_274 = tpu.memref_squeeze %dma_wait3A_273 : memref<1x200x32xf32, #tpu.memory_space<hbm>> -> memref<200x32xf32, #tpu.memory_space<hbm>>
    %dma_wait3A_275 = arith.constant 1000 : i32
    %dma_wait3A_276 = arith.constant 0 : i32
    %dma_wait3A_277 = tpu.memref_slice %arg7[%dma_wait3A_275, %dma_wait3A_276] : memref<1600x32xf32, #tpu.memory_space<vmem>> -> memref<200x32xf32, #tpu.memory_space<vmem>>
    tpu.wait_dma2 semaphore(%arg11 : memref<!tpu.dma_semaphore, #tpu.memory_space<semaphore_mem>>) src(%dma_wait3A_277 : memref<200x32xf32, #tpu.memory_space<vmem>>) dst(%dma_wait3A_274 : memref<200x32xf32, #tpu.memory_space<hbm>>)
    %add3A_278 = arith.constant 496 : i32
    %add3A_279 = arith.addi %mul3A_2, %add3A_278 : i32
    %add3A_280 = arith.constant 6 : i32
    %add3A_281 = arith.addi %add3A_279, %add3A_280 : i32
    %dma_wait3A_282 = arith.constant 1200 : i32
    %dma_wait3A_283 = arith.constant 0 : i32
    %dma_wait3A_284 = tpu.memref_slice %arg7[%dma_wait3A_282, %dma_wait3A_283] : memref<1600x32xf32, #tpu.memory_space<vmem>> -> memref<200x32xf32, #tpu.memory_space<vmem>>
    %dma_wait3A_285 = arith.constant 0 : i32
    %dma_wait3A_286 = arith.constant 0 : i32
    %dma_wait3A_287 = tpu.memref_slice %arg4[%add3A_281, %dma_wait3A_285, %dma_wait3A_286] : memref<16384x200x32xf32, #tpu.memory_space<hbm>> -> memref<1x200x32xf32, #tpu.memory_space<hbm>>
    %dma_wait3A_288 = tpu.memref_squeeze %dma_wait3A_287 : memref<1x200x32xf32, #tpu.memory_space<hbm>> -> memref<200x32xf32, #tpu.memory_space<hbm>>
    %dma_wait3A_289 = arith.constant 0 : i32
    %dma_wait3A_290 = arith.constant 0 : i32
    %dma_wait3A_291 = tpu.memref_slice %arg4[%add3A_281, %dma_wait3A_289, %dma_wait3A_290] : memref<16384x200x32xf32, #tpu.memory_space<hbm>> -> memref<1x200x32xf32, #tpu.memory_space<hbm>>
    %dma_wait3A_292 = tpu.memref_squeeze %dma_wait3A_291 : memref<1x200x32xf32, #tpu.memory_space<hbm>> -> memref<200x32xf32, #tpu.memory_space<hbm>>
    %dma_wait3A_293 = arith.constant 1200 : i32
    %dma_wait3A_294 = arith.constant 0 : i32
    %dma_wait3A_295 = tpu.memref_slice %arg7[%dma_wait3A_293, %dma_wait3A_294] : memref<1600x32xf32, #tpu.memory_space<vmem>> -> memref<200x32xf32, #tpu.memory_space<vmem>>
    tpu.wait_dma2 semaphore(%arg11 : memref<!tpu.dma_semaphore, #tpu.memory_space<semaphore_mem>>) src(%dma_wait3A_295 : memref<200x32xf32, #tpu.memory_space<vmem>>) dst(%dma_wait3A_292 : memref<200x32xf32, #tpu.memory_space<hbm>>)
    %add3A_296 = arith.constant 496 : i32
    %add3A_297 = arith.addi %mul3A_2, %add3A_296 : i32
    %add3A_298 = arith.constant 7 : i32
    %add3A_299 = arith.addi %add3A_297, %add3A_298 : i32
    %dma_wait3A_300 = arith.constant 1400 : i32
    %dma_wait3A_301 = arith.constant 0 : i32
    %dma_wait3A_302 = tpu.memref_slice %arg7[%dma_wait3A_300, %dma_wait3A_301] : memref<1600x32xf32, #tpu.memory_space<vmem>> -> memref<200x32xf32, #tpu.memory_space<vmem>>
    %dma_wait3A_303 = arith.constant 0 : i32
    %dma_wait3A_304 = arith.constant 0 : i32
    %dma_wait3A_305 = tpu.memref_slice %arg4[%add3A_299, %dma_wait3A_303, %dma_wait3A_304] : memref<16384x200x32xf32, #tpu.memory_space<hbm>> -> memref<1x200x32xf32, #tpu.memory_space<hbm>>
    %dma_wait3A_306 = tpu.memref_squeeze %dma_wait3A_305 : memref<1x200x32xf32, #tpu.memory_space<hbm>> -> memref<200x32xf32, #tpu.memory_space<hbm>>
    %dma_wait3A_307 = arith.constant 0 : i32
    %dma_wait3A_308 = arith.constant 0 : i32
    %dma_wait3A_309 = tpu.memref_slice %arg4[%add3A_299, %dma_wait3A_307, %dma_wait3A_308] : memref<16384x200x32xf32, #tpu.memory_space<hbm>> -> memref<1x200x32xf32, #tpu.memory_space<hbm>>
    %dma_wait3A_310 = tpu.memref_squeeze %dma_wait3A_309 : memref<1x200x32xf32, #tpu.memory_space<hbm>> -> memref<200x32xf32, #tpu.memory_space<hbm>>
    %dma_wait3A_311 = arith.constant 1400 : i32
    %dma_wait3A_312 = arith.constant 0 : i32
    %dma_wait3A_313 = tpu.memref_slice %arg7[%dma_wait3A_311, %dma_wait3A_312] : memref<1600x32xf32, #tpu.memory_space<vmem>> -> memref<200x32xf32, #tpu.memory_space<vmem>>
    tpu.wait_dma2 semaphore(%arg11 : memref<!tpu.dma_semaphore, #tpu.memory_space<semaphore_mem>>) src(%dma_wait3A_313 : memref<200x32xf32, #tpu.memory_space<vmem>>) dst(%dma_wait3A_310 : memref<200x32xf32, #tpu.memory_space<hbm>>)
    %add3A_314 = arith.constant 504 : i32
    %add3A_315 = arith.addi %mul3A_2, %add3A_314 : i32
    %add3A_316 = arith.constant 0 : i32
    %add3A_317 = arith.addi %add3A_315, %add3A_316 : i32
    %dma_wait3A_318 = arith.constant 0 : i32
    %dma_wait3A_319 = arith.constant 0 : i32
    %dma_wait3A_320 = tpu.memref_slice %arg8[%dma_wait3A_318, %dma_wait3A_319] : memref<1600x32xf32, #tpu.memory_space<vmem>> -> memref<200x32xf32, #tpu.memory_space<vmem>>
    %dma_wait3A_321 = arith.constant 0 : i32
    %dma_wait3A_322 = arith.constant 0 : i32
    %dma_wait3A_323 = tpu.memref_slice %arg4[%add3A_317, %dma_wait3A_321, %dma_wait3A_322] : memref<16384x200x32xf32, #tpu.memory_space<hbm>> -> memref<1x200x32xf32, #tpu.memory_space<hbm>>
    %dma_wait3A_324 = tpu.memref_squeeze %dma_wait3A_323 : memref<1x200x32xf32, #tpu.memory_space<hbm>> -> memref<200x32xf32, #tpu.memory_space<hbm>>
    %dma_wait3A_325 = arith.constant 0 : i32
    %dma_wait3A_326 = arith.constant 0 : i32
    %dma_wait3A_327 = tpu.memref_slice %arg4[%add3A_317, %dma_wait3A_325, %dma_wait3A_326] : memref<16384x200x32xf32, #tpu.memory_space<hbm>> -> memref<1x200x32xf32, #tpu.memory_space<hbm>>
    %dma_wait3A_328 = tpu.memref_squeeze %dma_wait3A_327 : memref<1x200x32xf32, #tpu.memory_space<hbm>> -> memref<200x32xf32, #tpu.memory_space<hbm>>
    %dma_wait3A_329 = arith.constant 0 : i32
    %dma_wait3A_330 = arith.constant 0 : i32
    %dma_wait3A_331 = tpu.memref_slice %arg8[%dma_wait3A_329, %dma_wait3A_330] : memref<1600x32xf32, #tpu.memory_space<vmem>> -> memref<200x32xf32, #tpu.memory_space<vmem>>
    tpu.wait_dma2 semaphore(%arg12 : memref<!tpu.dma_semaphore, #tpu.memory_space<semaphore_mem>>) src(%dma_wait3A_331 : memref<200x32xf32, #tpu.memory_space<vmem>>) dst(%dma_wait3A_328 : memref<200x32xf32, #tpu.memory_space<hbm>>)
    %add3A_332 = arith.constant 504 : i32
    %add3A_333 = arith.addi %mul3A_2, %add3A_332 : i32
    %add3A_334 = arith.constant 1 : i32
    %add3A_335 = arith.addi %add3A_333, %add3A_334 : i32
    %dma_wait3A_336 = arith.constant 200 : i32
    %dma_wait3A_337 = arith.constant 0 : i32
    %dma_wait3A_338 = tpu.memref_slice %arg8[%dma_wait3A_336, %dma_wait3A_337] : memref<1600x32xf32, #tpu.memory_space<vmem>> -> memref<200x32xf32, #tpu.memory_space<vmem>>
    %dma_wait3A_339 = arith.constant 0 : i32
    %dma_wait3A_340 = arith.constant 0 : i32
    %dma_wait3A_341 = tpu.memref_slice %arg4[%add3A_335, %dma_wait3A_339, %dma_wait3A_340] : memref<16384x200x32xf32, #tpu.memory_space<hbm>> -> memref<1x200x32xf32, #tpu.memory_space<hbm>>
    %dma_wait3A_342 = tpu.memref_squeeze %dma_wait3A_341 : memref<1x200x32xf32, #tpu.memory_space<hbm>> -> memref<200x32xf32, #tpu.memory_space<hbm>>
    %dma_wait3A_343 = arith.constant 0 : i32
    %dma_wait3A_344 = arith.constant 0 : i32
    %dma_wait3A_345 = tpu.memref_slice %arg4[%add3A_335, %dma_wait3A_343, %dma_wait3A_344] : memref<16384x200x32xf32, #tpu.memory_space<hbm>> -> memref<1x200x32xf32, #tpu.memory_space<hbm>>
    %dma_wait3A_346 = tpu.memref_squeeze %dma_wait3A_345 : memref<1x200x32xf32, #tpu.memory_space<hbm>> -> memref<200x32xf32, #tpu.memory_space<hbm>>
    %dma_wait3A_347 = arith.constant 200 : i32
    %dma_wait3A_348 = arith.constant 0 : i32
    %dma_wait3A_349 = tpu.memref_slice %arg8[%dma_wait3A_347, %dma_wait3A_348] : memref<1600x32xf32, #tpu.memory_space<vmem>> -> memref<200x32xf32, #tpu.memory_space<vmem>>
    tpu.wait_dma2 semaphore(%arg12 : memref<!tpu.dma_semaphore, #tpu.memory_space<semaphore_mem>>) src(%dma_wait3A_349 : memref<200x32xf32, #tpu.memory_space<vmem>>) dst(%dma_wait3A_346 : memref<200x32xf32, #tpu.memory_space<hbm>>)
    %add3A_350 = arith.constant 504 : i32
    %add3A_351 = arith.addi %mul3A_2, %add3A_350 : i32
    %add3A_352 = arith.constant 2 : i32
    %add3A_353 = arith.addi %add3A_351, %add3A_352 : i32
    %dma_wait3A_354 = arith.constant 400 : i32
    %dma_wait3A_355 = arith.constant 0 : i32
    %dma_wait3A_356 = tpu.memref_slice %arg8[%dma_wait3A_354, %dma_wait3A_355] : memref<1600x32xf32, #tpu.memory_space<vmem>> -> memref<200x32xf32, #tpu.memory_space<vmem>>
    %dma_wait3A_357 = arith.constant 0 : i32
    %dma_wait3A_358 = arith.constant 0 : i32
    %dma_wait3A_359 = tpu.memref_slice %arg4[%add3A_353, %dma_wait3A_357, %dma_wait3A_358] : memref<16384x200x32xf32, #tpu.memory_space<hbm>> -> memref<1x200x32xf32, #tpu.memory_space<hbm>>
    %dma_wait3A_360 = tpu.memref_squeeze %dma_wait3A_359 : memref<1x200x32xf32, #tpu.memory_space<hbm>> -> memref<200x32xf32, #tpu.memory_space<hbm>>
    %dma_wait3A_361 = arith.constant 0 : i32
    %dma_wait3A_362 = arith.constant 0 : i32
    %dma_wait3A_363 = tpu.memref_slice %arg4[%add3A_353, %dma_wait3A_361, %dma_wait3A_362] : memref<16384x200x32xf32, #tpu.memory_space<hbm>> -> memref<1x200x32xf32, #tpu.memory_space<hbm>>
    %dma_wait3A_364 = tpu.memref_squeeze %dma_wait3A_363 : memref<1x200x32xf32, #tpu.memory_space<hbm>> -> memref<200x32xf32, #tpu.memory_space<hbm>>
    %dma_wait3A_365 = arith.constant 400 : i32
    %dma_wait3A_366 = arith.constant 0 : i32
    %dma_wait3A_367 = tpu.memref_slice %arg8[%dma_wait3A_365, %dma_wait3A_366] : memref<1600x32xf32, #tpu.memory_space<vmem>> -> memref<200x32xf32, #tpu.memory_space<vmem>>
    tpu.wait_dma2 semaphore(%arg12 : memref<!tpu.dma_semaphore, #tpu.memory_space<semaphore_mem>>) src(%dma_wait3A_367 : memref<200x32xf32, #tpu.memory_space<vmem>>) dst(%dma_wait3A_364 : memref<200x32xf32, #tpu.memory_space<hbm>>)
    %add3A_368 = arith.constant 504 : i32
    %add3A_369 = arith.addi %mul3A_2, %add3A_368 : i32
    %add3A_370 = arith.constant 3 : i32
    %add3A_371 = arith.addi %add3A_369, %add3A_370 : i32
    %dma_wait3A_372 = arith.constant 600 : i32
    %dma_wait3A_373 = arith.constant 0 : i32
    %dma_wait3A_374 = tpu.memref_slice %arg8[%dma_wait3A_372, %dma_wait3A_373] : memref<1600x32xf32, #tpu.memory_space<vmem>> -> memref<200x32xf32, #tpu.memory_space<vmem>>
    %dma_wait3A_375 = arith.constant 0 : i32
    %dma_wait3A_376 = arith.constant 0 : i32
    %dma_wait3A_377 = tpu.memref_slice %arg4[%add3A_371, %dma_wait3A_375, %dma_wait3A_376] : memref<16384x200x32xf32, #tpu.memory_space<hbm>> -> memref<1x200x32xf32, #tpu.memory_space<hbm>>
    %dma_wait3A_378 = tpu.memref_squeeze %dma_wait3A_377 : memref<1x200x32xf32, #tpu.memory_space<hbm>> -> memref<200x32xf32, #tpu.memory_space<hbm>>
    %dma_wait3A_379 = arith.constant 0 : i32
    %dma_wait3A_380 = arith.constant 0 : i32
    %dma_wait3A_381 = tpu.memref_slice %arg4[%add3A_371, %dma_wait3A_379, %dma_wait3A_380] : memref<16384x200x32xf32, #tpu.memory_space<hbm>> -> memref<1x200x32xf32, #tpu.memory_space<hbm>>
    %dma_wait3A_382 = tpu.memref_squeeze %dma_wait3A_381 : memref<1x200x32xf32, #tpu.memory_space<hbm>> -> memref<200x32xf32, #tpu.memory_space<hbm>>
    %dma_wait3A_383 = arith.constant 600 : i32
    %dma_wait3A_384 = arith.constant 0 : i32
    %dma_wait3A_385 = tpu.memref_slice %arg8[%dma_wait3A_383, %dma_wait3A_384] : memref<1600x32xf32, #tpu.memory_space<vmem>> -> memref<200x32xf32, #tpu.memory_space<vmem>>
    tpu.wait_dma2 semaphore(%arg12 : memref<!tpu.dma_semaphore, #tpu.memory_space<semaphore_mem>>) src(%dma_wait3A_385 : memref<200x32xf32, #tpu.memory_space<vmem>>) dst(%dma_wait3A_382 : memref<200x32xf32, #tpu.memory_space<hbm>>)
    %add3A_386 = arith.constant 504 : i32
    %add3A_387 = arith.addi %mul3A_2, %add3A_386 : i32
    %add3A_388 = arith.constant 4 : i32
    %add3A_389 = arith.addi %add3A_387, %add3A_388 : i32
    %dma_wait3A_390 = arith.constant 800 : i32
    %dma_wait3A_391 = arith.constant 0 : i32
    %dma_wait3A_392 = tpu.memref_slice %arg8[%dma_wait3A_390, %dma_wait3A_391] : memref<1600x32xf32, #tpu.memory_space<vmem>> -> memref<200x32xf32, #tpu.memory_space<vmem>>
    %dma_wait3A_393 = arith.constant 0 : i32
    %dma_wait3A_394 = arith.constant 0 : i32
    %dma_wait3A_395 = tpu.memref_slice %arg4[%add3A_389, %dma_wait3A_393, %dma_wait3A_394] : memref<16384x200x32xf32, #tpu.memory_space<hbm>> -> memref<1x200x32xf32, #tpu.memory_space<hbm>>
    %dma_wait3A_396 = tpu.memref_squeeze %dma_wait3A_395 : memref<1x200x32xf32, #tpu.memory_space<hbm>> -> memref<200x32xf32, #tpu.memory_space<hbm>>
    %dma_wait3A_397 = arith.constant 0 : i32
    %dma_wait3A_398 = arith.constant 0 : i32
    %dma_wait3A_399 = tpu.memref_slice %arg4[%add3A_389, %dma_wait3A_397, %dma_wait3A_398] : memref<16384x200x32xf32, #tpu.memory_space<hbm>> -> memref<1x200x32xf32, #tpu.memory_space<hbm>>
    %dma_wait3A_400 = tpu.memref_squeeze %dma_wait3A_399 : memref<1x200x32xf32, #tpu.memory_space<hbm>> -> memref<200x32xf32, #tpu.memory_space<hbm>>
    %dma_wait3A_401 = arith.constant 800 : i32
    %dma_wait3A_402 = arith.constant 0 : i32
    %dma_wait3A_403 = tpu.memref_slice %arg8[%dma_wait3A_401, %dma_wait3A_402] : memref<1600x32xf32, #tpu.memory_space<vmem>> -> memref<200x32xf32, #tpu.memory_space<vmem>>
    tpu.wait_dma2 semaphore(%arg12 : memref<!tpu.dma_semaphore, #tpu.memory_space<semaphore_mem>>) src(%dma_wait3A_403 : memref<200x32xf32, #tpu.memory_space<vmem>>) dst(%dma_wait3A_400 : memref<200x32xf32, #tpu.memory_space<hbm>>)
    %add3A_404 = arith.constant 504 : i32
    %add3A_405 = arith.addi %mul3A_2, %add3A_404 : i32
    %add3A_406 = arith.constant 5 : i32
    %add3A_407 = arith.addi %add3A_405, %add3A_406 : i32
    %dma_wait3A_408 = arith.constant 1000 : i32
    %dma_wait3A_409 = arith.constant 0 : i32
    %dma_wait3A_410 = tpu.memref_slice %arg8[%dma_wait3A_408, %dma_wait3A_409] : memref<1600x32xf32, #tpu.memory_space<vmem>> -> memref<200x32xf32, #tpu.memory_space<vmem>>
    %dma_wait3A_411 = arith.constant 0 : i32
    %dma_wait3A_412 = arith.constant 0 : i32
    %dma_wait3A_413 = tpu.memref_slice %arg4[%add3A_407, %dma_wait3A_411, %dma_wait3A_412] : memref<16384x200x32xf32, #tpu.memory_space<hbm>> -> memref<1x200x32xf32, #tpu.memory_space<hbm>>
    %dma_wait3A_414 = tpu.memref_squeeze %dma_wait3A_413 : memref<1x200x32xf32, #tpu.memory_space<hbm>> -> memref<200x32xf32, #tpu.memory_space<hbm>>
    %dma_wait3A_415 = arith.constant 0 : i32
    %dma_wait3A_416 = arith.constant 0 : i32
    %dma_wait3A_417 = tpu.memref_slice %arg4[%add3A_407, %dma_wait3A_415, %dma_wait3A_416] : memref<16384x200x32xf32, #tpu.memory_space<hbm>> -> memref<1x200x32xf32, #tpu.memory_space<hbm>>
    %dma_wait3A_418 = tpu.memref_squeeze %dma_wait3A_417 : memref<1x200x32xf32, #tpu.memory_space<hbm>> -> memref<200x32xf32, #tpu.memory_space<hbm>>
    %dma_wait3A_419 = arith.constant 1000 : i32
    %dma_wait3A_420 = arith.constant 0 : i32
    %dma_wait3A_421 = tpu.memref_slice %arg8[%dma_wait3A_419, %dma_wait3A_420] : memref<1600x32xf32, #tpu.memory_space<vmem>> -> memref<200x32xf32, #tpu.memory_space<vmem>>
    tpu.wait_dma2 semaphore(%arg12 : memref<!tpu.dma_semaphore, #tpu.memory_space<semaphore_mem>>) src(%dma_wait3A_421 : memref<200x32xf32, #tpu.memory_space<vmem>>) dst(%dma_wait3A_418 : memref<200x32xf32, #tpu.memory_space<hbm>>)
    %add3A_422 = arith.constant 504 : i32
    %add3A_423 = arith.addi %mul3A_2, %add3A_422 : i32
    %add3A_424 = arith.constant 6 : i32
    %add3A_425 = arith.addi %add3A_423, %add3A_424 : i32
    %dma_wait3A_426 = arith.constant 1200 : i32
    %dma_wait3A_427 = arith.constant 0 : i32
    %dma_wait3A_428 = tpu.memref_slice %arg8[%dma_wait3A_426, %dma_wait3A_427] : memref<1600x32xf32, #tpu.memory_space<vmem>> -> memref<200x32xf32, #tpu.memory_space<vmem>>
    %dma_wait3A_429 = arith.constant 0 : i32
    %dma_wait3A_430 = arith.constant 0 : i32
    %dma_wait3A_431 = tpu.memref_slice %arg4[%add3A_425, %dma_wait3A_429, %dma_wait3A_430] : memref<16384x200x32xf32, #tpu.memory_space<hbm>> -> memref<1x200x32xf32, #tpu.memory_space<hbm>>
    %dma_wait3A_432 = tpu.memref_squeeze %dma_wait3A_431 : memref<1x200x32xf32, #tpu.memory_space<hbm>> -> memref<200x32xf32, #tpu.memory_space<hbm>>
    %dma_wait3A_433 = arith.constant 0 : i32
    %dma_wait3A_434 = arith.constant 0 : i32
    %dma_wait3A_435 = tpu.memref_slice %arg4[%add3A_425, %dma_wait3A_433, %dma_wait3A_434] : memref<16384x200x32xf32, #tpu.memory_space<hbm>> -> memref<1x200x32xf32, #tpu.memory_space<hbm>>
    %dma_wait3A_436 = tpu.memref_squeeze %dma_wait3A_435 : memref<1x200x32xf32, #tpu.memory_space<hbm>> -> memref<200x32xf32, #tpu.memory_space<hbm>>
    %dma_wait3A_437 = arith.constant 1200 : i32
    %dma_wait3A_438 = arith.constant 0 : i32
    %dma_wait3A_439 = tpu.memref_slice %arg8[%dma_wait3A_437, %dma_wait3A_438] : memref<1600x32xf32, #tpu.memory_space<vmem>> -> memref<200x32xf32, #tpu.memory_space<vmem>>
    tpu.wait_dma2 semaphore(%arg12 : memref<!tpu.dma_semaphore, #tpu.memory_space<semaphore_mem>>) src(%dma_wait3A_439 : memref<200x32xf32, #tpu.memory_space<vmem>>) dst(%dma_wait3A_436 : memref<200x32xf32, #tpu.memory_space<hbm>>)
    %add3A_440 = arith.constant 504 : i32
    %add3A_441 = arith.addi %mul3A_2, %add3A_440 : i32
    %add3A_442 = arith.constant 7 : i32
    %add3A_443 = arith.addi %add3A_441, %add3A_442 : i32
    %dma_wait3A_444 = arith.constant 1400 : i32
    %dma_wait3A_445 = arith.constant 0 : i32
    %dma_wait3A_446 = tpu.memref_slice %arg8[%dma_wait3A_444, %dma_wait3A_445] : memref<1600x32xf32, #tpu.memory_space<vmem>> -> memref<200x32xf32, #tpu.memory_space<vmem>>
    %dma_wait3A_447 = arith.constant 0 : i32
    %dma_wait3A_448 = arith.constant 0 : i32
    %dma_wait3A_449 = tpu.memref_slice %arg4[%add3A_443, %dma_wait3A_447, %dma_wait3A_448] : memref<16384x200x32xf32, #tpu.memory_space<hbm>> -> memref<1x200x32xf32, #tpu.memory_space<hbm>>
    %dma_wait3A_450 = tpu.memref_squeeze %dma_wait3A_449 : memref<1x200x32xf32, #tpu.memory_space<hbm>> -> memref<200x32xf32, #tpu.memory_space<hbm>>
    %dma_wait3A_451 = arith.constant 0 : i32
    %dma_wait3A_452 = arith.constant 0 : i32
    %dma_wait3A_453 = tpu.memref_slice %arg4[%add3A_443, %dma_wait3A_451, %dma_wait3A_452] : memref<16384x200x32xf32, #tpu.memory_space<hbm>> -> memref<1x200x32xf32, #tpu.memory_space<hbm>>
    %dma_wait3A_454 = tpu.memref_squeeze %dma_wait3A_453 : memref<1x200x32xf32, #tpu.memory_space<hbm>> -> memref<200x32xf32, #tpu.memory_space<hbm>>
    %dma_wait3A_455 = arith.constant 1400 : i32
    %dma_wait3A_456 = arith.constant 0 : i32
    %dma_wait3A_457 = tpu.memref_slice %arg8[%dma_wait3A_455, %dma_wait3A_456] : memref<1600x32xf32, #tpu.memory_space<vmem>> -> memref<200x32xf32, #tpu.memory_space<vmem>>
    tpu.wait_dma2 semaphore(%arg12 : memref<!tpu.dma_semaphore, #tpu.memory_space<semaphore_mem>>) src(%dma_wait3A_457 : memref<200x32xf32, #tpu.memory_space<vmem>>) dst(%dma_wait3A_454 : memref<200x32xf32, #tpu.memory_space<hbm>>)
    return
  }
}

module attributes {stable_mosaic.version = 14 : i64} {
  func.func @body(%arg0: i32, %arg1: memref<6400x128xf32, #tpu.memory_space<vmem>>, %arg2: memref<200x32x128xf32, #tpu.memory_space<vmem>>) attributes {dimension_semantics = [#tpu.dimension_semantics<arbitrary>], iteration_bounds = array<i64: 128>, scalar_prefetch = 0 : i64, scratch_operands = 0 : i64, tpu.core_type = #tpu.core_type<tc>, window_params = [{transform_indices = @transform_0, window_bounds = array<i64: 6400, 128>}, {transform_indices = @transform_1, window_bounds = array<i64: 200, 32, 128>}]} {
    %get3A = arith.constant 0 : index
    %get3A_0 = arith.constant 0 : index
    %get3A_1 = vector.load %arg1[%get3A, %get3A_0] : memref<6400x128xf32, #tpu.memory_space<vmem>>, vector<6400x128xf32>
    %reshape3A = vector.shape_cast %get3A_1 : vector<6400x128xf32> to vector<128x50x128xf32>
    %slice3A = vector.extract_strided_slice %reshape3A {offsets = [0, 0, 0], sizes = [128, 1, 128], strides = [1, 1, 1]} : vector<128x50x128xf32> to vector<128x1x128xf32>
    %squeeze3A = vector.shape_cast %slice3A : vector<128x1x128xf32> to vector<128x128xf32>
    %transpose3A = tpu.transpose %squeeze3A, [1, 0] : vector<128x128xf32> -> vector<128x128xf32>
    %mul3A = arith.constant 5.65685415 : f32
    %mul3A_2 = vector.broadcast %mul3A : f32 to vector<128x128xf32>
    %mul3A_3 = arith.mulf %transpose3A, %mul3A_2 : vector<128x128xf32>
    %reshape3A_4 = vector.shape_cast %mul3A_3 : vector<128x128xf32> to vector<4x32x128xf32>
    %swap3A = arith.constant 0 : index
    %swap3A_5 = arith.constant 0 : index
    %swap3A_6 = arith.constant 0 : index
    %swap3A_7 = vector.load %arg2[%swap3A, %swap3A_5, %swap3A_6] : memref<200x32x128xf32, #tpu.memory_space<vmem>>, vector<4x32x128xf32>
    tpu.vector_store %arg2[%swap3A, %swap3A_5, %swap3A_6], %reshape3A_4 {strides = array<i32>} : memref<200x32x128xf32, #tpu.memory_space<vmem>>, vector<4x32x128xf32>,
    %slice3A_8 = vector.extract_strided_slice %reshape3A {offsets = [0, 1, 0], sizes = [128, 1, 128], strides = [1, 1, 1]} : vector<128x50x128xf32> to vector<128x1x128xf32>
    %squeeze3A_9 = vector.shape_cast %slice3A_8 : vector<128x1x128xf32> to vector<128x128xf32>
    %transpose3A_10 = tpu.transpose %squeeze3A_9, [1, 0] : vector<128x128xf32> -> vector<128x128xf32>
    %mul3A_11 = arith.constant 5.65685415 : f32
    %mul3A_12 = vector.broadcast %mul3A_11 : f32 to vector<128x128xf32>
    %mul3A_13 = arith.mulf %transpose3A_10, %mul3A_12 : vector<128x128xf32>
    %reshape3A_14 = vector.shape_cast %mul3A_13 : vector<128x128xf32> to vector<4x32x128xf32>
    %swap3A_15 = arith.constant 4 : index
    %swap3A_16 = arith.constant 0 : index
    %swap3A_17 = arith.constant 0 : index
    %swap3A_18 = vector.load %arg2[%swap3A_15, %swap3A_16, %swap3A_17] : memref<200x32x128xf32, #tpu.memory_space<vmem>>, vector<4x32x128xf32>
    tpu.vector_store %arg2[%swap3A_15, %swap3A_16, %swap3A_17], %reshape3A_14 {strides = array<i32>} : memref<200x32x128xf32, #tpu.memory_space<vmem>>, vector<4x32x128xf32>,
    %slice3A_19 = vector.extract_strided_slice %reshape3A {offsets = [0, 2, 0], sizes = [128, 1, 128], strides = [1, 1, 1]} : vector<128x50x128xf32> to vector<128x1x128xf32>
    %squeeze3A_20 = vector.shape_cast %slice3A_19 : vector<128x1x128xf32> to vector<128x128xf32>
    %transpose3A_21 = tpu.transpose %squeeze3A_20, [1, 0] : vector<128x128xf32> -> vector<128x128xf32>
    %mul3A_22 = arith.constant 5.65685415 : f32
    %mul3A_23 = vector.broadcast %mul3A_22 : f32 to vector<128x128xf32>
    %mul3A_24 = arith.mulf %transpose3A_21, %mul3A_23 : vector<128x128xf32>
    %reshape3A_25 = vector.shape_cast %mul3A_24 : vector<128x128xf32> to vector<4x32x128xf32>
    %swap3A_26 = arith.constant 8 : index
    %swap3A_27 = arith.constant 0 : index
    %swap3A_28 = arith.constant 0 : index
    %swap3A_29 = vector.load %arg2[%swap3A_26, %swap3A_27, %swap3A_28] : memref<200x32x128xf32, #tpu.memory_space<vmem>>, vector<4x32x128xf32>
    tpu.vector_store %arg2[%swap3A_26, %swap3A_27, %swap3A_28], %reshape3A_25 {strides = array<i32>} : memref<200x32x128xf32, #tpu.memory_space<vmem>>, vector<4x32x128xf32>,
    %slice3A_30 = vector.extract_strided_slice %reshape3A {offsets = [0, 3, 0], sizes = [128, 1, 128], strides = [1, 1, 1]} : vector<128x50x128xf32> to vector<128x1x128xf32>
    %squeeze3A_31 = vector.shape_cast %slice3A_30 : vector<128x1x128xf32> to vector<128x128xf32>
    %transpose3A_32 = tpu.transpose %squeeze3A_31, [1, 0] : vector<128x128xf32> -> vector<128x128xf32>
    %mul3A_33 = arith.constant 5.65685415 : f32
    %mul3A_34 = vector.broadcast %mul3A_33 : f32 to vector<128x128xf32>
    %mul3A_35 = arith.mulf %transpose3A_32, %mul3A_34 : vector<128x128xf32>
    %reshape3A_36 = vector.shape_cast %mul3A_35 : vector<128x128xf32> to vector<4x32x128xf32>
    %swap3A_37 = arith.constant 12 : index
    %swap3A_38 = arith.constant 0 : index
    %swap3A_39 = arith.constant 0 : index
    %swap3A_40 = vector.load %arg2[%swap3A_37, %swap3A_38, %swap3A_39] : memref<200x32x128xf32, #tpu.memory_space<vmem>>, vector<4x32x128xf32>
    tpu.vector_store %arg2[%swap3A_37, %swap3A_38, %swap3A_39], %reshape3A_36 {strides = array<i32>} : memref<200x32x128xf32, #tpu.memory_space<vmem>>, vector<4x32x128xf32>,
    %slice3A_41 = vector.extract_strided_slice %reshape3A {offsets = [0, 4, 0], sizes = [128, 1, 128], strides = [1, 1, 1]} : vector<128x50x128xf32> to vector<128x1x128xf32>
    %squeeze3A_42 = vector.shape_cast %slice3A_41 : vector<128x1x128xf32> to vector<128x128xf32>
    %transpose3A_43 = tpu.transpose %squeeze3A_42, [1, 0] : vector<128x128xf32> -> vector<128x128xf32>
    %mul3A_44 = arith.constant 5.65685415 : f32
    %mul3A_45 = vector.broadcast %mul3A_44 : f32 to vector<128x128xf32>
    %mul3A_46 = arith.mulf %transpose3A_43, %mul3A_45 : vector<128x128xf32>
    %reshape3A_47 = vector.shape_cast %mul3A_46 : vector<128x128xf32> to vector<4x32x128xf32>
    %swap3A_48 = arith.constant 16 : index
    %swap3A_49 = arith.constant 0 : index
    %swap3A_50 = arith.constant 0 : index
    %swap3A_51 = vector.load %arg2[%swap3A_48, %swap3A_49, %swap3A_50] : memref<200x32x128xf32, #tpu.memory_space<vmem>>, vector<4x32x128xf32>
    tpu.vector_store %arg2[%swap3A_48, %swap3A_49, %swap3A_50], %reshape3A_47 {strides = array<i32>} : memref<200x32x128xf32, #tpu.memory_space<vmem>>, vector<4x32x128xf32>,
    %slice3A_52 = vector.extract_strided_slice %reshape3A {offsets = [0, 5, 0], sizes = [128, 1, 128], strides = [1, 1, 1]} : vector<128x50x128xf32> to vector<128x1x128xf32>
    %squeeze3A_53 = vector.shape_cast %slice3A_52 : vector<128x1x128xf32> to vector<128x128xf32>
    %transpose3A_54 = tpu.transpose %squeeze3A_53, [1, 0] : vector<128x128xf32> -> vector<128x128xf32>
    %mul3A_55 = arith.constant 5.65685415 : f32
    %mul3A_56 = vector.broadcast %mul3A_55 : f32 to vector<128x128xf32>
    %mul3A_57 = arith.mulf %transpose3A_54, %mul3A_56 : vector<128x128xf32>
    %reshape3A_58 = vector.shape_cast %mul3A_57 : vector<128x128xf32> to vector<4x32x128xf32>
    %swap3A_59 = arith.constant 20 : index
    %swap3A_60 = arith.constant 0 : index
    %swap3A_61 = arith.constant 0 : index
    %swap3A_62 = vector.load %arg2[%swap3A_59, %swap3A_60, %swap3A_61] : memref<200x32x128xf32, #tpu.memory_space<vmem>>, vector<4x32x128xf32>
    tpu.vector_store %arg2[%swap3A_59, %swap3A_60, %swap3A_61], %reshape3A_58 {strides = array<i32>} : memref<200x32x128xf32, #tpu.memory_space<vmem>>, vector<4x32x128xf32>,
    %slice3A_63 = vector.extract_strided_slice %reshape3A {offsets = [0, 6, 0], sizes = [128, 1, 128], strides = [1, 1, 1]} : vector<128x50x128xf32> to vector<128x1x128xf32>
    %squeeze3A_64 = vector.shape_cast %slice3A_63 : vector<128x1x128xf32> to vector<128x128xf32>
    %transpose3A_65 = tpu.transpose %squeeze3A_64, [1, 0] : vector<128x128xf32> -> vector<128x128xf32>
    %mul3A_66 = arith.constant 5.65685415 : f32
    %mul3A_67 = vector.broadcast %mul3A_66 : f32 to vector<128x128xf32>
    %mul3A_68 = arith.mulf %transpose3A_65, %mul3A_67 : vector<128x128xf32>
    %reshape3A_69 = vector.shape_cast %mul3A_68 : vector<128x128xf32> to vector<4x32x128xf32>
    %swap3A_70 = arith.constant 24 : index
    %swap3A_71 = arith.constant 0 : index
    %swap3A_72 = arith.constant 0 : index
    %swap3A_73 = vector.load %arg2[%swap3A_70, %swap3A_71, %swap3A_72] : memref<200x32x128xf32, #tpu.memory_space<vmem>>, vector<4x32x128xf32>
    tpu.vector_store %arg2[%swap3A_70, %swap3A_71, %swap3A_72], %reshape3A_69 {strides = array<i32>} : memref<200x32x128xf32, #tpu.memory_space<vmem>>, vector<4x32x128xf32>,
    %slice3A_74 = vector.extract_strided_slice %reshape3A {offsets = [0, 7, 0], sizes = [128, 1, 128], strides = [1, 1, 1]} : vector<128x50x128xf32> to vector<128x1x128xf32>
    %squeeze3A_75 = vector.shape_cast %slice3A_74 : vector<128x1x128xf32> to vector<128x128xf32>
    %transpose3A_76 = tpu.transpose %squeeze3A_75, [1, 0] : vector<128x128xf32> -> vector<128x128xf32>
    %mul3A_77 = arith.constant 5.65685415 : f32
    %mul3A_78 = vector.broadcast %mul3A_77 : f32 to vector<128x128xf32>
    %mul3A_79 = arith.mulf %transpose3A_76, %mul3A_78 : vector<128x128xf32>
    %reshape3A_80 = vector.shape_cast %mul3A_79 : vector<128x128xf32> to vector<4x32x128xf32>
    %swap3A_81 = arith.constant 28 : index
    %swap3A_82 = arith.constant 0 : index
    %swap3A_83 = arith.constant 0 : index
    %swap3A_84 = vector.load %arg2[%swap3A_81, %swap3A_82, %swap3A_83] : memref<200x32x128xf32, #tpu.memory_space<vmem>>, vector<4x32x128xf32>
    tpu.vector_store %arg2[%swap3A_81, %swap3A_82, %swap3A_83], %reshape3A_80 {strides = array<i32>} : memref<200x32x128xf32, #tpu.memory_space<vmem>>, vector<4x32x128xf32>,
    %slice3A_85 = vector.extract_strided_slice %reshape3A {offsets = [0, 8, 0], sizes = [128, 1, 128], strides = [1, 1, 1]} : vector<128x50x128xf32> to vector<128x1x128xf32>
    %squeeze3A_86 = vector.shape_cast %slice3A_85 : vector<128x1x128xf32> to vector<128x128xf32>
    %transpose3A_87 = tpu.transpose %squeeze3A_86, [1, 0] : vector<128x128xf32> -> vector<128x128xf32>
    %mul3A_88 = arith.constant 5.65685415 : f32
    %mul3A_89 = vector.broadcast %mul3A_88 : f32 to vector<128x128xf32>
    %mul3A_90 = arith.mulf %transpose3A_87, %mul3A_89 : vector<128x128xf32>
    %reshape3A_91 = vector.shape_cast %mul3A_90 : vector<128x128xf32> to vector<4x32x128xf32>
    %swap3A_92 = arith.constant 32 : index
    %swap3A_93 = arith.constant 0 : index
    %swap3A_94 = arith.constant 0 : index
    %swap3A_95 = vector.load %arg2[%swap3A_92, %swap3A_93, %swap3A_94] : memref<200x32x128xf32, #tpu.memory_space<vmem>>, vector<4x32x128xf32>
    tpu.vector_store %arg2[%swap3A_92, %swap3A_93, %swap3A_94], %reshape3A_91 {strides = array<i32>} : memref<200x32x128xf32, #tpu.memory_space<vmem>>, vector<4x32x128xf32>,
    %slice3A_96 = vector.extract_strided_slice %reshape3A {offsets = [0, 9, 0], sizes = [128, 1, 128], strides = [1, 1, 1]} : vector<128x50x128xf32> to vector<128x1x128xf32>
    %squeeze3A_97 = vector.shape_cast %slice3A_96 : vector<128x1x128xf32> to vector<128x128xf32>
    %transpose3A_98 = tpu.transpose %squeeze3A_97, [1, 0] : vector<128x128xf32> -> vector<128x128xf32>
    %mul3A_99 = arith.constant 5.65685415 : f32
    %mul3A_100 = vector.broadcast %mul3A_99 : f32 to vector<128x128xf32>
    %mul3A_101 = arith.mulf %transpose3A_98, %mul3A_100 : vector<128x128xf32>
    %reshape3A_102 = vector.shape_cast %mul3A_101 : vector<128x128xf32> to vector<4x32x128xf32>
    %swap3A_103 = arith.constant 36 : index
    %swap3A_104 = arith.constant 0 : index
    %swap3A_105 = arith.constant 0 : index
    %swap3A_106 = vector.load %arg2[%swap3A_103, %swap3A_104, %swap3A_105] : memref<200x32x128xf32, #tpu.memory_space<vmem>>, vector<4x32x128xf32>
    tpu.vector_store %arg2[%swap3A_103, %swap3A_104, %swap3A_105], %reshape3A_102 {strides = array<i32>} : memref<200x32x128xf32, #tpu.memory_space<vmem>>, vector<4x32x128xf32>,
    %slice3A_107 = vector.extract_strided_slice %reshape3A {offsets = [0, 10, 0], sizes = [128, 1, 128], strides = [1, 1, 1]} : vector<128x50x128xf32> to vector<128x1x128xf32>
    %squeeze3A_108 = vector.shape_cast %slice3A_107 : vector<128x1x128xf32> to vector<128x128xf32>
    %transpose3A_109 = tpu.transpose %squeeze3A_108, [1, 0] : vector<128x128xf32> -> vector<128x128xf32>
    %mul3A_110 = arith.constant 5.65685415 : f32
    %mul3A_111 = vector.broadcast %mul3A_110 : f32 to vector<128x128xf32>
    %mul3A_112 = arith.mulf %transpose3A_109, %mul3A_111 : vector<128x128xf32>
    %reshape3A_113 = vector.shape_cast %mul3A_112 : vector<128x128xf32> to vector<4x32x128xf32>
    %swap3A_114 = arith.constant 40 : index
    %swap3A_115 = arith.constant 0 : index
    %swap3A_116 = arith.constant 0 : index
    %swap3A_117 = vector.load %arg2[%swap3A_114, %swap3A_115, %swap3A_116] : memref<200x32x128xf32, #tpu.memory_space<vmem>>, vector<4x32x128xf32>
    tpu.vector_store %arg2[%swap3A_114, %swap3A_115, %swap3A_116], %reshape3A_113 {strides = array<i32>} : memref<200x32x128xf32, #tpu.memory_space<vmem>>, vector<4x32x128xf32>,
    %slice3A_118 = vector.extract_strided_slice %reshape3A {offsets = [0, 11, 0], sizes = [128, 1, 128], strides = [1, 1, 1]} : vector<128x50x128xf32> to vector<128x1x128xf32>
    %squeeze3A_119 = vector.shape_cast %slice3A_118 : vector<128x1x128xf32> to vector<128x128xf32>
    %transpose3A_120 = tpu.transpose %squeeze3A_119, [1, 0] : vector<128x128xf32> -> vector<128x128xf32>
    %mul3A_121 = arith.constant 5.65685415 : f32
    %mul3A_122 = vector.broadcast %mul3A_121 : f32 to vector<128x128xf32>
    %mul3A_123 = arith.mulf %transpose3A_120, %mul3A_122 : vector<128x128xf32>
    %reshape3A_124 = vector.shape_cast %mul3A_123 : vector<128x128xf32> to vector<4x32x128xf32>
    %swap3A_125 = arith.constant 44 : index
    %swap3A_126 = arith.constant 0 : index
    %swap3A_127 = arith.constant 0 : index
    %swap3A_128 = vector.load %arg2[%swap3A_125, %swap3A_126, %swap3A_127] : memref<200x32x128xf32, #tpu.memory_space<vmem>>, vector<4x32x128xf32>
    tpu.vector_store %arg2[%swap3A_125, %swap3A_126, %swap3A_127], %reshape3A_124 {strides = array<i32>} : memref<200x32x128xf32, #tpu.memory_space<vmem>>, vector<4x32x128xf32>,
    %slice3A_129 = vector.extract_strided_slice %reshape3A {offsets = [0, 12, 0], sizes = [128, 1, 128], strides = [1, 1, 1]} : vector<128x50x128xf32> to vector<128x1x128xf32>
    %squeeze3A_130 = vector.shape_cast %slice3A_129 : vector<128x1x128xf32> to vector<128x128xf32>
    %transpose3A_131 = tpu.transpose %squeeze3A_130, [1, 0] : vector<128x128xf32> -> vector<128x128xf32>
    %mul3A_132 = arith.constant 5.65685415 : f32
    %mul3A_133 = vector.broadcast %mul3A_132 : f32 to vector<128x128xf32>
    %mul3A_134 = arith.mulf %transpose3A_131, %mul3A_133 : vector<128x128xf32>
    %reshape3A_135 = vector.shape_cast %mul3A_134 : vector<128x128xf32> to vector<4x32x128xf32>
    %swap3A_136 = arith.constant 48 : index
    %swap3A_137 = arith.constant 0 : index
    %swap3A_138 = arith.constant 0 : index
    %swap3A_139 = vector.load %arg2[%swap3A_136, %swap3A_137, %swap3A_138] : memref<200x32x128xf32, #tpu.memory_space<vmem>>, vector<4x32x128xf32>
    tpu.vector_store %arg2[%swap3A_136, %swap3A_137, %swap3A_138], %reshape3A_135 {strides = array<i32>} : memref<200x32x128xf32, #tpu.memory_space<vmem>>, vector<4x32x128xf32>,
    %slice3A_140 = vector.extract_strided_slice %reshape3A {offsets = [0, 13, 0], sizes = [128, 1, 128], strides = [1, 1, 1]} : vector<128x50x128xf32> to vector<128x1x128xf32>
    %squeeze3A_141 = vector.shape_cast %slice3A_140 : vector<128x1x128xf32> to vector<128x128xf32>
    %transpose3A_142 = tpu.transpose %squeeze3A_141, [1, 0] : vector<128x128xf32> -> vector<128x128xf32>
    %mul3A_143 = arith.constant 5.65685415 : f32
    %mul3A_144 = vector.broadcast %mul3A_143 : f32 to vector<128x128xf32>
    %mul3A_145 = arith.mulf %transpose3A_142, %mul3A_144 : vector<128x128xf32>
    %reshape3A_146 = vector.shape_cast %mul3A_145 : vector<128x128xf32> to vector<4x32x128xf32>
    %swap3A_147 = arith.constant 52 : index
    %swap3A_148 = arith.constant 0 : index
    %swap3A_149 = arith.constant 0 : index
    %swap3A_150 = vector.load %arg2[%swap3A_147, %swap3A_148, %swap3A_149] : memref<200x32x128xf32, #tpu.memory_space<vmem>>, vector<4x32x128xf32>
    tpu.vector_store %arg2[%swap3A_147, %swap3A_148, %swap3A_149], %reshape3A_146 {strides = array<i32>} : memref<200x32x128xf32, #tpu.memory_space<vmem>>, vector<4x32x128xf32>,
    %slice3A_151 = vector.extract_strided_slice %reshape3A {offsets = [0, 14, 0], sizes = [128, 1, 128], strides = [1, 1, 1]} : vector<128x50x128xf32> to vector<128x1x128xf32>
    %squeeze3A_152 = vector.shape_cast %slice3A_151 : vector<128x1x128xf32> to vector<128x128xf32>
    %transpose3A_153 = tpu.transpose %squeeze3A_152, [1, 0] : vector<128x128xf32> -> vector<128x128xf32>
    %mul3A_154 = arith.constant 5.65685415 : f32
    %mul3A_155 = vector.broadcast %mul3A_154 : f32 to vector<128x128xf32>
    %mul3A_156 = arith.mulf %transpose3A_153, %mul3A_155 : vector<128x128xf32>
    %reshape3A_157 = vector.shape_cast %mul3A_156 : vector<128x128xf32> to vector<4x32x128xf32>
    %swap3A_158 = arith.constant 56 : index
    %swap3A_159 = arith.constant 0 : index
    %swap3A_160 = arith.constant 0 : index
    %swap3A_161 = vector.load %arg2[%swap3A_158, %swap3A_159, %swap3A_160] : memref<200x32x128xf32, #tpu.memory_space<vmem>>, vector<4x32x128xf32>
    tpu.vector_store %arg2[%swap3A_158, %swap3A_159, %swap3A_160], %reshape3A_157 {strides = array<i32>} : memref<200x32x128xf32, #tpu.memory_space<vmem>>, vector<4x32x128xf32>,
    %slice3A_162 = vector.extract_strided_slice %reshape3A {offsets = [0, 15, 0], sizes = [128, 1, 128], strides = [1, 1, 1]} : vector<128x50x128xf32> to vector<128x1x128xf32>
    %squeeze3A_163 = vector.shape_cast %slice3A_162 : vector<128x1x128xf32> to vector<128x128xf32>
    %transpose3A_164 = tpu.transpose %squeeze3A_163, [1, 0] : vector<128x128xf32> -> vector<128x128xf32>
    %mul3A_165 = arith.constant 5.65685415 : f32
    %mul3A_166 = vector.broadcast %mul3A_165 : f32 to vector<128x128xf32>
    %mul3A_167 = arith.mulf %transpose3A_164, %mul3A_166 : vector<128x128xf32>
    %reshape3A_168 = vector.shape_cast %mul3A_167 : vector<128x128xf32> to vector<4x32x128xf32>
    %swap3A_169 = arith.constant 60 : index
    %swap3A_170 = arith.constant 0 : index
    %swap3A_171 = arith.constant 0 : index
    %swap3A_172 = vector.load %arg2[%swap3A_169, %swap3A_170, %swap3A_171] : memref<200x32x128xf32, #tpu.memory_space<vmem>>, vector<4x32x128xf32>
    tpu.vector_store %arg2[%swap3A_169, %swap3A_170, %swap3A_171], %reshape3A_168 {strides = array<i32>} : memref<200x32x128xf32, #tpu.memory_space<vmem>>, vector<4x32x128xf32>,
    %slice3A_173 = vector.extract_strided_slice %reshape3A {offsets = [0, 16, 0], sizes = [128, 1, 128], strides = [1, 1, 1]} : vector<128x50x128xf32> to vector<128x1x128xf32>
    %squeeze3A_174 = vector.shape_cast %slice3A_173 : vector<128x1x128xf32> to vector<128x128xf32>
    %transpose3A_175 = tpu.transpose %squeeze3A_174, [1, 0] : vector<128x128xf32> -> vector<128x128xf32>
    %mul3A_176 = arith.constant 5.65685415 : f32
    %mul3A_177 = vector.broadcast %mul3A_176 : f32 to vector<128x128xf32>
    %mul3A_178 = arith.mulf %transpose3A_175, %mul3A_177 : vector<128x128xf32>
    %reshape3A_179 = vector.shape_cast %mul3A_178 : vector<128x128xf32> to vector<4x32x128xf32>
    %swap3A_180 = arith.constant 64 : index
    %swap3A_181 = arith.constant 0 : index
    %swap3A_182 = arith.constant 0 : index
    %swap3A_183 = vector.load %arg2[%swap3A_180, %swap3A_181, %swap3A_182] : memref<200x32x128xf32, #tpu.memory_space<vmem>>, vector<4x32x128xf32>
    tpu.vector_store %arg2[%swap3A_180, %swap3A_181, %swap3A_182], %reshape3A_179 {strides = array<i32>} : memref<200x32x128xf32, #tpu.memory_space<vmem>>, vector<4x32x128xf32>,
    %slice3A_184 = vector.extract_strided_slice %reshape3A {offsets = [0, 17, 0], sizes = [128, 1, 128], strides = [1, 1, 1]} : vector<128x50x128xf32> to vector<128x1x128xf32>
    %squeeze3A_185 = vector.shape_cast %slice3A_184 : vector<128x1x128xf32> to vector<128x128xf32>
    %transpose3A_186 = tpu.transpose %squeeze3A_185, [1, 0] : vector<128x128xf32> -> vector<128x128xf32>
    %mul3A_187 = arith.constant 5.65685415 : f32
    %mul3A_188 = vector.broadcast %mul3A_187 : f32 to vector<128x128xf32>
    %mul3A_189 = arith.mulf %transpose3A_186, %mul3A_188 : vector<128x128xf32>
    %reshape3A_190 = vector.shape_cast %mul3A_189 : vector<128x128xf32> to vector<4x32x128xf32>
    %swap3A_191 = arith.constant 68 : index
    %swap3A_192 = arith.constant 0 : index
    %swap3A_193 = arith.constant 0 : index
    %swap3A_194 = vector.load %arg2[%swap3A_191, %swap3A_192, %swap3A_193] : memref<200x32x128xf32, #tpu.memory_space<vmem>>, vector<4x32x128xf32>
    tpu.vector_store %arg2[%swap3A_191, %swap3A_192, %swap3A_193], %reshape3A_190 {strides = array<i32>} : memref<200x32x128xf32, #tpu.memory_space<vmem>>, vector<4x32x128xf32>,
    %slice3A_195 = vector.extract_strided_slice %reshape3A {offsets = [0, 18, 0], sizes = [128, 1, 128], strides = [1, 1, 1]} : vector<128x50x128xf32> to vector<128x1x128xf32>
    %squeeze3A_196 = vector.shape_cast %slice3A_195 : vector<128x1x128xf32> to vector<128x128xf32>
    %transpose3A_197 = tpu.transpose %squeeze3A_196, [1, 0] : vector<128x128xf32> -> vector<128x128xf32>
    %mul3A_198 = arith.constant 5.65685415 : f32
    %mul3A_199 = vector.broadcast %mul3A_198 : f32 to vector<128x128xf32>
    %mul3A_200 = arith.mulf %transpose3A_197, %mul3A_199 : vector<128x128xf32>
    %reshape3A_201 = vector.shape_cast %mul3A_200 : vector<128x128xf32> to vector<4x32x128xf32>
    %swap3A_202 = arith.constant 72 : index
    %swap3A_203 = arith.constant 0 : index
    %swap3A_204 = arith.constant 0 : index
    %swap3A_205 = vector.load %arg2[%swap3A_202, %swap3A_203, %swap3A_204] : memref<200x32x128xf32, #tpu.memory_space<vmem>>, vector<4x32x128xf32>
    tpu.vector_store %arg2[%swap3A_202, %swap3A_203, %swap3A_204], %reshape3A_201 {strides = array<i32>} : memref<200x32x128xf32, #tpu.memory_space<vmem>>, vector<4x32x128xf32>,
    %slice3A_206 = vector.extract_strided_slice %reshape3A {offsets = [0, 19, 0], sizes = [128, 1, 128], strides = [1, 1, 1]} : vector<128x50x128xf32> to vector<128x1x128xf32>
    %squeeze3A_207 = vector.shape_cast %slice3A_206 : vector<128x1x128xf32> to vector<128x128xf32>
    %transpose3A_208 = tpu.transpose %squeeze3A_207, [1, 0] : vector<128x128xf32> -> vector<128x128xf32>
    %mul3A_209 = arith.constant 5.65685415 : f32
    %mul3A_210 = vector.broadcast %mul3A_209 : f32 to vector<128x128xf32>
    %mul3A_211 = arith.mulf %transpose3A_208, %mul3A_210 : vector<128x128xf32>
    %reshape3A_212 = vector.shape_cast %mul3A_211 : vector<128x128xf32> to vector<4x32x128xf32>
    %swap3A_213 = arith.constant 76 : index
    %swap3A_214 = arith.constant 0 : index
    %swap3A_215 = arith.constant 0 : index
    %swap3A_216 = vector.load %arg2[%swap3A_213, %swap3A_214, %swap3A_215] : memref<200x32x128xf32, #tpu.memory_space<vmem>>, vector<4x32x128xf32>
    tpu.vector_store %arg2[%swap3A_213, %swap3A_214, %swap3A_215], %reshape3A_212 {strides = array<i32>} : memref<200x32x128xf32, #tpu.memory_space<vmem>>, vector<4x32x128xf32>,
    %slice3A_217 = vector.extract_strided_slice %reshape3A {offsets = [0, 20, 0], sizes = [128, 1, 128], strides = [1, 1, 1]} : vector<128x50x128xf32> to vector<128x1x128xf32>
    %squeeze3A_218 = vector.shape_cast %slice3A_217 : vector<128x1x128xf32> to vector<128x128xf32>
    %transpose3A_219 = tpu.transpose %squeeze3A_218, [1, 0] : vector<128x128xf32> -> vector<128x128xf32>
    %mul3A_220 = arith.constant 5.65685415 : f32
    %mul3A_221 = vector.broadcast %mul3A_220 : f32 to vector<128x128xf32>
    %mul3A_222 = arith.mulf %transpose3A_219, %mul3A_221 : vector<128x128xf32>
    %reshape3A_223 = vector.shape_cast %mul3A_222 : vector<128x128xf32> to vector<4x32x128xf32>
    %swap3A_224 = arith.constant 80 : index
    %swap3A_225 = arith.constant 0 : index
    %swap3A_226 = arith.constant 0 : index
    %swap3A_227 = vector.load %arg2[%swap3A_224, %swap3A_225, %swap3A_226] : memref<200x32x128xf32, #tpu.memory_space<vmem>>, vector<4x32x128xf32>
    tpu.vector_store %arg2[%swap3A_224, %swap3A_225, %swap3A_226], %reshape3A_223 {strides = array<i32>} : memref<200x32x128xf32, #tpu.memory_space<vmem>>, vector<4x32x128xf32>,
    %slice3A_228 = vector.extract_strided_slice %reshape3A {offsets = [0, 21, 0], sizes = [128, 1, 128], strides = [1, 1, 1]} : vector<128x50x128xf32> to vector<128x1x128xf32>
    %squeeze3A_229 = vector.shape_cast %slice3A_228 : vector<128x1x128xf32> to vector<128x128xf32>
    %transpose3A_230 = tpu.transpose %squeeze3A_229, [1, 0] : vector<128x128xf32> -> vector<128x128xf32>
    %mul3A_231 = arith.constant 5.65685415 : f32
    %mul3A_232 = vector.broadcast %mul3A_231 : f32 to vector<128x128xf32>
    %mul3A_233 = arith.mulf %transpose3A_230, %mul3A_232 : vector<128x128xf32>
    %reshape3A_234 = vector.shape_cast %mul3A_233 : vector<128x128xf32> to vector<4x32x128xf32>
    %swap3A_235 = arith.constant 84 : index
    %swap3A_236 = arith.constant 0 : index
    %swap3A_237 = arith.constant 0 : index
    %swap3A_238 = vector.load %arg2[%swap3A_235, %swap3A_236, %swap3A_237] : memref<200x32x128xf32, #tpu.memory_space<vmem>>, vector<4x32x128xf32>
    tpu.vector_store %arg2[%swap3A_235, %swap3A_236, %swap3A_237], %reshape3A_234 {strides = array<i32>} : memref<200x32x128xf32, #tpu.memory_space<vmem>>, vector<4x32x128xf32>,
    %slice3A_239 = vector.extract_strided_slice %reshape3A {offsets = [0, 22, 0], sizes = [128, 1, 128], strides = [1, 1, 1]} : vector<128x50x128xf32> to vector<128x1x128xf32>
    %squeeze3A_240 = vector.shape_cast %slice3A_239 : vector<128x1x128xf32> to vector<128x128xf32>
    %transpose3A_241 = tpu.transpose %squeeze3A_240, [1, 0] : vector<128x128xf32> -> vector<128x128xf32>
    %mul3A_242 = arith.constant 5.65685415 : f32
    %mul3A_243 = vector.broadcast %mul3A_242 : f32 to vector<128x128xf32>
    %mul3A_244 = arith.mulf %transpose3A_241, %mul3A_243 : vector<128x128xf32>
    %reshape3A_245 = vector.shape_cast %mul3A_244 : vector<128x128xf32> to vector<4x32x128xf32>
    %swap3A_246 = arith.constant 88 : index
    %swap3A_247 = arith.constant 0 : index
    %swap3A_248 = arith.constant 0 : index
    %swap3A_249 = vector.load %arg2[%swap3A_246, %swap3A_247, %swap3A_248] : memref<200x32x128xf32, #tpu.memory_space<vmem>>, vector<4x32x128xf32>
    tpu.vector_store %arg2[%swap3A_246, %swap3A_247, %swap3A_248], %reshape3A_245 {strides = array<i32>} : memref<200x32x128xf32, #tpu.memory_space<vmem>>, vector<4x32x128xf32>,
    %slice3A_250 = vector.extract_strided_slice %reshape3A {offsets = [0, 23, 0], sizes = [128, 1, 128], strides = [1, 1, 1]} : vector<128x50x128xf32> to vector<128x1x128xf32>
    %squeeze3A_251 = vector.shape_cast %slice3A_250 : vector<128x1x128xf32> to vector<128x128xf32>
    %transpose3A_252 = tpu.transpose %squeeze3A_251, [1, 0] : vector<128x128xf32> -> vector<128x128xf32>
    %mul3A_253 = arith.constant 5.65685415 : f32
    %mul3A_254 = vector.broadcast %mul3A_253 : f32 to vector<128x128xf32>
    %mul3A_255 = arith.mulf %transpose3A_252, %mul3A_254 : vector<128x128xf32>
    %reshape3A_256 = vector.shape_cast %mul3A_255 : vector<128x128xf32> to vector<4x32x128xf32>
    %swap3A_257 = arith.constant 92 : index
    %swap3A_258 = arith.constant 0 : index
    %swap3A_259 = arith.constant 0 : index
    %swap3A_260 = vector.load %arg2[%swap3A_257, %swap3A_258, %swap3A_259] : memref<200x32x128xf32, #tpu.memory_space<vmem>>, vector<4x32x128xf32>
    tpu.vector_store %arg2[%swap3A_257, %swap3A_258, %swap3A_259], %reshape3A_256 {strides = array<i32>} : memref<200x32x128xf32, #tpu.memory_space<vmem>>, vector<4x32x128xf32>,
    %slice3A_261 = vector.extract_strided_slice %reshape3A {offsets = [0, 24, 0], sizes = [128, 1, 128], strides = [1, 1, 1]} : vector<128x50x128xf32> to vector<128x1x128xf32>
    %squeeze3A_262 = vector.shape_cast %slice3A_261 : vector<128x1x128xf32> to vector<128x128xf32>
    %transpose3A_263 = tpu.transpose %squeeze3A_262, [1, 0] : vector<128x128xf32> -> vector<128x128xf32>
    %mul3A_264 = arith.constant 5.65685415 : f32
    %mul3A_265 = vector.broadcast %mul3A_264 : f32 to vector<128x128xf32>
    %mul3A_266 = arith.mulf %transpose3A_263, %mul3A_265 : vector<128x128xf32>
    %reshape3A_267 = vector.shape_cast %mul3A_266 : vector<128x128xf32> to vector<4x32x128xf32>
    %swap3A_268 = arith.constant 96 : index
    %swap3A_269 = arith.constant 0 : index
    %swap3A_270 = arith.constant 0 : index
    %swap3A_271 = vector.load %arg2[%swap3A_268, %swap3A_269, %swap3A_270] : memref<200x32x128xf32, #tpu.memory_space<vmem>>, vector<4x32x128xf32>
    tpu.vector_store %arg2[%swap3A_268, %swap3A_269, %swap3A_270], %reshape3A_267 {strides = array<i32>} : memref<200x32x128xf32, #tpu.memory_space<vmem>>, vector<4x32x128xf32>,
    %slice3A_272 = vector.extract_strided_slice %reshape3A {offsets = [0, 25, 0], sizes = [128, 1, 128], strides = [1, 1, 1]} : vector<128x50x128xf32> to vector<128x1x128xf32>
    %squeeze3A_273 = vector.shape_cast %slice3A_272 : vector<128x1x128xf32> to vector<128x128xf32>
    %transpose3A_274 = tpu.transpose %squeeze3A_273, [1, 0] : vector<128x128xf32> -> vector<128x128xf32>
    %mul3A_275 = arith.constant 5.65685415 : f32
    %mul3A_276 = vector.broadcast %mul3A_275 : f32 to vector<128x128xf32>
    %mul3A_277 = arith.mulf %transpose3A_274, %mul3A_276 : vector<128x128xf32>
    %reshape3A_278 = vector.shape_cast %mul3A_277 : vector<128x128xf32> to vector<4x32x128xf32>
    %swap3A_279 = arith.constant 100 : index
    %swap3A_280 = arith.constant 0 : index
    %swap3A_281 = arith.constant 0 : index
    %swap3A_282 = vector.load %arg2[%swap3A_279, %swap3A_280, %swap3A_281] : memref<200x32x128xf32, #tpu.memory_space<vmem>>, vector<4x32x128xf32>
    tpu.vector_store %arg2[%swap3A_279, %swap3A_280, %swap3A_281], %reshape3A_278 {strides = array<i32>} : memref<200x32x128xf32, #tpu.memory_space<vmem>>, vector<4x32x128xf32>,
    %slice3A_283 = vector.extract_strided_slice %reshape3A {offsets = [0, 26, 0], sizes = [128, 1, 128], strides = [1, 1, 1]} : vector<128x50x128xf32> to vector<128x1x128xf32>
    %squeeze3A_284 = vector.shape_cast %slice3A_283 : vector<128x1x128xf32> to vector<128x128xf32>
    %transpose3A_285 = tpu.transpose %squeeze3A_284, [1, 0] : vector<128x128xf32> -> vector<128x128xf32>
    %mul3A_286 = arith.constant 5.65685415 : f32
    %mul3A_287 = vector.broadcast %mul3A_286 : f32 to vector<128x128xf32>
    %mul3A_288 = arith.mulf %transpose3A_285, %mul3A_287 : vector<128x128xf32>
    %reshape3A_289 = vector.shape_cast %mul3A_288 : vector<128x128xf32> to vector<4x32x128xf32>
    %swap3A_290 = arith.constant 104 : index
    %swap3A_291 = arith.constant 0 : index
    %swap3A_292 = arith.constant 0 : index
    %swap3A_293 = vector.load %arg2[%swap3A_290, %swap3A_291, %swap3A_292] : memref<200x32x128xf32, #tpu.memory_space<vmem>>, vector<4x32x128xf32>
    tpu.vector_store %arg2[%swap3A_290, %swap3A_291, %swap3A_292], %reshape3A_289 {strides = array<i32>} : memref<200x32x128xf32, #tpu.memory_space<vmem>>, vector<4x32x128xf32>,
    %slice3A_294 = vector.extract_strided_slice %reshape3A {offsets = [0, 27, 0], sizes = [128, 1, 128], strides = [1, 1, 1]} : vector<128x50x128xf32> to vector<128x1x128xf32>
    %squeeze3A_295 = vector.shape_cast %slice3A_294 : vector<128x1x128xf32> to vector<128x128xf32>
    %transpose3A_296 = tpu.transpose %squeeze3A_295, [1, 0] : vector<128x128xf32> -> vector<128x128xf32>
    %mul3A_297 = arith.constant 5.65685415 : f32
    %mul3A_298 = vector.broadcast %mul3A_297 : f32 to vector<128x128xf32>
    %mul3A_299 = arith.mulf %transpose3A_296, %mul3A_298 : vector<128x128xf32>
    %reshape3A_300 = vector.shape_cast %mul3A_299 : vector<128x128xf32> to vector<4x32x128xf32>
    %swap3A_301 = arith.constant 108 : index
    %swap3A_302 = arith.constant 0 : index
    %swap3A_303 = arith.constant 0 : index
    %swap3A_304 = vector.load %arg2[%swap3A_301, %swap3A_302, %swap3A_303] : memref<200x32x128xf32, #tpu.memory_space<vmem>>, vector<4x32x128xf32>
    tpu.vector_store %arg2[%swap3A_301, %swap3A_302, %swap3A_303], %reshape3A_300 {strides = array<i32>} : memref<200x32x128xf32, #tpu.memory_space<vmem>>, vector<4x32x128xf32>,
    %slice3A_305 = vector.extract_strided_slice %reshape3A {offsets = [0, 28, 0], sizes = [128, 1, 128], strides = [1, 1, 1]} : vector<128x50x128xf32> to vector<128x1x128xf32>
    %squeeze3A_306 = vector.shape_cast %slice3A_305 : vector<128x1x128xf32> to vector<128x128xf32>
    %transpose3A_307 = tpu.transpose %squeeze3A_306, [1, 0] : vector<128x128xf32> -> vector<128x128xf32>
    %mul3A_308 = arith.constant 5.65685415 : f32
    %mul3A_309 = vector.broadcast %mul3A_308 : f32 to vector<128x128xf32>
    %mul3A_310 = arith.mulf %transpose3A_307, %mul3A_309 : vector<128x128xf32>
    %reshape3A_311 = vector.shape_cast %mul3A_310 : vector<128x128xf32> to vector<4x32x128xf32>
    %swap3A_312 = arith.constant 112 : index
    %swap3A_313 = arith.constant 0 : index
    %swap3A_314 = arith.constant 0 : index
    %swap3A_315 = vector.load %arg2[%swap3A_312, %swap3A_313, %swap3A_314] : memref<200x32x128xf32, #tpu.memory_space<vmem>>, vector<4x32x128xf32>
    tpu.vector_store %arg2[%swap3A_312, %swap3A_313, %swap3A_314], %reshape3A_311 {strides = array<i32>} : memref<200x32x128xf32, #tpu.memory_space<vmem>>, vector<4x32x128xf32>,
    %slice3A_316 = vector.extract_strided_slice %reshape3A {offsets = [0, 29, 0], sizes = [128, 1, 128], strides = [1, 1, 1]} : vector<128x50x128xf32> to vector<128x1x128xf32>
    %squeeze3A_317 = vector.shape_cast %slice3A_316 : vector<128x1x128xf32> to vector<128x128xf32>
    %transpose3A_318 = tpu.transpose %squeeze3A_317, [1, 0] : vector<128x128xf32> -> vector<128x128xf32>
    %mul3A_319 = arith.constant 5.65685415 : f32
    %mul3A_320 = vector.broadcast %mul3A_319 : f32 to vector<128x128xf32>
    %mul3A_321 = arith.mulf %transpose3A_318, %mul3A_320 : vector<128x128xf32>
    %reshape3A_322 = vector.shape_cast %mul3A_321 : vector<128x128xf32> to vector<4x32x128xf32>
    %swap3A_323 = arith.constant 116 : index
    %swap3A_324 = arith.constant 0 : index
    %swap3A_325 = arith.constant 0 : index
    %swap3A_326 = vector.load %arg2[%swap3A_323, %swap3A_324, %swap3A_325] : memref<200x32x128xf32, #tpu.memory_space<vmem>>, vector<4x32x128xf32>
    tpu.vector_store %arg2[%swap3A_323, %swap3A_324, %swap3A_325], %reshape3A_322 {strides = array<i32>} : memref<200x32x128xf32, #tpu.memory_space<vmem>>, vector<4x32x128xf32>,
    %slice3A_327 = vector.extract_strided_slice %reshape3A {offsets = [0, 30, 0], sizes = [128, 1, 128], strides = [1, 1, 1]} : vector<128x50x128xf32> to vector<128x1x128xf32>
    %squeeze3A_328 = vector.shape_cast %slice3A_327 : vector<128x1x128xf32> to vector<128x128xf32>
    %transpose3A_329 = tpu.transpose %squeeze3A_328, [1, 0] : vector<128x128xf32> -> vector<128x128xf32>
    %mul3A_330 = arith.constant 5.65685415 : f32
    %mul3A_331 = vector.broadcast %mul3A_330 : f32 to vector<128x128xf32>
    %mul3A_332 = arith.mulf %transpose3A_329, %mul3A_331 : vector<128x128xf32>
    %reshape3A_333 = vector.shape_cast %mul3A_332 : vector<128x128xf32> to vector<4x32x128xf32>
    %swap3A_334 = arith.constant 120 : index
    %swap3A_335 = arith.constant 0 : index
    %swap3A_336 = arith.constant 0 : index
    %swap3A_337 = vector.load %arg2[%swap3A_334, %swap3A_335, %swap3A_336] : memref<200x32x128xf32, #tpu.memory_space<vmem>>, vector<4x32x128xf32>
    tpu.vector_store %arg2[%swap3A_334, %swap3A_335, %swap3A_336], %reshape3A_333 {strides = array<i32>} : memref<200x32x128xf32, #tpu.memory_space<vmem>>, vector<4x32x128xf32>,
    %slice3A_338 = vector.extract_strided_slice %reshape3A {offsets = [0, 31, 0], sizes = [128, 1, 128], strides = [1, 1, 1]} : vector<128x50x128xf32> to vector<128x1x128xf32>
    %squeeze3A_339 = vector.shape_cast %slice3A_338 : vector<128x1x128xf32> to vector<128x128xf32>
    %transpose3A_340 = tpu.transpose %squeeze3A_339, [1, 0] : vector<128x128xf32> -> vector<128x128xf32>
    %mul3A_341 = arith.constant 5.65685415 : f32
    %mul3A_342 = vector.broadcast %mul3A_341 : f32 to vector<128x128xf32>
    %mul3A_343 = arith.mulf %transpose3A_340, %mul3A_342 : vector<128x128xf32>
    %reshape3A_344 = vector.shape_cast %mul3A_343 : vector<128x128xf32> to vector<4x32x128xf32>
    %swap3A_345 = arith.constant 124 : index
    %swap3A_346 = arith.constant 0 : index
    %swap3A_347 = arith.constant 0 : index
    %swap3A_348 = vector.load %arg2[%swap3A_345, %swap3A_346, %swap3A_347] : memref<200x32x128xf32, #tpu.memory_space<vmem>>, vector<4x32x128xf32>
    tpu.vector_store %arg2[%swap3A_345, %swap3A_346, %swap3A_347], %reshape3A_344 {strides = array<i32>} : memref<200x32x128xf32, #tpu.memory_space<vmem>>, vector<4x32x128xf32>,
    %slice3A_349 = vector.extract_strided_slice %reshape3A {offsets = [0, 32, 0], sizes = [128, 1, 128], strides = [1, 1, 1]} : vector<128x50x128xf32> to vector<128x1x128xf32>
    %squeeze3A_350 = vector.shape_cast %slice3A_349 : vector<128x1x128xf32> to vector<128x128xf32>
    %transpose3A_351 = tpu.transpose %squeeze3A_350, [1, 0] : vector<128x128xf32> -> vector<128x128xf32>
    %mul3A_352 = arith.constant 5.65685415 : f32
    %mul3A_353 = vector.broadcast %mul3A_352 : f32 to vector<128x128xf32>
    %mul3A_354 = arith.mulf %transpose3A_351, %mul3A_353 : vector<128x128xf32>
    %reshape3A_355 = vector.shape_cast %mul3A_354 : vector<128x128xf32> to vector<4x32x128xf32>
    %swap3A_356 = arith.constant 128 : index
    %swap3A_357 = arith.constant 0 : index
    %swap3A_358 = arith.constant 0 : index
    %swap3A_359 = vector.load %arg2[%swap3A_356, %swap3A_357, %swap3A_358] : memref<200x32x128xf32, #tpu.memory_space<vmem>>, vector<4x32x128xf32>
    tpu.vector_store %arg2[%swap3A_356, %swap3A_357, %swap3A_358], %reshape3A_355 {strides = array<i32>} : memref<200x32x128xf32, #tpu.memory_space<vmem>>, vector<4x32x128xf32>,
    %slice3A_360 = vector.extract_strided_slice %reshape3A {offsets = [0, 33, 0], sizes = [128, 1, 128], strides = [1, 1, 1]} : vector<128x50x128xf32> to vector<128x1x128xf32>
    %squeeze3A_361 = vector.shape_cast %slice3A_360 : vector<128x1x128xf32> to vector<128x128xf32>
    %transpose3A_362 = tpu.transpose %squeeze3A_361, [1, 0] : vector<128x128xf32> -> vector<128x128xf32>
    %mul3A_363 = arith.constant 5.65685415 : f32
    %mul3A_364 = vector.broadcast %mul3A_363 : f32 to vector<128x128xf32>
    %mul3A_365 = arith.mulf %transpose3A_362, %mul3A_364 : vector<128x128xf32>
    %reshape3A_366 = vector.shape_cast %mul3A_365 : vector<128x128xf32> to vector<4x32x128xf32>
    %swap3A_367 = arith.constant 132 : index
    %swap3A_368 = arith.constant 0 : index
    %swap3A_369 = arith.constant 0 : index
    %swap3A_370 = vector.load %arg2[%swap3A_367, %swap3A_368, %swap3A_369] : memref<200x32x128xf32, #tpu.memory_space<vmem>>, vector<4x32x128xf32>
    tpu.vector_store %arg2[%swap3A_367, %swap3A_368, %swap3A_369], %reshape3A_366 {strides = array<i32>} : memref<200x32x128xf32, #tpu.memory_space<vmem>>, vector<4x32x128xf32>,
    %slice3A_371 = vector.extract_strided_slice %reshape3A {offsets = [0, 34, 0], sizes = [128, 1, 128], strides = [1, 1, 1]} : vector<128x50x128xf32> to vector<128x1x128xf32>
    %squeeze3A_372 = vector.shape_cast %slice3A_371 : vector<128x1x128xf32> to vector<128x128xf32>
    %transpose3A_373 = tpu.transpose %squeeze3A_372, [1, 0] : vector<128x128xf32> -> vector<128x128xf32>
    %mul3A_374 = arith.constant 5.65685415 : f32
    %mul3A_375 = vector.broadcast %mul3A_374 : f32 to vector<128x128xf32>
    %mul3A_376 = arith.mulf %transpose3A_373, %mul3A_375 : vector<128x128xf32>
    %reshape3A_377 = vector.shape_cast %mul3A_376 : vector<128x128xf32> to vector<4x32x128xf32>
    %swap3A_378 = arith.constant 136 : index
    %swap3A_379 = arith.constant 0 : index
    %swap3A_380 = arith.constant 0 : index
    %swap3A_381 = vector.load %arg2[%swap3A_378, %swap3A_379, %swap3A_380] : memref<200x32x128xf32, #tpu.memory_space<vmem>>, vector<4x32x128xf32>
    tpu.vector_store %arg2[%swap3A_378, %swap3A_379, %swap3A_380], %reshape3A_377 {strides = array<i32>} : memref<200x32x128xf32, #tpu.memory_space<vmem>>, vector<4x32x128xf32>,
    %slice3A_382 = vector.extract_strided_slice %reshape3A {offsets = [0, 35, 0], sizes = [128, 1, 128], strides = [1, 1, 1]} : vector<128x50x128xf32> to vector<128x1x128xf32>
    %squeeze3A_383 = vector.shape_cast %slice3A_382 : vector<128x1x128xf32> to vector<128x128xf32>
    %transpose3A_384 = tpu.transpose %squeeze3A_383, [1, 0] : vector<128x128xf32> -> vector<128x128xf32>
    %mul3A_385 = arith.constant 5.65685415 : f32
    %mul3A_386 = vector.broadcast %mul3A_385 : f32 to vector<128x128xf32>
    %mul3A_387 = arith.mulf %transpose3A_384, %mul3A_386 : vector<128x128xf32>
    %reshape3A_388 = vector.shape_cast %mul3A_387 : vector<128x128xf32> to vector<4x32x128xf32>
    %swap3A_389 = arith.constant 140 : index
    %swap3A_390 = arith.constant 0 : index
    %swap3A_391 = arith.constant 0 : index
    %swap3A_392 = vector.load %arg2[%swap3A_389, %swap3A_390, %swap3A_391] : memref<200x32x128xf32, #tpu.memory_space<vmem>>, vector<4x32x128xf32>
    tpu.vector_store %arg2[%swap3A_389, %swap3A_390, %swap3A_391], %reshape3A_388 {strides = array<i32>} : memref<200x32x128xf32, #tpu.memory_space<vmem>>, vector<4x32x128xf32>,
    %slice3A_393 = vector.extract_strided_slice %reshape3A {offsets = [0, 36, 0], sizes = [128, 1, 128], strides = [1, 1, 1]} : vector<128x50x128xf32> to vector<128x1x128xf32>
    %squeeze3A_394 = vector.shape_cast %slice3A_393 : vector<128x1x128xf32> to vector<128x128xf32>
    %transpose3A_395 = tpu.transpose %squeeze3A_394, [1, 0] : vector<128x128xf32> -> vector<128x128xf32>
    %mul3A_396 = arith.constant 5.65685415 : f32
    %mul3A_397 = vector.broadcast %mul3A_396 : f32 to vector<128x128xf32>
    %mul3A_398 = arith.mulf %transpose3A_395, %mul3A_397 : vector<128x128xf32>
    %reshape3A_399 = vector.shape_cast %mul3A_398 : vector<128x128xf32> to vector<4x32x128xf32>
    %swap3A_400 = arith.constant 144 : index
    %swap3A_401 = arith.constant 0 : index
    %swap3A_402 = arith.constant 0 : index
    %swap3A_403 = vector.load %arg2[%swap3A_400, %swap3A_401, %swap3A_402] : memref<200x32x128xf32, #tpu.memory_space<vmem>>, vector<4x32x128xf32>
    tpu.vector_store %arg2[%swap3A_400, %swap3A_401, %swap3A_402], %reshape3A_399 {strides = array<i32>} : memref<200x32x128xf32, #tpu.memory_space<vmem>>, vector<4x32x128xf32>,
    %slice3A_404 = vector.extract_strided_slice %reshape3A {offsets = [0, 37, 0], sizes = [128, 1, 128], strides = [1, 1, 1]} : vector<128x50x128xf32> to vector<128x1x128xf32>
    %squeeze3A_405 = vector.shape_cast %slice3A_404 : vector<128x1x128xf32> to vector<128x128xf32>
    %transpose3A_406 = tpu.transpose %squeeze3A_405, [1, 0] : vector<128x128xf32> -> vector<128x128xf32>
    %mul3A_407 = arith.constant 5.65685415 : f32
    %mul3A_408 = vector.broadcast %mul3A_407 : f32 to vector<128x128xf32>
    %mul3A_409 = arith.mulf %transpose3A_406, %mul3A_408 : vector<128x128xf32>
    %reshape3A_410 = vector.shape_cast %mul3A_409 : vector<128x128xf32> to vector<4x32x128xf32>
    %swap3A_411 = arith.constant 148 : index
    %swap3A_412 = arith.constant 0 : index
    %swap3A_413 = arith.constant 0 : index
    %swap3A_414 = vector.load %arg2[%swap3A_411, %swap3A_412, %swap3A_413] : memref<200x32x128xf32, #tpu.memory_space<vmem>>, vector<4x32x128xf32>
    tpu.vector_store %arg2[%swap3A_411, %swap3A_412, %swap3A_413], %reshape3A_410 {strides = array<i32>} : memref<200x32x128xf32, #tpu.memory_space<vmem>>, vector<4x32x128xf32>,
    %slice3A_415 = vector.extract_strided_slice %reshape3A {offsets = [0, 38, 0], sizes = [128, 1, 128], strides = [1, 1, 1]} : vector<128x50x128xf32> to vector<128x1x128xf32>
    %squeeze3A_416 = vector.shape_cast %slice3A_415 : vector<128x1x128xf32> to vector<128x128xf32>
    %transpose3A_417 = tpu.transpose %squeeze3A_416, [1, 0] : vector<128x128xf32> -> vector<128x128xf32>
    %mul3A_418 = arith.constant 5.65685415 : f32
    %mul3A_419 = vector.broadcast %mul3A_418 : f32 to vector<128x128xf32>
    %mul3A_420 = arith.mulf %transpose3A_417, %mul3A_419 : vector<128x128xf32>
    %reshape3A_421 = vector.shape_cast %mul3A_420 : vector<128x128xf32> to vector<4x32x128xf32>
    %swap3A_422 = arith.constant 152 : index
    %swap3A_423 = arith.constant 0 : index
    %swap3A_424 = arith.constant 0 : index
    %swap3A_425 = vector.load %arg2[%swap3A_422, %swap3A_423, %swap3A_424] : memref<200x32x128xf32, #tpu.memory_space<vmem>>, vector<4x32x128xf32>
    tpu.vector_store %arg2[%swap3A_422, %swap3A_423, %swap3A_424], %reshape3A_421 {strides = array<i32>} : memref<200x32x128xf32, #tpu.memory_space<vmem>>, vector<4x32x128xf32>,
    %slice3A_426 = vector.extract_strided_slice %reshape3A {offsets = [0, 39, 0], sizes = [128, 1, 128], strides = [1, 1, 1]} : vector<128x50x128xf32> to vector<128x1x128xf32>
    %squeeze3A_427 = vector.shape_cast %slice3A_426 : vector<128x1x128xf32> to vector<128x128xf32>
    %transpose3A_428 = tpu.transpose %squeeze3A_427, [1, 0] : vector<128x128xf32> -> vector<128x128xf32>
    %mul3A_429 = arith.constant 5.65685415 : f32
    %mul3A_430 = vector.broadcast %mul3A_429 : f32 to vector<128x128xf32>
    %mul3A_431 = arith.mulf %transpose3A_428, %mul3A_430 : vector<128x128xf32>
    %reshape3A_432 = vector.shape_cast %mul3A_431 : vector<128x128xf32> to vector<4x32x128xf32>
    %swap3A_433 = arith.constant 156 : index
    %swap3A_434 = arith.constant 0 : index
    %swap3A_435 = arith.constant 0 : index
    %swap3A_436 = vector.load %arg2[%swap3A_433, %swap3A_434, %swap3A_435] : memref<200x32x128xf32, #tpu.memory_space<vmem>>, vector<4x32x128xf32>
    tpu.vector_store %arg2[%swap3A_433, %swap3A_434, %swap3A_435], %reshape3A_432 {strides = array<i32>} : memref<200x32x128xf32, #tpu.memory_space<vmem>>, vector<4x32x128xf32>,
    %slice3A_437 = vector.extract_strided_slice %reshape3A {offsets = [0, 40, 0], sizes = [128, 1, 128], strides = [1, 1, 1]} : vector<128x50x128xf32> to vector<128x1x128xf32>
    %squeeze3A_438 = vector.shape_cast %slice3A_437 : vector<128x1x128xf32> to vector<128x128xf32>
    %transpose3A_439 = tpu.transpose %squeeze3A_438, [1, 0] : vector<128x128xf32> -> vector<128x128xf32>
    %mul3A_440 = arith.constant 5.65685415 : f32
    %mul3A_441 = vector.broadcast %mul3A_440 : f32 to vector<128x128xf32>
    %mul3A_442 = arith.mulf %transpose3A_439, %mul3A_441 : vector<128x128xf32>
    %reshape3A_443 = vector.shape_cast %mul3A_442 : vector<128x128xf32> to vector<4x32x128xf32>
    %swap3A_444 = arith.constant 160 : index
    %swap3A_445 = arith.constant 0 : index
    %swap3A_446 = arith.constant 0 : index
    %swap3A_447 = vector.load %arg2[%swap3A_444, %swap3A_445, %swap3A_446] : memref<200x32x128xf32, #tpu.memory_space<vmem>>, vector<4x32x128xf32>
    tpu.vector_store %arg2[%swap3A_444, %swap3A_445, %swap3A_446], %reshape3A_443 {strides = array<i32>} : memref<200x32x128xf32, #tpu.memory_space<vmem>>, vector<4x32x128xf32>,
    %slice3A_448 = vector.extract_strided_slice %reshape3A {offsets = [0, 41, 0], sizes = [128, 1, 128], strides = [1, 1, 1]} : vector<128x50x128xf32> to vector<128x1x128xf32>
    %squeeze3A_449 = vector.shape_cast %slice3A_448 : vector<128x1x128xf32> to vector<128x128xf32>
    %transpose3A_450 = tpu.transpose %squeeze3A_449, [1, 0] : vector<128x128xf32> -> vector<128x128xf32>
    %mul3A_451 = arith.constant 5.65685415 : f32
    %mul3A_452 = vector.broadcast %mul3A_451 : f32 to vector<128x128xf32>
    %mul3A_453 = arith.mulf %transpose3A_450, %mul3A_452 : vector<128x128xf32>
    %reshape3A_454 = vector.shape_cast %mul3A_453 : vector<128x128xf32> to vector<4x32x128xf32>
    %swap3A_455 = arith.constant 164 : index
    %swap3A_456 = arith.constant 0 : index
    %swap3A_457 = arith.constant 0 : index
    %swap3A_458 = vector.load %arg2[%swap3A_455, %swap3A_456, %swap3A_457] : memref<200x32x128xf32, #tpu.memory_space<vmem>>, vector<4x32x128xf32>
    tpu.vector_store %arg2[%swap3A_455, %swap3A_456, %swap3A_457], %reshape3A_454 {strides = array<i32>} : memref<200x32x128xf32, #tpu.memory_space<vmem>>, vector<4x32x128xf32>,
    %slice3A_459 = vector.extract_strided_slice %reshape3A {offsets = [0, 42, 0], sizes = [128, 1, 128], strides = [1, 1, 1]} : vector<128x50x128xf32> to vector<128x1x128xf32>
    %squeeze3A_460 = vector.shape_cast %slice3A_459 : vector<128x1x128xf32> to vector<128x128xf32>
    %transpose3A_461 = tpu.transpose %squeeze3A_460, [1, 0] : vector<128x128xf32> -> vector<128x128xf32>
    %mul3A_462 = arith.constant 5.65685415 : f32
    %mul3A_463 = vector.broadcast %mul3A_462 : f32 to vector<128x128xf32>
    %mul3A_464 = arith.mulf %transpose3A_461, %mul3A_463 : vector<128x128xf32>
    %reshape3A_465 = vector.shape_cast %mul3A_464 : vector<128x128xf32> to vector<4x32x128xf32>
    %swap3A_466 = arith.constant 168 : index
    %swap3A_467 = arith.constant 0 : index
    %swap3A_468 = arith.constant 0 : index
    %swap3A_469 = vector.load %arg2[%swap3A_466, %swap3A_467, %swap3A_468] : memref<200x32x128xf32, #tpu.memory_space<vmem>>, vector<4x32x128xf32>
    tpu.vector_store %arg2[%swap3A_466, %swap3A_467, %swap3A_468], %reshape3A_465 {strides = array<i32>} : memref<200x32x128xf32, #tpu.memory_space<vmem>>, vector<4x32x128xf32>,
    %slice3A_470 = vector.extract_strided_slice %reshape3A {offsets = [0, 43, 0], sizes = [128, 1, 128], strides = [1, 1, 1]} : vector<128x50x128xf32> to vector<128x1x128xf32>
    %squeeze3A_471 = vector.shape_cast %slice3A_470 : vector<128x1x128xf32> to vector<128x128xf32>
    %transpose3A_472 = tpu.transpose %squeeze3A_471, [1, 0] : vector<128x128xf32> -> vector<128x128xf32>
    %mul3A_473 = arith.constant 5.65685415 : f32
    %mul3A_474 = vector.broadcast %mul3A_473 : f32 to vector<128x128xf32>
    %mul3A_475 = arith.mulf %transpose3A_472, %mul3A_474 : vector<128x128xf32>
    %reshape3A_476 = vector.shape_cast %mul3A_475 : vector<128x128xf32> to vector<4x32x128xf32>
    %swap3A_477 = arith.constant 172 : index
    %swap3A_478 = arith.constant 0 : index
    %swap3A_479 = arith.constant 0 : index
    %swap3A_480 = vector.load %arg2[%swap3A_477, %swap3A_478, %swap3A_479] : memref<200x32x128xf32, #tpu.memory_space<vmem>>, vector<4x32x128xf32>
    tpu.vector_store %arg2[%swap3A_477, %swap3A_478, %swap3A_479], %reshape3A_476 {strides = array<i32>} : memref<200x32x128xf32, #tpu.memory_space<vmem>>, vector<4x32x128xf32>,
    %slice3A_481 = vector.extract_strided_slice %reshape3A {offsets = [0, 44, 0], sizes = [128, 1, 128], strides = [1, 1, 1]} : vector<128x50x128xf32> to vector<128x1x128xf32>
    %squeeze3A_482 = vector.shape_cast %slice3A_481 : vector<128x1x128xf32> to vector<128x128xf32>
    %transpose3A_483 = tpu.transpose %squeeze3A_482, [1, 0] : vector<128x128xf32> -> vector<128x128xf32>
    %mul3A_484 = arith.constant 5.65685415 : f32
    %mul3A_485 = vector.broadcast %mul3A_484 : f32 to vector<128x128xf32>
    %mul3A_486 = arith.mulf %transpose3A_483, %mul3A_485 : vector<128x128xf32>
    %reshape3A_487 = vector.shape_cast %mul3A_486 : vector<128x128xf32> to vector<4x32x128xf32>
    %swap3A_488 = arith.constant 176 : index
    %swap3A_489 = arith.constant 0 : index
    %swap3A_490 = arith.constant 0 : index
    %swap3A_491 = vector.load %arg2[%swap3A_488, %swap3A_489, %swap3A_490] : memref<200x32x128xf32, #tpu.memory_space<vmem>>, vector<4x32x128xf32>
    tpu.vector_store %arg2[%swap3A_488, %swap3A_489, %swap3A_490], %reshape3A_487 {strides = array<i32>} : memref<200x32x128xf32, #tpu.memory_space<vmem>>, vector<4x32x128xf32>,
    %slice3A_492 = vector.extract_strided_slice %reshape3A {offsets = [0, 45, 0], sizes = [128, 1, 128], strides = [1, 1, 1]} : vector<128x50x128xf32> to vector<128x1x128xf32>
    %squeeze3A_493 = vector.shape_cast %slice3A_492 : vector<128x1x128xf32> to vector<128x128xf32>
    %transpose3A_494 = tpu.transpose %squeeze3A_493, [1, 0] : vector<128x128xf32> -> vector<128x128xf32>
    %mul3A_495 = arith.constant 5.65685415 : f32
    %mul3A_496 = vector.broadcast %mul3A_495 : f32 to vector<128x128xf32>
    %mul3A_497 = arith.mulf %transpose3A_494, %mul3A_496 : vector<128x128xf32>
    %reshape3A_498 = vector.shape_cast %mul3A_497 : vector<128x128xf32> to vector<4x32x128xf32>
    %swap3A_499 = arith.constant 180 : index
    %swap3A_500 = arith.constant 0 : index
    %swap3A_501 = arith.constant 0 : index
    %swap3A_502 = vector.load %arg2[%swap3A_499, %swap3A_500, %swap3A_501] : memref<200x32x128xf32, #tpu.memory_space<vmem>>, vector<4x32x128xf32>
    tpu.vector_store %arg2[%swap3A_499, %swap3A_500, %swap3A_501], %reshape3A_498 {strides = array<i32>} : memref<200x32x128xf32, #tpu.memory_space<vmem>>, vector<4x32x128xf32>,
    %slice3A_503 = vector.extract_strided_slice %reshape3A {offsets = [0, 46, 0], sizes = [128, 1, 128], strides = [1, 1, 1]} : vector<128x50x128xf32> to vector<128x1x128xf32>
    %squeeze3A_504 = vector.shape_cast %slice3A_503 : vector<128x1x128xf32> to vector<128x128xf32>
    %transpose3A_505 = tpu.transpose %squeeze3A_504, [1, 0] : vector<128x128xf32> -> vector<128x128xf32>
    %mul3A_506 = arith.constant 5.65685415 : f32
    %mul3A_507 = vector.broadcast %mul3A_506 : f32 to vector<128x128xf32>
    %mul3A_508 = arith.mulf %transpose3A_505, %mul3A_507 : vector<128x128xf32>
    %reshape3A_509 = vector.shape_cast %mul3A_508 : vector<128x128xf32> to vector<4x32x128xf32>
    %swap3A_510 = arith.constant 184 : index
    %swap3A_511 = arith.constant 0 : index
    %swap3A_512 = arith.constant 0 : index
    %swap3A_513 = vector.load %arg2[%swap3A_510, %swap3A_511, %swap3A_512] : memref<200x32x128xf32, #tpu.memory_space<vmem>>, vector<4x32x128xf32>
    tpu.vector_store %arg2[%swap3A_510, %swap3A_511, %swap3A_512], %reshape3A_509 {strides = array<i32>} : memref<200x32x128xf32, #tpu.memory_space<vmem>>, vector<4x32x128xf32>,
    %slice3A_514 = vector.extract_strided_slice %reshape3A {offsets = [0, 47, 0], sizes = [128, 1, 128], strides = [1, 1, 1]} : vector<128x50x128xf32> to vector<128x1x128xf32>
    %squeeze3A_515 = vector.shape_cast %slice3A_514 : vector<128x1x128xf32> to vector<128x128xf32>
    %transpose3A_516 = tpu.transpose %squeeze3A_515, [1, 0] : vector<128x128xf32> -> vector<128x128xf32>
    %mul3A_517 = arith.constant 5.65685415 : f32
    %mul3A_518 = vector.broadcast %mul3A_517 : f32 to vector<128x128xf32>
    %mul3A_519 = arith.mulf %transpose3A_516, %mul3A_518 : vector<128x128xf32>
    %reshape3A_520 = vector.shape_cast %mul3A_519 : vector<128x128xf32> to vector<4x32x128xf32>
    %swap3A_521 = arith.constant 188 : index
    %swap3A_522 = arith.constant 0 : index
    %swap3A_523 = arith.constant 0 : index
    %swap3A_524 = vector.load %arg2[%swap3A_521, %swap3A_522, %swap3A_523] : memref<200x32x128xf32, #tpu.memory_space<vmem>>, vector<4x32x128xf32>
    tpu.vector_store %arg2[%swap3A_521, %swap3A_522, %swap3A_523], %reshape3A_520 {strides = array<i32>} : memref<200x32x128xf32, #tpu.memory_space<vmem>>, vector<4x32x128xf32>,
    %slice3A_525 = vector.extract_strided_slice %reshape3A {offsets = [0, 48, 0], sizes = [128, 1, 128], strides = [1, 1, 1]} : vector<128x50x128xf32> to vector<128x1x128xf32>
    %squeeze3A_526 = vector.shape_cast %slice3A_525 : vector<128x1x128xf32> to vector<128x128xf32>
    %transpose3A_527 = tpu.transpose %squeeze3A_526, [1, 0] : vector<128x128xf32> -> vector<128x128xf32>
    %mul3A_528 = arith.constant 5.65685415 : f32
    %mul3A_529 = vector.broadcast %mul3A_528 : f32 to vector<128x128xf32>
    %mul3A_530 = arith.mulf %transpose3A_527, %mul3A_529 : vector<128x128xf32>
    %reshape3A_531 = vector.shape_cast %mul3A_530 : vector<128x128xf32> to vector<4x32x128xf32>
    %swap3A_532 = arith.constant 192 : index
    %swap3A_533 = arith.constant 0 : index
    %swap3A_534 = arith.constant 0 : index
    %swap3A_535 = vector.load %arg2[%swap3A_532, %swap3A_533, %swap3A_534] : memref<200x32x128xf32, #tpu.memory_space<vmem>>, vector<4x32x128xf32>
    tpu.vector_store %arg2[%swap3A_532, %swap3A_533, %swap3A_534], %reshape3A_531 {strides = array<i32>} : memref<200x32x128xf32, #tpu.memory_space<vmem>>, vector<4x32x128xf32>,
    %slice3A_536 = vector.extract_strided_slice %reshape3A {offsets = [0, 49, 0], sizes = [128, 1, 128], strides = [1, 1, 1]} : vector<128x50x128xf32> to vector<128x1x128xf32>
    %squeeze3A_537 = vector.shape_cast %slice3A_536 : vector<128x1x128xf32> to vector<128x128xf32>
    %transpose3A_538 = tpu.transpose %squeeze3A_537, [1, 0] : vector<128x128xf32> -> vector<128x128xf32>
    %mul3A_539 = arith.constant 5.65685415 : f32
    %mul3A_540 = vector.broadcast %mul3A_539 : f32 to vector<128x128xf32>
    %mul3A_541 = arith.mulf %transpose3A_538, %mul3A_540 : vector<128x128xf32>
    %reshape3A_542 = vector.shape_cast %mul3A_541 : vector<128x128xf32> to vector<4x32x128xf32>
    %swap3A_543 = arith.constant 196 : index
    %swap3A_544 = arith.constant 0 : index
    %swap3A_545 = arith.constant 0 : index
    %swap3A_546 = vector.load %arg2[%swap3A_543, %swap3A_544, %swap3A_545] : memref<200x32x128xf32, #tpu.memory_space<vmem>>, vector<4x32x128xf32>
    tpu.vector_store %arg2[%swap3A_543, %swap3A_544, %swap3A_545], %reshape3A_542 {strides = array<i32>} : memref<200x32x128xf32, #tpu.memory_space<vmem>>, vector<4x32x128xf32>,
    return
  }
  func.func @transform_0(%arg0: i32) -> (i32, i32) {
    %c0_i32 = arith.constant 0 : i32
    %c0_i32_0 = arith.constant 0 : i32
    return %arg0, %c0_i32 : i32, i32
  }
  func.func @transform_1(%arg0: i32) -> (i32, i32, i32) {
    %c0_i32 = arith.constant 0 : i32
    %c0_i32_0 = arith.constant 0 : i32
    %c0_i32_1 = arith.constant 0 : i32
    return %c0_i32, %c0_i32_0, %arg0 : i32, i32, i32
  }
}

</mosaic_0001>

<sc_bundles>
// kernel: kernel.4.cloned.1.call-start
scs
__scs_entry_jumppad:
0x0: {  	(pc) =	sbr.rel $0x88, $3  }
0x1: {  	(tag) =	ssettag $0x0;
	lr =	simm.s32 $0x1  }
0x2: {  	[smem:$0x3F9F] =	sst lr;
	_ =	strace $0xD0000000  }
0x3: {  	_ = 	snop  }
0x4: {  	_ = 	snop  }
0x5: {  	_ = 	snop  }
0x6: {  	_ = 	snop  }
0x7: {  	_ = 	snop  }
__scs_overlays_trampoline_lowered:
0x8: {  	[smem:$0x3FAE] =	sst s0  }
0x9: {  	[smem:$0x3FAF] =	sst s1  }
0xa: {  	[smem:$0x3FB0] =	sst s2  }
0xb: {  	[smem:$0x3FB1] =	sst s3  }
0xc: {  	[smem:$0x3FB2] =	sst s4  }
0xd: {  	[smem:$0x3FB3] =	sst s5  }
0xe: {  	[smem:$0x3FB4] =	sst s6  }
0xf: {  	[smem:$0x3FB5] =	sst s7  }
0x10: {  	[smem:$0x3FB6] =	sst s8  }
0x11: {  	[smem:$0x3FB7] =	sst s9;
	s0 =	simm.s32 @!p0 $0x0  }
0x12: {  	s1 =	sld [smem:$0x3F9D];
	s0 =	simm.s32 @p0 $0x1  }
0x13: {  	[smem:$0x3FB8] =	sst s0;
	s0 =	simm.s32 @!p1 $0x0  }
0x14: {  	s2 =	sld [smem:$0x3F9C];
	s0 =	simm.s32 @p1 $0x1  }
0x15: {  	[smem:$0x3FB9] =	sst s0;
	s0 =	simm.s32 @!p2 $0x0  }
0x16: {  	s3 =	sld [smem:$0x3FDB];
	s0 =	simm.s32 @p2 $0x1  }
0x17: {  	s4 =	simm.s32 $0x1BF5;
	[smem:$0x3FBB] =	sst s0  }
0x18: {  	s0 =	sld [smem:$0x3F9E];
	_ =	swait.ge [sflag:s4], $0x0  }
0x19: {  	s7 =	sld [smem:$0x3F9F]  }
0x1a: {  	s8 =	sadd.s32 $0xFFFFE003, lr  }
0x1b: {  	s9 =	sadd.s32 $0xFFFFFEF7, lr;
	s5 =	simm.s32 $0xFFFFFFFF;
	p2 =	slt.u32 s8, $0xFFFFF086  }
0x1c: {  	p1 =	slt.u32 s9, $0xF7A;
	s5 =	simm.s32 @!p2 $0x0  }
0x1d: {  	s5 =	simm.s32 @p1 $0x1;
	p0 =	seq.s32 s7, s2  }
0x1e: {  	s7 =	smul.u32 @!p0 $0xF7A, s2;
	p2 =	seq.s32 @!p0 s5, $0x0  }
0x1f: {  	s9 =	smul.u32 $0xF7A, s1;
	s8 =	simm.s32 @!p0 $0x1BF5;
	p2 =	por !p2, p0  }
0x20: {  	[sflag:s8] =	ssyncset.s32 @!p0 $0xFFFFF086;
	s6 =	sadd.s32 @!p0 s3, s7;
	s7 =	simm.s32 @!p0 $0x108  }
0x21: {  	s3 =	sadd.s32 s3, s9;
	s6 =	sadd.s32 @!p0 $0x88, s6;
	s7 =	simm.s32 @p2 $0x1082  }
0x22: {  	[simem:s7], [sflag:s8] =	dma.local @!p0 [hbm:s6], $0xF7A  }
0x23: {  	s9 =	sor.u32 $0xD0000000, s2;
	s6 =	simm.s32 $0x108;
	_ =	swait.ge @!p0 [sflag:s8], $0x0  }
0x24: {  	s3 =	sadd.s32 $0x88, s3;
	s6 =	simm.s32 @!p1 $0x1082;
	[sflag:s4] =	ssyncset.s32 $0xFFFFF086  }
0x25: {  	[simem:s6], [sflag:s4] =	dma.local [hbm:s3], $0xF7A  }
0x26: {  	[smem:$0x3F9F] =	sst s1;
	(tag) =	ssettag s2;
	_ =	strace s9  }
0x27: {  	s1 =	sld [smem:$0x3FAF]  }
0x28: {  	s2 =	sld [smem:$0x3FB0]  }
0x29: {  	s4 =	sld [smem:$0x3FB2]  }
0x2a: {  	p0 =	seq.s32 s5, $0x0;
	s5 =	sld [smem:$0x3FB3]  }
0x2b: {  	s6 =	sld [smem:$0x3FB4]  }
0x2c: {  	s7 =	sld [smem:$0x3FB5]  }
0x2d: {  	s3 =	simm.s32 $0x108;
	s8 =	sld [smem:$0x3FB6]  }
0x2e: {  	s3 =	simm.s32 @!p0 $0x1082;
	s9 =	sld [smem:$0x3FB7]  }
0x2f: {  	lr =	sadd.s32 s0, s3;
	s0 =	sld [smem:$0x3FAE]  }
0x30: {  	s3 =	sld [smem:$0x3FB1]  }
0x31: {  	[smem:$0x3FBA] =	sst s10  }
0x32: {  	s10 =	sld [smem:$0x3FB8];
	_ =	sdelay $0x3  }
0x33: {  	p0 =	seq.s32 s10, $0x1;
	s10 =	sld [smem:$0x3FBA];
	_ =	sdelay $0x3  }
0x34: {  	[smem:$0x3FBA] =	sst s10  }
0x35: {  	s10 =	sld [smem:$0x3FB9];
	_ =	sdelay $0x3  }
0x36: {  	p1 =	seq.s32 s10, $0x1;
	s10 =	sld [smem:$0x3FBA];
	_ =	sdelay $0x3  }
0x37: {  	[smem:$0x3FBA] =	sst s10  }
0x38: {  	s10 =	sld [smem:$0x3FBB]  }
0x39: {  	_ = 	snop;
	(pc) =	sbr.ind lr, $3  }
0x3a: {  	_ = 	snop  }
0x3b: {  	_ = 	snop  }
0x3c: {  	p2 =	seq.s32 s10, $0x1;
	s10 =	sld [smem:$0x3FBA]  }
0x3d: {  	_ =	shalt  }
0x3e: {  	_ =	shalt  }
0x3f: {  	_ =	shalt  }
0x40: {  	_ =	shalt  }
0x41: {  	_ =	shalt  }
0x42: {  	_ =	shalt  }
0x43: {  	_ =	shalt  }
0x44: {  	_ =	shalt  }
0x45: {  	_ =	shalt  }
0x46: {  	_ =	shalt  }
0x47: {  	_ =	shalt  }
0x48: {  	_ =	shalt  }
0x49: {  	_ =	shalt  }
0x4a: {  	_ =	shalt  }
0x4b: {  	_ =	shalt  }
0x4c: {  	_ =	shalt  }
0x4d: {  	_ =	shalt  }
0x4e: {  	_ =	shalt  }
0x4f: {  	_ =	shalt  }
0x50: {  	_ =	shalt  }
0x51: {  	_ =	shalt  }
0x52: {  	_ =	shalt  }
0x53: {  	_ =	shalt  }
0x54: {  	_ =	shalt  }
0x55: {  	_ =	shalt  }
0x56: {  	_ =	shalt  }
0x57: {  	_ =	shalt  }
0x58: {  	_ =	shalt  }
0x59: {  	_ =	shalt  }
0x5a: {  	_ =	shalt  }
0x5b: {  	_ =	shalt  }
0x5c: {  	_ =	shalt  }
0x5d: {  	_ =	shalt  }
0x5e: {  	_ =	shalt  }
0x5f: {  	_ =	shalt  }
0x60: {  	_ =	shalt  }
0x61: {  	_ =	shalt  }
0x62: {  	_ =	shalt  }
0x63: {  	_ =	shalt  }
0x64: {  	_ =	shalt  }
0x65: {  	_ =	shalt  }
0x66: {  	_ =	shalt  }
0x67: {  	_ =	shalt  }
0x68: {  	_ =	shalt  }
0x69: {  	_ =	shalt  }
0x6a: {  	_ =	shalt  }
0x6b: {  	_ =	shalt  }
0x6c: {  	_ =	shalt  }
0x6d: {  	_ =	shalt  }
0x6e: {  	_ =	shalt  }
0x6f: {  	_ =	shalt  }
0x70: {  	_ =	shalt  }
0x71: {  	_ =	shalt  }
0x72: {  	_ =	shalt  }
0x73: {  	_ =	shalt  }
0x74: {  	_ =	shalt  }
0x75: {  	_ =	shalt  }
0x76: {  	_ =	shalt  }
0x77: {  	_ =	shalt  }
0x78: {  	_ =	shalt  }
0x79: {  	_ =	shalt  }
0x7a: {  	_ =	shalt  }
0x7b: {  	_ =	shalt  }
0x7c: {  	_ =	shalt  }
0x7d: {  	_ =	shalt  }
0x7e: {  	_ =	shalt  }
0x7f: {  	_ =	shalt  }
0x80: {  	_ =	shalt  }
0x81: {  	_ =	shalt  }
0x82: {  	_ =	shalt  }
0x83: {  	_ =	shalt  }
0x84: {  	_ =	shalt  }
0x85: {  	_ =	shalt  }
0x86: {  	_ =	shalt  }
0x87: {  	_ =	shalt  }
.Lfunc_end0:
.L_simem_size_0:
called_computation_lowered:
.L_overlay_start_0:
0x88: {  	s2 =	sld [smem:$0x3FD9]  }
0x89: {  	s3 =	sld [smem:$0x3FFE];
	_ =	sdelay $0x1  }
0x8a: {  	s1 =	srdreg.scid  }
0x8b: {  	s0 =	sand.u32 $0x1, s1  }
0x8c: {  	s17 =	sshll.u32 s0, $0xA;
	s2 =	sadd.s32 s3, s2  }
0x8d: {  	s2 =	sadd.s32 s2, s17  }
0x8e: {  	[smem:$0x3FC6] =	sst s2  }
0x8f: {  	_ = 	snop  }
0x90: {  	s2 =	sld [smem:$0x3FD0];
	(tm) =	ssettm $0x1  }
0x91: {  	s18 =	sld [smem:$0x3FFB];
	_ =	sdelay $0x3  }
0x92: {  	_ =	strace s18  }
0x93: {  	s3 =	sld [smem:$0x3FFC];
	_ =	sdelay $0x3  }
0x94: {  	_ =	strace s3  }
0x95: {  	s3 =	sld [smem:$0x3FFD];
	_ =	sdelay $0x3  }
0x96: {  	_ =	strace s3  }
0x97: {  	_ =	strace $0x8FFFFFFF  }
0x98: {  	s19 =	sld [smem:$0x3FDB];
	_ =	sdelay $0x1  }
0x99: {  	s4 =	simm.s32 $_scs_section_size  }
0x9a: {  	s5 =	simm.s32 $_size__tile_overlayer_lowered;
	s6 =	simm.s32 $_tile_overlayer_lowered  }
0x9b: {  	s22 =	simm.s32 $0x1BFF;
	s21 =	sshll.u32 s6, $0x1;
	s3 =	sadd.s32 s4, s19  }
0x9c: {  	s7 =	simm.s32 $0x0;
	s20 =	sshll.u32 s5, $0x1;
	s5 =	sadd.s32 s21, s3  }
0x9d: {  	[timem:s7], [sflag:s22] =	dma.local [hbm:s5], s20  }
0x9e: {  	_ =	swait.ge [sflag:s22], s20  }
0x9f: {  	s4 =	ssub.s32 $0x0, s20;
	[sflag:s22] =	ssyncset.done $0x0  }
0xa0: {  	[sflag:s22] =	ssyncadd.s32 s4;
	_ =	sdelay $0x1  }
0xa1: {  	s23 =	simm.s32 $0x1B8B  }
0xa2: {  	_ =	swait.ge [sflag:s23], $0x1  }
0xa3: {  	[sflag:s23] =	ssyncset.done $0x0  }
0xa4: {  	s25 =	simm.s32 $0x1B8E;
	s24 =	sld [smem:$0x3FFE];
	[sflag:s23] =	ssyncadd.s32 $0xFFFFFFFF  }
0xa5: {  	s26 =	simm.s32 $execute0_lowered;
	[smem:$0x3FD2] =	sst s25  }
0xa6: {  	s5 =	sshll.u32 s26, $0x1;
	_ =	strace $0x80000046;
	[dreg:$0x1] =	wrdreg $0xFFFFFFFF  }
0xa7: {  	s28 =	simm.s32 $_size_execute0_lowered;
	s3 =	sadd.s32 s3, s5;
	[dreg:$0x0] =	wrdreg $0x0  }
0xa8: {  	s5 =	sshll.u32 s28, $0x1;
	[dreg:$0x2] =	wrdreg s3  }
0xa9: {  	[dreg:$0x3] =	wrdreg s5  }
0xaa: {  	[dreg:$0x4] =	wrdreg $0xC0  }
0xab: {  	_ =	task [dreg:s7], $0x5FFFF  }
0xac: {  	[dreg:$0x1] =	wrdreg $0xFFFFFFFF  }
0xad: {  	[dreg:$0x0] =	wrdreg $0x60  }
0xae: {  	[dreg:$0x2] =	wrdreg s24  }
0xaf: {  	[dreg:$0x3] =	wrdreg s2  }
0xb0: {  	[dreg:$0x4] =	wrdreg $0x9  }
0xb1: {  	_ =	task.clear_ibuf [dreg:s7], $0x5FFFF;
	_ =	strace $0x90000046  }
0xb2: {  	s29 =	simm.s32 $0x9;
	_ =	strace $0x80000048  }
0xb3: {  	_ =	swait.ge [sflag:s29], $0x1  }
0xb4: {  	[sflag:s29] =	ssyncadd.s32 $0xFFFFFFFF  }
0xb5: {  	_ =	strace $0x90000048  }
0xb6: {  	_ =	sfence  }
0xb7: {  	s30 =	sld [smem:$0x0];
	_ =	sdelay $0x2  }
0xb8: {  	s31 =	sshll.u32 s1, $0xD;
	s1 =	sshrl.u32 s1, $0x2  }
0xb9: {  	s3 =	sand.u32 $0x4000, s31;
	s1 =	sadd.s32 s1, s30  }
0xba: {  	s0 =	sor.u32 s3, s0;
	s1 =	sshll.u32 s1, $0x11  }
0xbb: {  	s0 =	sor.u32 s1, s0  }
0xbc: {  	s0 =	sadd.s32 $0x8F2B, s0  }
0xbd: {  	[sflag:s0] =	ssyncadd.remote.s32 $0x1  }
0xbe: {  	_ =	sfence.sel $0xFFFF  }
0xbf: {  	[dreg:$0x0] =	wrdreg $0xFFFFFFFF;
	(pc) =	sbr.abs _section_cstart, $3  }
0xc0: {  	[dreg:$0x1] =	wrdreg $0xFFFFFFFF  }
0xc1: {  	_ =	task.clear_ibuf [dreg:s7], $0x2FFFF;
	_ =	strace $0x9FFFFFFF  }
0xc2: {  	(tm) =	ssettm $0x7FFFFFFF  }
0xc3: {  	_ =	shalt  }
tec
execute0_lowered:
.L_overlay_start_1:
0x0: {  	(tag) =	ssettag $0x1  }
0x1: {  	s0 =	srdreg.scid  }
0x2: {  	s13 =	stileid.u32;
	s1 =	rddreg [dreg:$0x0]  }
0x3: {  	s2 =	rddreg [dreg:$0x1];
	s5 =	smul.u32 $0x6800, s13  }
0x4: {  	s30 =	simm.s32 $0x7100;
	s29 =	simm.s32 $0xA300;
	s9 =	smul.u32 $0x640000, s13  }
0x5: {  	s28 =	simm.s32 $0x3;
	s0 =	sand.u32 $0x1, s0;
	s14 =	smul.u32 $0xC8000, s13  }
0x6: {  	s3 =	sshll.u32 s13, $0x1;
	s7 =	sadd.s32 $0x400, s1;
	s6 =	smul.u32 $0x3400, s0  }
0x7: {  	s1 =	sadd.s32 $0x68400, s1;
	s4 =	sor.u32 s0, s3;
	s11 =	smul.u32 $0x320000, s0  }
0x8: {  	s3 =	simm.s32 $0x0;
	s8 =	ssub.s32 $0x2, s0;
	s0 =	smul.u32 $0x64000, s0  }
0x9: {  	s4 =	smul.u32 $0x3400, s4;
	[smem:$0x7FF] =	sst s3;
	s10 =	sshrl.u32 s8, $0x1  }
0xa: {  	s22 =	sadd.s32 s5, s7;
	s16 =	sadd.s32 s14, s1;
	_ =	strace $0x80000047  }
0xb: {  	s8 =	ssub.s32 s8, s10;
	s5 =	sadd.s32 s11, s9;
	s0 =	sadd.s32 s0, s16  }
0xc: {  	s4 =	sadd.s32 s7, s4;
	s23 =	smax.u32 s8, $0x1;
	s24 =	sor.u32 $0xAF00, s5  }
0xd: {  	s25 =	sor.u32 $0x9600, s5;
	s26 =	sor.u32 $0x7D00, s5;
	s7 =	sor.u32 $0x6400, s5  }
0xe: {  	s8 =	sor.u32 $0x4B00, s5;
	s9 =	sor.u32 $0x3200, s5;
	s12 =	sor.u32 $0x1900, s5  }
0xf: {  	s15 =	sor.u32 $0x17700, s5;
	[dreg:$0xd] =	wrdreg s0;
	s19 =	sor.u32 $0x15E00, s5  }
0x10: {  	s20 =	sor.u32 $0x14500, s5;
	s21 =	sor.u32 $0x12C00, s5;
	[dreg:$0x3] =	wrdreg s4  }
0x11: {  	[dreg:$0x4] =	wrdreg s23;
	s4 =	sadd.s32 s6, s22;
	s6 =	sshrl.u32 s25, $0x3  }
0x12: {  	s11 =	sshrl.u32 s9, $0x3;
	s17 =	sshrl.u32 s15, $0x3;
	s0 =	sshrl.u32 s19, $0x3  }
0x13: {  	s22 =	sshrl.u32 s20, $0x3;
	s23 =	sshrl.u32 s21, $0x3;
	s25 =	sor.u32 $0xFA00, s5  }
0x14: {  	s4 =	sadd.s32 $0x1A0, s4;
	s31 =	sadd.s32 s6, s1;
	s6 =	sshrl.u32 s26, $0x3  }
0x15: {  	s18 =	sadd.s32 s17, s1;
	s0 =	sadd.s32 s0, s1;
	[dreg:$0x5] =	wrdreg s4  }
0x16: {  	s17 =	sadd.s32 s22, s1;
	s26 =	sshrl.u32 s25, $0x3;
	[dreg:$0x7] =	wrdreg s31  }
0x17: {  	s22 =	simm.s32 $0x5;
	s25 =	simm.s32 $0x680;
	[dreg:$0xe] =	wrdreg s18  }
0x18: {  	s4 =	sshrl.u32 s24, $0x3;
	[dreg:$0xf] =	wrdreg s0;
	s18 =	sadd.s32 s23, s1  }
0x19: {  	s24 =	sor.u32 $0x11300, s5;
	s5 =	sor.u32 $0xE100, s5;
	s20 =	sadd.s32 s26, s1  }
0x1a: {  	s23 =	simm.s32 $0x64;
	s26 =	simm.s32 $0x3F00;
	s4 =	sadd.s32 s4, s1  }
0x1b: {  	s0 =	sshrl.u32 s24, $0x3;
	s31 =	sshrl.u32 s5, $0x3;
	s24 =	simm.s32 $0x8A00  }
0x1c: {  	[dreg:$0x6] =	wrdreg s4;
	s4 =	sadd.s32 s6, s1;
	s6 =	sshrl.u32 s8, $0x3  }
0x1d: {  	s19 =	sadd.s32 s0, s1;
	[dreg:$0x8] =	wrdreg s4;
	s4 =	sshrl.u32 s7, $0x3  }
.Ltmp0:
0x1e: {  	s21 =	sadd.s32 s31, s1;
	s4 =	sadd.s32 s4, s1;
	(pc) =	sbr.rel .LBB2_1-.Ltmp0, $4  }
0x1f: {  	s10 =	sadd.s32 s6, s1;
	[dreg:$0x9] =	wrdreg s4;
	s4 =	sadd.s32 s11, s1  }
0x20: {  	s6 =	simm.s32 $0x1;
	[dreg:$0xb] =	wrdreg s4;
	s4 =	sshrl.u32 s12, $0x3  }
0x21: {  	[dreg:$0xa] =	wrdreg s10;
	s10 =	simm.s32 $0xD500;
	s4 =	sadd.s32 s4, s1  }
0x22: {  	s1 =	simm.s32 $0x2;
	[dreg:$0xc] =	wrdreg s4;
	s4 =	simm.s32 $0x0  }
.LBB2_5:
0x23: {  	_ =	swait.ge [sflag:s28], $0x1900  }
0x24: {  	[sflag:s28] =	ssyncset.done $0x0  }
0x25: {  	[sflag:s28] =	ssyncadd.s32 $0xFFFFE700  }
0x26: {  	_ =	swait.ge [sflag:s28], $0x1900  }
0x27: {  	[sflag:s28] =	ssyncset.done $0x0  }
0x28: {  	[sflag:s28] =	ssyncadd.s32 $0xFFFFE700  }
0x29: {  	_ =	swait.ge [sflag:s28], $0x1900  }
0x2a: {  	[sflag:s28] =	ssyncset.done $0x0  }
0x2b: {  	[sflag:s28] =	ssyncadd.s32 $0xFFFFE700  }
0x2c: {  	_ =	swait.ge [sflag:s28], $0x1900  }
0x2d: {  	[sflag:s28] =	ssyncset.done $0x0  }
0x2e: {  	[sflag:s28] =	ssyncadd.s32 $0xFFFFE700  }
0x2f: {  	_ =	swait.ge [sflag:s28], $0x1900  }
0x30: {  	[sflag:s28] =	ssyncset.done $0x0  }
0x31: {  	[sflag:s28] =	ssyncadd.s32 $0xFFFFE700  }
0x32: {  	_ =	swait.ge [sflag:s28], $0x1900  }
0x33: {  	[sflag:s28] =	ssyncset.done $0x0  }
0x34: {  	[sflag:s28] =	ssyncadd.s32 $0xFFFFE700  }
0x35: {  	_ =	swait.ge [sflag:s28], $0x1900  }
0x36: {  	[sflag:s28] =	ssyncset.done $0x0  }
0x37: {  	[sflag:s28] =	ssyncadd.s32 $0xFFFFE700  }
0x38: {  	_ =	swait.ge [sflag:s28], $0x1900  }
0x39: {  	[sflag:s28] =	ssyncset.done $0x0  }
0x3a: {  	s0 =	simm.s32 $0x4;
	[sflag:s28] =	ssyncadd.s32 $0xFFFFE700  }
0x3b: {  	_ =	swait.ge [sflag:s0], $0x1900  }
0x3c: {  	[sflag:s0] =	ssyncset.done $0x0  }
0x3d: {  	[sflag:s0] =	ssyncadd.s32 $0xFFFFE700  }
0x3e: {  	_ =	swait.ge [sflag:s0], $0x1900  }
0x3f: {  	[sflag:s0] =	ssyncset.done $0x0  }
0x40: {  	[sflag:s0] =	ssyncadd.s32 $0xFFFFE700  }
0x41: {  	_ =	swait.ge [sflag:s0], $0x1900  }
0x42: {  	[sflag:s0] =	ssyncset.done $0x0  }
0x43: {  	[sflag:s0] =	ssyncadd.s32 $0xFFFFE700  }
0x44: {  	_ =	swait.ge [sflag:s0], $0x1900  }
0x45: {  	[sflag:s0] =	ssyncset.done $0x0  }
0x46: {  	[sflag:s0] =	ssyncadd.s32 $0xFFFFE700  }
0x47: {  	_ =	swait.ge [sflag:s0], $0x1900  }
0x48: {  	[sflag:s0] =	ssyncset.done $0x0  }
0x49: {  	[sflag:s0] =	ssyncadd.s32 $0xFFFFE700  }
0x4a: {  	_ =	swait.ge [sflag:s0], $0x1900  }
0x4b: {  	[sflag:s0] =	ssyncset.done $0x0  }
0x4c: {  	[sflag:s0] =	ssyncadd.s32 $0xFFFFE700  }
0x4d: {  	_ =	swait.ge [sflag:s0], $0x1900  }
0x4e: {  	[sflag:s0] =	ssyncset.done $0x0  }
0x4f: {  	[sflag:s0] =	ssyncadd.s32 $0xFFFFE700  }
0x50: {  	_ =	swait.ge [sflag:s0], $0x1900  }
0x51: {  	s4 =	rddreg [dreg:$0x10]  }
0x52: {  	s7 =	rddreg [dreg:$0x4];
	s4 =	sadd.s32 $0x1, s4  }
0x53: {  	p0 =	sne.s32 s4, s7  }
.Ltmp1:
0x54: {  	_ = 	snop;
	(pc) =	sbr.rel @!p0 .LBB2_6-.Ltmp1, $3  }
0x55: {  	_ =	sdelay $0x1  }
0x56: {  	[sflag:s0] =	ssyncset.done $0x0  }
0x57: {  	[sflag:s0] =	ssyncadd.s32 $0xFFFFE700  }
.LBB2_1:
0x58: {  	[dreg:$0x10] =	wrdreg s4  }
0x59: {  	s7 =	rddreg [dreg:$0x3]  }
0x5a: {  	[tilespmem:s3], [sflag:$0x5] =	stream.linear.gather [hbm4b:s7+s3], $0x680, $0x38;
	[tilespmem:$0x19D00] =	vst v63  }
0x5b: {  	_ =	swait.ge [sflag:s22], $0x680  }
0x5c: {  	[sflag:s22] =	ssyncset.done $0x0  }
0x5d: {  	s9 =	simm.s32 $0xD00;
	[sflag:s22] =	ssyncadd.s32 $0xFFFFF980  }
0x5e: {  	[tilespmem:s9], [sflag:$0x1] =	stream.indirect.gather [hbm4b:s2+s23], $0x20, s3, s23, $0xb8;
	[tilespmem:$0x19D00] =	vst v63  }
0x5f: {  	s11 =	simm.s32 $0x68;
	s8 =	simm.s32 $0x1980  }
0x60: {  	[tilespmem:s8], [sflag:$0x1] =	stream.indirect.gather [hbm4b:s2+s23], $0x20, s11, s23, $0xb8;
	[tilespmem:$0x19D00] =	vst v63  }
0x61: {  	s12 =	simm.s32 $0x2600;
	s5 =	simm.s32 $0xD0  }
0x62: {  	[tilespmem:s12], [sflag:$0x1] =	stream.indirect.gather [hbm4b:s2+s23], $0x20, s5, s23, $0xb8;
	[tilespmem:$0x19D00] =	vst v63  }
0x63: {  	s13 =	simm.s32 $0x138;
	s14 =	simm.s32 $0x3280  }
0x64: {  	[tilespmem:s14], [sflag:$0x1] =	stream.indirect.gather [hbm4b:s2+s23], $0x20, s13, s23, $0xb8;
	[tilespmem:$0x19D00] =	vst v63  }
0x65: {  	s15 =	simm.s32 $0x1A0  }
0x66: {  	[tilespmem:s26], [sflag:$0x1] =	stream.indirect.gather [hbm4b:s2+s23], $0x20, s15, s23, $0xb8;
	[tilespmem:$0x19D00] =	vst v63  }
0x67: {  	s16 =	simm.s32 $0x208;
	s9 =	simm.s32 $0x4B80  }
0x68: {  	[tilespmem:s9], [sflag:$0x1] =	stream.indirect.gather [hbm4b:s2+s23], $0x20, s16, s23, $0xb8;
	[tilespmem:$0x19D00] =	vst v63  }
0x69: {  	s0 =	simm.s32 $0x5800;
	s11 =	simm.s32 $0x270  }
0x6a: {  	[tilespmem:s0], [sflag:$0x1] =	stream.indirect.gather [hbm4b:s2+s23], $0x20, s11, s23, $0xb8;
	[tilespmem:$0x19D00] =	vst v63  }
0x6b: {  	s12 =	simm.s32 $0x2D8;
	s13 =	simm.s32 $0x6480  }
0x6c: {  	[tilespmem:s13], [sflag:$0x1] =	stream.indirect.gather [hbm4b:s2+s23], $0x20, s12, s23, $0xb8;
	[tilespmem:$0x19D00] =	vst v63  }
0x6d: {  	s14 =	simm.s32 $0x340  }
0x6e: {  	[tilespmem:s30], [sflag:$0x1] =	stream.indirect.gather [hbm4b:s2+s23], $0x20, s14, s23, $0xb8;
	[tilespmem:$0x19D00] =	vst v63  }
0x6f: {  	s4 =	simm.s32 $0x5800;
	s15 =	simm.s32 $0x3A8;
	s16 =	simm.s32 $0x7D80  }
0x70: {  	[tilespmem:s16], [sflag:$0x1] =	stream.indirect.gather [hbm4b:s2+s23], $0x20, s15, s23, $0xb8;
	[tilespmem:$0x19D00] =	vst v63  }
0x71: {  	s31 =	simm.s32 $0xEE00;
	s7 =	simm.s32 $0x0;
	s0 =	simm.s32 $0x410  }
0x72: {  	[tilespmem:s24], [sflag:$0x1] =	stream.indirect.gather [hbm4b:s2+s23], $0x20, s0, s23, $0xb8;
	[tilespmem:$0x19D00] =	vst v63  }
0x73: {  	s8 =	simm.s32 $0x478;
	s5 =	simm.s32 $0x2600;
	s9 =	simm.s32 $0x9680  }
0x74: {  	[tilespmem:s9], [sflag:$0x1] =	stream.indirect.gather [hbm4b:s2+s23], $0x20, s8, s23, $0xb8;
	[tilespmem:$0x19D00] =	vst v63  }
0x75: {  	s11 =	simm.s32 $0x4E0;
	s12 =	simm.s32 $0x548;
	s13 =	simm.s32 $0xAF80  }
0x76: {  	[tilespmem:s29], [sflag:$0x1] =	stream.indirect.gather [hbm4b:s2+s23], $0x20, s11, s23, $0xb8;
	[tilespmem:$0x19D00] =	vst v63  }
0x77: {  	s14 =	simm.s32 $0xBC00;
	s15 =	simm.s32 $0x618;
	s16 =	simm.s32 $0xC880  }
0x78: {  	[tilespmem:s13], [sflag:$0x1] =	stream.indirect.gather [hbm4b:s2+s23], $0x20, s12, s23, $0xb8;
	[tilespmem:$0x19D00] =	vst v63  }
.Ltmp2:
0x79: {  	s0 =	simm.s32 $0x5B0;
	s8 =	rddreg [dreg:$0x5];
	(pc) =	sbr.rel .LBB2_2-.Ltmp2, $4  }
0x7a: {  	[tilespmem:s14], [sflag:$0x1] =	stream.indirect.gather [hbm4b:s2+s23], $0x20, s0, s23, $0xb8;
	[tilespmem:$0x19D00] =	vst v63  }
0x7b: {  	s11 =	simm.s32 $0x10700;
	s12 =	simm.s32 $0x12000;
	s13 =	simm.s32 $0x13900  }
0x7c: {  	[tilespmem:s16], [sflag:$0x1] =	stream.indirect.gather [hbm4b:s2+s23], $0x20, s15, s23, $0xb8;
	[tilespmem:$0x19D00] =	vst v63  }
0x7d: {  	s0 =	simm.s32 $0xBC00;
	s14 =	simm.s32 $0x15200;
	s15 =	simm.s32 $0x16B00  }
.LBB2_4:
0x7e: {  	_ =	swait.ge [sflag:s1], $0xC80  }
0x7f: {  	[sflag:s1] =	ssyncset.done $0x0  }
0x80: {  	[sflag:s1] =	ssyncadd.s32 $0xFFFFF380  }
0x81: {  	_ =	swait.ge [sflag:s1], $0xC80  }
0x82: {  	[sflag:s1] =	ssyncset.done $0x0  }
0x83: {  	[sflag:s1] =	ssyncadd.s32 $0xFFFFF380  }
0x84: {  	_ =	swait.ge [sflag:s1], $0xC80  }
0x85: {  	[sflag:s1] =	ssyncset.done $0x0  }
0x86: {  	[sflag:s1] =	ssyncadd.s32 $0xFFFFF380  }
0x87: {  	_ =	swait.ge [sflag:s1], $0xC80  }
0x88: {  	[sflag:s1] =	ssyncset.done $0x0  }
0x89: {  	[sflag:s1] =	ssyncadd.s32 $0xFFFFF380  }
0x8a: {  	_ =	swait.ge [sflag:s1], $0xC80  }
0x8b: {  	[sflag:s1] =	ssyncset.done $0x0  }
0x8c: {  	[sflag:s1] =	ssyncadd.s32 $0xFFFFF380  }
0x8d: {  	_ =	swait.ge [sflag:s1], $0xC80  }
0x8e: {  	[sflag:s1] =	ssyncset.done $0x0  }
0x8f: {  	[sflag:s1] =	ssyncadd.s32 $0xFFFFF380  }
0x90: {  	_ =	swait.ge [sflag:s1], $0xC80  }
0x91: {  	[sflag:s1] =	ssyncset.done $0x0  }
0x92: {  	[sflag:s1] =	ssyncadd.s32 $0xFFFFF380  }
0x93: {  	_ =	swait.ge [sflag:s1], $0xC80  }
0x94: {  	[sflag:s1] =	ssyncset.done $0x0  }
0x95: {  	[sflag:s1] =	ssyncadd.s32 $0xFFFFF380  }
0x96: {  	_ =	swait.ge [sflag:s1], $0xC80  }
0x97: {  	[sflag:s1] =	ssyncset.done $0x0  }
0x98: {  	[sflag:s1] =	ssyncadd.s32 $0xFFFFF380  }
0x99: {  	_ =	swait.ge [sflag:s1], $0xC80  }
0x9a: {  	[sflag:s1] =	ssyncset.done $0x0  }
0x9b: {  	[sflag:s1] =	ssyncadd.s32 $0xFFFFF380  }
0x9c: {  	_ =	swait.ge [sflag:s1], $0xC80  }
0x9d: {  	[sflag:s1] =	ssyncset.done $0x0  }
0x9e: {  	[sflag:s1] =	ssyncadd.s32 $0xFFFFF380  }
0x9f: {  	_ =	swait.ge [sflag:s1], $0xC80  }
0xa0: {  	[sflag:s1] =	ssyncset.done $0x0  }
0xa1: {  	[sflag:s1] =	ssyncadd.s32 $0xFFFFF380  }
0xa2: {  	_ =	swait.ge [sflag:s1], $0xC80  }
0xa3: {  	[sflag:s1] =	ssyncset.done $0x0  }
0xa4: {  	[sflag:s1] =	ssyncadd.s32 $0xFFFFF380  }
0xa5: {  	_ =	swait.ge [sflag:s1], $0xC80  }
0xa6: {  	[sflag:s1] =	ssyncset.done $0x0  }
0xa7: {  	[sflag:s1] =	ssyncadd.s32 $0xFFFFF380  }
0xa8: {  	_ =	swait.ge [sflag:s1], $0xC80  }
0xa9: {  	[sflag:s1] =	ssyncset.done $0x0  }
0xaa: {  	[sflag:s1] =	ssyncadd.s32 $0xFFFFF380  }
0xab: {  	_ =	swait.ge [sflag:s1], $0xC80  }
0xac: {  	[sflag:s1] =	ssyncset.done $0x0  }
0xad: {  	s9 =	sadd.s32 $0x1900, s9;
	s10 =	simm.s32 $0xD500;
	[sflag:s1] =	ssyncadd.s32 $0xFFFFF380  }
0xae: {  	[hbm4b:s9+s3] =	stream.linear.scatter [tilespmem:s10], [sflag:$0x4], $0x1900, $0x38;
	[tilespmem:$0x19D00] =	vst v63  }
0xaf: {  	s12 =	sadd.s32 s7, s21;
	s31 =	simm.s32 $0xEE00  }
0xb0: {  	[hbm4b:s12+s3] =	stream.linear.scatter [tilespmem:s31], [sflag:$0x4], $0x1900, $0x38;
	[tilespmem:$0x19D00] =	vst v63  }
0xb1: {  	s13 =	sadd.s32 s7, s20;
	s11 =	simm.s32 $0x10700  }
0xb2: {  	[hbm4b:s13+s3] =	stream.linear.scatter [tilespmem:s11], [sflag:$0x4], $0x1900, $0x38;
	[tilespmem:$0x19D00] =	vst v63  }
0xb3: {  	s14 =	sadd.s32 s7, s19;
	s12 =	simm.s32 $0x12000  }
0xb4: {  	[hbm4b:s14+s3] =	stream.linear.scatter [tilespmem:s12], [sflag:$0x4], $0x1900, $0x38;
	[tilespmem:$0x19D00] =	vst v63  }
0xb5: {  	s15 =	sadd.s32 s7, s18;
	s13 =	simm.s32 $0x13900  }
0xb6: {  	[hbm4b:s15+s3] =	stream.linear.scatter [tilespmem:s13], [sflag:$0x4], $0x1900, $0x38;
	[tilespmem:$0x19D00] =	vst v63  }
0xb7: {  	s16 =	sadd.s32 s7, s17;
	s14 =	simm.s32 $0x15200;
	s15 =	rddreg [dreg:$0xf]  }
0xb8: {  	[hbm4b:s16+s3] =	stream.linear.scatter [tilespmem:s14], [sflag:$0x4], $0x1900, $0x38;
	[tilespmem:$0x19D00] =	vst v63  }
0xb9: {  	s9 =	sadd.s32 s7, s15;
	s15 =	simm.s32 $0x16B00;
	s16 =	rddreg [dreg:$0xe]  }
0xba: {  	[hbm4b:s9+s3] =	stream.linear.scatter [tilespmem:s15], [sflag:$0x4], $0x1900, $0x38;
	[tilespmem:$0x19D00] =	vst v63  }
0xbb: {  	s9 =	sadd.s32 s7, s16;
	s7 =	sadd.s32 $0x3200, s7  }
0xbc: {  	p0 =	sne.s32 s7, $0x64000  }
.Ltmp3:
0xbd: {  	_ = 	snop;
	(pc) =	sbr.rel @!p0 .LBB2_5-.Ltmp3, $3  }
0xbe: {  	_ =	sdelay $0x1  }
0xbf: {  	s8 =	sadd.s32 $0x1A0, s8;
	s16 =	simm.s32 $0x18400  }
0xc0: {  	[hbm4b:s9+s3] =	stream.linear.scatter [tilespmem:s16], [sflag:$0x4], $0x1900, $0x38;
	[tilespmem:$0x19D00] =	vst v63  }
.LBB2_2:
0xc1: {  	p0 =	seq.s32 s7, $0x0  }
0xc2: {  	s9 =	simm.s32 @!p0 $0x4  }
0xc3: {  	_ =	swait.ge @!p0 [sflag:s9], $0x1900  }
0xc4: {  	[sflag:s9] =	ssyncset.done @!p0 $0x0  }
0xc5: {  	[sflag:s9] =	ssyncadd.s32 @!p0 $0xFFFFE700  }
0xc6: {  	_ =	swait.ge @!p0 [sflag:s9], $0x1900  }
0xc7: {  	[sflag:s9] =	ssyncset.done @!p0 $0x0  }
0xc8: {  	[sflag:s9] =	ssyncadd.s32 @!p0 $0xFFFFE700  }
0xc9: {  	_ =	swait.ge @!p0 [sflag:s9], $0x1900  }
0xca: {  	[sflag:s9] =	ssyncset.done @!p0 $0x0  }
0xcb: {  	[sflag:s9] =	ssyncadd.s32 @!p0 $0xFFFFE700  }
0xcc: {  	_ =	swait.ge @!p0 [sflag:s9], $0x1900  }
0xcd: {  	[sflag:s9] =	ssyncset.done @!p0 $0x0  }
0xce: {  	[sflag:s9] =	ssyncadd.s32 @!p0 $0xFFFFE700  }
0xcf: {  	_ =	swait.ge @!p0 [sflag:s9], $0x1900  }
0xd0: {  	[sflag:s9] =	ssyncset.done @!p0 $0x0  }
0xd1: {  	[sflag:s9] =	ssyncadd.s32 @!p0 $0xFFFFE700  }
0xd2: {  	_ =	swait.ge @!p0 [sflag:s9], $0x1900  }
0xd3: {  	[sflag:s9] =	ssyncset.done @!p0 $0x0  }
0xd4: {  	[sflag:s9] =	ssyncadd.s32 @!p0 $0xFFFFE700  }
0xd5: {  	_ =	swait.ge @!p0 [sflag:s9], $0x1900  }
0xd6: {  	[sflag:s9] =	ssyncset.done @!p0 $0x0  }
0xd7: {  	[sflag:s9] =	ssyncadd.s32 @!p0 $0xFFFFE700  }
0xd8: {  	_ =	swait.ge @!p0 [sflag:s9], $0x1900  }
0xd9: {  	[sflag:s9] =	ssyncset.done @!p0 $0x0  }
0xda: {  	[sflag:s9] =	ssyncadd.s32 @!p0 $0xFFFFE700;
	s9 =	sadd.s32 $0xFFFFFF30, s8  }
0xdb: {  	[tilespmem:s25], [sflag:$0x5] =	stream.linear.gather [hbm4b:s9+s3], $0x680, $0x38;
	[tilespmem:$0x19D00] =	vst v63  }
0xdc: {  	_ =	swait.ge [sflag:s22], $0x680  }
0xdd: {  	[sflag:s22] =	ssyncset.done $0x0  }
0xde: {  	[sflag:s22] =	ssyncadd.s32 $0xFFFFF980  }
0xdf: {  	[tilespmem:s10], [sflag:$0x2] =	stream.indirect.gather [hbm4b:s2+s23], $0x20, s25, s23, $0xb8;
	[tilespmem:$0x19D00] =	vst v63  }
0xe0: {  	s9 =	simm.s32 $0x6E8;
	s10 =	simm.s32 $0xE180  }
0xe1: {  	[tilespmem:s10], [sflag:$0x2] =	stream.indirect.gather [hbm4b:s2+s23], $0x20, s9, s23, $0xb8;
	[tilespmem:$0x19D00] =	vst v63  }
0xe2: {  	s10 =	simm.s32 $0x750  }
0xe3: {  	[tilespmem:s31], [sflag:$0x2] =	stream.indirect.gather [hbm4b:s2+s23], $0x20, s10, s23, $0xb8;
	[tilespmem:$0x19D00] =	vst v63  }
0xe4: {  	s10 =	simm.s32 $0x7B8;
	s31 =	simm.s32 $0xFA80  }
0xe5: {  	[tilespmem:s31], [sflag:$0x2] =	stream.indirect.gather [hbm4b:s2+s23], $0x20, s10, s23, $0xb8;
	[tilespmem:$0x19D00] =	vst v63  }
0xe6: {  	s10 =	simm.s32 $0x820  }
0xe7: {  	[tilespmem:s11], [sflag:$0x2] =	stream.indirect.gather [hbm4b:s2+s23], $0x20, s10, s23, $0xb8;
	[tilespmem:$0x19D00] =	vst v63  }
0xe8: {  	s31 =	simm.s32 $0x11380;
	s11 =	simm.s32 $0x888  }
0xe9: {  	[tilespmem:s31], [sflag:$0x2] =	stream.indirect.gather [hbm4b:s2+s23], $0x20, s11, s23, $0xb8;
	[tilespmem:$0x19D00] =	vst v63  }
0xea: {  	s11 =	simm.s32 $0x8F0  }
0xeb: {  	[tilespmem:s12], [sflag:$0x2] =	stream.indirect.gather [hbm4b:s2+s23], $0x20, s11, s23, $0xb8;
	[tilespmem:$0x19D00] =	vst v63  }
0xec: {  	s31 =	simm.s32 $0x12C80;
	s12 =	simm.s32 $0x958  }
0xed: {  	[tilespmem:s31], [sflag:$0x2] =	stream.indirect.gather [hbm4b:s2+s23], $0x20, s12, s23, $0xb8;
	[tilespmem:$0x19D00] =	vst v63  }
0xee: {  	s10 =	simm.s32 $0x9C0  }
0xef: {  	[tilespmem:s13], [sflag:$0x2] =	stream.indirect.gather [hbm4b:s2+s23], $0x20, s10, s23, $0xb8;
	[tilespmem:$0x19D00] =	vst v63  }
0xf0: {  	s11 =	simm.s32 $0xA28;
	s12 =	simm.s32 $0x14580  }
0xf1: {  	[tilespmem:s12], [sflag:$0x2] =	stream.indirect.gather [hbm4b:s2+s23], $0x20, s11, s23, $0xb8;
	[tilespmem:$0x19D00] =	vst v63  }
0xf2: {  	s13 =	simm.s32 $0xA90  }
0xf3: {  	[tilespmem:s14], [sflag:$0x2] =	stream.indirect.gather [hbm4b:s2+s23], $0x20, s13, s23, $0xb8;
	[tilespmem:$0x19D00] =	vst v63  }
0xf4: {  	s31 =	simm.s32 $0x15E80;
	s14 =	simm.s32 $0xAF8  }
0xf5: {  	[tilespmem:s31], [sflag:$0x2] =	stream.indirect.gather [hbm4b:s2+s23], $0x20, s14, s23, $0xb8;
	[tilespmem:$0x19D00] =	vst v63  }
0xf6: {  	s10 =	simm.s32 $0xB60  }
0xf7: {  	[tilespmem:s15], [sflag:$0x2] =	stream.indirect.gather [hbm4b:s2+s23], $0x20, s10, s23, $0xb8;
	[tilespmem:$0x19D00] =	vst v63  }
0xf8: {  	s11 =	simm.s32 $0xBC8;
	s12 =	simm.s32 $0x17780  }
0xf9: {  	[tilespmem:s12], [sflag:$0x2] =	stream.indirect.gather [hbm4b:s2+s23], $0x20, s11, s23, $0xb8;
	[tilespmem:$0x19D00] =	vst v63  }
0xfa: {  	s16 =	simm.s32 $0x18400;
	s13 =	simm.s32 $0xC30  }
0xfb: {  	[tilespmem:s16], [sflag:$0x2] =	stream.indirect.gather [hbm4b:s2+s23], $0x20, s13, s23, $0xb8;
	[tilespmem:$0x19D00] =	vst v63  }
0xfc: {  	s14 =	simm.s32 $0xC98;
	s15 =	simm.s32 $0x19080  }
0xfd: {  	[tilespmem:s15], [sflag:$0x2] =	stream.indirect.gather [hbm4b:s2+s23], $0x20, s14, s23, $0xb8;
	[tilespmem:$0x19D00] =	vst v63  }
0xfe: {  	_ =	swait.ge [sflag:s6], $0xC80  }
0xff: {  	[sflag:s6] =	ssyncset.done $0x0  }
0x100: {  	[sflag:s6] =	ssyncadd.s32 $0xFFFFF380  }
0x101: {  	_ =	swait.ge [sflag:s6], $0xC80  }
0x102: {  	[sflag:s6] =	ssyncset.done $0x0  }
0x103: {  	[sflag:s6] =	ssyncadd.s32 $0xFFFFF380  }
0x104: {  	_ =	swait.ge [sflag:s6], $0xC80  }
0x105: {  	[sflag:s6] =	ssyncset.done $0x0  }
0x106: {  	[sflag:s6] =	ssyncadd.s32 $0xFFFFF380  }
0x107: {  	_ =	swait.ge [sflag:s6], $0xC80  }
0x108: {  	[sflag:s6] =	ssyncset.done $0x0  }
0x109: {  	[sflag:s6] =	ssyncadd.s32 $0xFFFFF380  }
0x10a: {  	_ =	swait.ge [sflag:s6], $0xC80  }
0x10b: {  	[sflag:s6] =	ssyncset.done $0x0  }
0x10c: {  	[sflag:s6] =	ssyncadd.s32 $0xFFFFF380  }
0x10d: {  	_ =	swait.ge [sflag:s6], $0xC80  }
0x10e: {  	[sflag:s6] =	ssyncset.done $0x0  }
0x10f: {  	[sflag:s6] =	ssyncadd.s32 $0xFFFFF380  }
0x110: {  	_ =	swait.ge [sflag:s6], $0xC80  }
0x111: {  	[sflag:s6] =	ssyncset.done $0x0  }
0x112: {  	[sflag:s6] =	ssyncadd.s32 $0xFFFFF380  }
0x113: {  	_ =	swait.ge [sflag:s6], $0xC80  }
0x114: {  	[sflag:s6] =	ssyncset.done $0x0  }
0x115: {  	[sflag:s6] =	ssyncadd.s32 $0xFFFFF380  }
0x116: {  	_ =	swait.ge [sflag:s6], $0xC80  }
0x117: {  	[sflag:s6] =	ssyncset.done $0x0  }
0x118: {  	[sflag:s6] =	ssyncadd.s32 $0xFFFFF380  }
0x119: {  	_ =	swait.ge [sflag:s6], $0xC80  }
0x11a: {  	[sflag:s6] =	ssyncset.done $0x0  }
0x11b: {  	[sflag:s6] =	ssyncadd.s32 $0xFFFFF380  }
0x11c: {  	_ =	swait.ge [sflag:s6], $0xC80  }
0x11d: {  	[sflag:s6] =	ssyncset.done $0x0  }
0x11e: {  	[sflag:s6] =	ssyncadd.s32 $0xFFFFF380  }
0x11f: {  	_ =	swait.ge [sflag:s6], $0xC80  }
0x120: {  	[sflag:s6] =	ssyncset.done $0x0  }
0x121: {  	[sflag:s6] =	ssyncadd.s32 $0xFFFFF380  }
0x122: {  	_ =	swait.ge [sflag:s6], $0xC80  }
0x123: {  	[sflag:s6] =	ssyncset.done $0x0  }
0x124: {  	[sflag:s6] =	ssyncadd.s32 $0xFFFFF380  }
0x125: {  	_ =	swait.ge [sflag:s6], $0xC80  }
0x126: {  	[sflag:s6] =	ssyncset.done $0x0  }
0x127: {  	[sflag:s6] =	ssyncadd.s32 $0xFFFFF380  }
0x128: {  	_ =	swait.ge [sflag:s6], $0xC80  }
0x129: {  	[sflag:s6] =	ssyncset.done $0x0  }
0x12a: {  	[sflag:s6] =	ssyncadd.s32 $0xFFFFF380  }
0x12b: {  	_ =	swait.ge [sflag:s6], $0xC80  }
0x12c: {  	s31 =	simm.s32 $0xD00;
	[sflag:s6] =	ssyncset.done $0x0;
	s16 =	rddreg [dreg:$0xd]  }
0x12d: {  	s11 =	rddreg [dreg:$0xc];
	[sflag:s6] =	ssyncadd.s32 $0xFFFFF380;
	s9 =	sadd.s32 s7, s16  }
0x12e: {  	[hbm4b:s9+s3] =	stream.linear.scatter [tilespmem:s31], [sflag:$0x3], $0x1900, $0x38;
	[tilespmem:$0x19D00] =	vst v63  }
0x12f: {  	s12 =	rddreg [dreg:$0xb];
	s10 =	sadd.s32 s7, s11  }
0x130: {  	[hbm4b:s10+s3] =	stream.linear.scatter [tilespmem:s5], [sflag:$0x3], $0x1900, $0x38;
	[tilespmem:$0x19D00] =	vst v63  }
0x131: {  	s13 =	rddreg [dreg:$0xa];
	s10 =	sadd.s32 s7, s12  }
0x132: {  	[hbm4b:s10+s3] =	stream.linear.scatter [tilespmem:s26], [sflag:$0x3], $0x1900, $0x38;
	[tilespmem:$0x19D00] =	vst v63  }
0x133: {  	s14 =	rddreg [dreg:$0x9];
	s10 =	sadd.s32 s7, s13  }
0x134: {  	[hbm4b:s10+s3] =	stream.linear.scatter [tilespmem:s4], [sflag:$0x3], $0x1900, $0x38;
	[tilespmem:$0x19D00] =	vst v63  }
0x135: {  	s15 =	rddreg [dreg:$0x8];
	s10 =	sadd.s32 s7, s14  }
0x136: {  	[hbm4b:s10+s3] =	stream.linear.scatter [tilespmem:s30], [sflag:$0x3], $0x1900, $0x38;
	[tilespmem:$0x19D00] =	vst v63  }
0x137: {  	p0 =	seq.s32 s7, $0x60E00;
	s10 =	sadd.s32 s7, s15  }
0x138: {  	[hbm4b:s10+s3] =	stream.linear.scatter [tilespmem:s24], [sflag:$0x3], $0x1900, $0x38;
	[tilespmem:$0x19D00] =	vst v63  }
.Ltmp4:
0x139: {  	s16 =	rddreg [dreg:$0x7];
	(pc) =	sbr.rel @p0 .LBB2_4-.Ltmp4, $4  }
0x13a: {  	s31 =	rddreg [dreg:$0x6];
	s10 =	sadd.s32 s7, s16  }
0x13b: {  	[hbm4b:s10+s3] =	stream.linear.scatter [tilespmem:s29], [sflag:$0x3], $0x1900, $0x38;
	[tilespmem:$0x19D00] =	vst v63  }
0x13c: {  	s10 =	sadd.s32 s7, s31  }
0x13d: {  	[hbm4b:s10+s3] =	stream.linear.scatter [tilespmem:s0], [sflag:$0x3], $0x1900, $0x38;
	[tilespmem:$0x19D00] =	vst v63  }
0x13e: {  	_ =	swait.ge [sflag:s28], $0x1900  }
0x13f: {  	[sflag:s28] =	ssyncset.done $0x0  }
0x140: {  	[sflag:s28] =	ssyncadd.s32 $0xFFFFE700  }
0x141: {  	_ =	swait.ge [sflag:s28], $0x1900  }
0x142: {  	[sflag:s28] =	ssyncset.done $0x0  }
0x143: {  	[sflag:s28] =	ssyncadd.s32 $0xFFFFE700  }
0x144: {  	_ =	swait.ge [sflag:s28], $0x1900  }
0x145: {  	[sflag:s28] =	ssyncset.done $0x0  }
0x146: {  	[sflag:s28] =	ssyncadd.s32 $0xFFFFE700  }
0x147: {  	_ =	swait.ge [sflag:s28], $0x1900  }
0x148: {  	[sflag:s28] =	ssyncset.done $0x0  }
0x149: {  	[sflag:s28] =	ssyncadd.s32 $0xFFFFE700  }
0x14a: {  	_ =	swait.ge [sflag:s28], $0x1900  }
0x14b: {  	[sflag:s28] =	ssyncset.done $0x0  }
0x14c: {  	[sflag:s28] =	ssyncadd.s32 $0xFFFFE700  }
0x14d: {  	_ =	swait.ge [sflag:s28], $0x1900  }
0x14e: {  	[sflag:s28] =	ssyncset.done $0x0  }
0x14f: {  	[sflag:s28] =	ssyncadd.s32 $0xFFFFE700  }
0x150: {  	_ =	swait.ge [sflag:s28], $0x1900  }
0x151: {  	[sflag:s28] =	ssyncset.done $0x0  }
0x152: {  	[sflag:s28] =	ssyncadd.s32 $0xFFFFE700  }
0x153: {  	_ =	swait.ge [sflag:s28], $0x1900  }
0x154: {  	[sflag:s28] =	ssyncset.done $0x0  }
0x155: {  	[sflag:s28] =	ssyncadd.s32 $0xFFFFE700  }
0x156: {  	[tilespmem:s3], [sflag:$0x5] =	stream.linear.gather [hbm4b:s8+s3], $0x680, $0x38;
	[tilespmem:$0x19D00] =	vst v63  }
0x157: {  	_ =	swait.ge [sflag:s22], $0x680  }
0x158: {  	[sflag:s22] =	ssyncset.done $0x0  }
0x159: {  	s10 =	simm.s32 $0xD00;
	[sflag:s22] =	ssyncadd.s32 $0xFFFFF980  }
0x15a: {  	[tilespmem:s10], [sflag:$0x1] =	stream.indirect.gather [hbm4b:s2+s23], $0x20, s3, s23, $0xb8;
	[tilespmem:$0x19D00] =	vst v63  }
0x15b: {  	s0 =	simm.s32 $0x68;
	s11 =	simm.s32 $0x1980  }
0x15c: {  	[tilespmem:s11], [sflag:$0x1] =	stream.indirect.gather [hbm4b:s2+s23], $0x20, s0, s23, $0xb8;
	[tilespmem:$0x19D00] =	vst v63  }
0x15d: {  	s26 =	simm.s32 $0x2600;
	s13 =	simm.s32 $0xD0  }
0x15e: {  	[tilespmem:s26], [sflag:$0x1] =	stream.indirect.gather [hbm4b:s2+s23], $0x20, s13, s23, $0xb8;
	[tilespmem:$0x19D00] =	vst v63  }
0x15f: {  	s14 =	simm.s32 $0x138;
	s15 =	simm.s32 $0x3280  }
0x160: {  	[tilespmem:s15], [sflag:$0x1] =	stream.indirect.gather [hbm4b:s2+s23], $0x20, s14, s23, $0xb8;
	[tilespmem:$0x19D00] =	vst v63  }
0x161: {  	s4 =	smov.u32 s20;
	s16 =	simm.s32 $0x1A0;
	s26 =	simm.s32 $0x3F00  }
0x162: {  	[tilespmem:s26], [sflag:$0x1] =	stream.indirect.gather [hbm4b:s2+s23], $0x20, s16, s23, $0xb8;
	[tilespmem:$0x19D00] =	vst v63  }
0x163: {  	s24 =	simm.s32 $0x208;
	s20 =	smov.u32 s4;
	s4 =	simm.s32 $0x4B80  }
0x164: {  	[tilespmem:s4], [sflag:$0x1] =	stream.indirect.gather [hbm4b:s2+s23], $0x20, s24, s23, $0xb8;
	[tilespmem:$0x19D00] =	vst v63  }
0x165: {  	s30 =	simm.s32 $0x5800;
	s25 =	simm.s32 $0x270  }
0x166: {  	[tilespmem:s30], [sflag:$0x1] =	stream.indirect.gather [hbm4b:s2+s23], $0x20, s25, s23, $0xb8;
	[tilespmem:$0x19D00] =	vst v63  }
0x167: {  	s31 =	simm.s32 $0x2D8;
	s30 =	simm.s32 $0x6480  }
0x168: {  	[tilespmem:s30], [sflag:$0x1] =	stream.indirect.gather [hbm4b:s2+s23], $0x20, s31, s23, $0xb8;
	[tilespmem:$0x19D00] =	vst v63  }
0x169: {  	s0 =	simm.s32 $0x340;
	s30 =	simm.s32 $0x7100  }
0x16a: {  	[tilespmem:s30], [sflag:$0x1] =	stream.indirect.gather [hbm4b:s2+s23], $0x20, s0, s23, $0xb8;
	[tilespmem:$0x19D00] =	vst v63  }
0x16b: {  	s12 =	smov.u32 s19;
	s11 =	simm.s32 $0x3A8;
	s24 =	simm.s32 $0x7D80  }
0x16c: {  	[tilespmem:s24], [sflag:$0x1] =	stream.indirect.gather [hbm4b:s2+s23], $0x20, s11, s23, $0xb8;
	[tilespmem:$0x19D00] =	vst v63  }
0x16d: {  	s19 =	smov.u32 s12;
	s12 =	simm.s32 $0x410;
	s24 =	simm.s32 $0x8A00  }
0x16e: {  	[tilespmem:s24], [sflag:$0x1] =	stream.indirect.gather [hbm4b:s2+s23], $0x20, s12, s23, $0xb8;
	[tilespmem:$0x19D00] =	vst v63  }
0x16f: {  	s29 =	simm.s32 $0x9680;
	s13 =	simm.s32 $0x478  }
0x170: {  	[tilespmem:s29], [sflag:$0x1] =	stream.indirect.gather [hbm4b:s2+s23], $0x20, s13, s23, $0xb8;
	[tilespmem:$0x19D00] =	vst v63  }
0x171: {  	s5 =	smov.u32 s21;
	s14 =	simm.s32 $0x4E0;
	s29 =	simm.s32 $0xA300  }
0x172: {  	[tilespmem:s29], [sflag:$0x1] =	stream.indirect.gather [hbm4b:s2+s23], $0x20, s14, s23, $0xb8;
	[tilespmem:$0x19D00] =	vst v63  }
0x173: {  	s21 =	smov.u32 s5;
	s15 =	simm.s32 $0x548;
	s0 =	simm.s32 $0xAF80  }
0x174: {  	[tilespmem:s0], [sflag:$0x1] =	stream.indirect.gather [hbm4b:s2+s23], $0x20, s15, s23, $0xb8;
	[tilespmem:$0x19D00] =	vst v63  }
.Ltmp5:
0x175: {  	s16 =	simm.s32 $0x5B0;
	s25 =	simm.s32 $0xBC00;
	(pc) =	sbr.rel .LBB2_4-.Ltmp5, $4  }
0x176: {  	[tilespmem:s25], [sflag:$0x1] =	stream.indirect.gather [hbm4b:s2+s23], $0x20, s16, s23, $0xb8;
	[tilespmem:$0x19D00] =	vst v63  }
0x177: {  	s5 =	simm.s32 $0x2600;
	s31 =	simm.s32 $0xC880;
	s25 =	simm.s32 $0x618  }
0x178: {  	[tilespmem:s31], [sflag:$0x1] =	stream.indirect.gather [hbm4b:s2+s23], $0x20, s25, s23, $0xb8;
	[tilespmem:$0x19D00] =	vst v63  }
0x179: {  	s4 =	simm.s32 $0x5800;
	s0 =	simm.s32 $0xBC00;
	s25 =	simm.s32 $0x680  }
.LBB2_6:
0x17a: {  	_ =	sfence.sel $0x180000  }
0x17b: {  	[bflag:$0x0] =	sbarrier.arrive $0xFFFF  }
0x17c: {  	_ =	strace $0x90000047  }
0x17d: {  	s0 =	stileid.u32;
	[bflag:$0x2] =	sbarrier.arrive $0xFFFF  }
0x17e: {  	p0 =	sne.s32 s0, $0x0;
	s0 =	rddreg [dreg:$0x2]  }
0x17f: {  	s0 =	sadd.s32 @!p0 $0x100000, s0  }
0x180: {  	[sflag:s0] =	ssyncadd.tile.s32 @!p0 $0x1;
	_ =	shalt  }
.Lfunc_end2:
_tile_overlayer_lowered:
.L_overlay_start_2:
0x181: {  	(tag) =	ssettag $0x2  }
0x182: {  	s0 =	rddreg [dreg:$0x0];
	s2 =	stileid.u32  }
0x183: {  	s1 =	rddreg [dreg:$0x1];
	p0 =	sne.s32 s2, $0x0  }
0x184: {  	s3 =	rddreg [dreg:$0x2];
	[bflag:$0x3] =	sbarrier.arrive $0xFFFF;
	s2 =	simm.s32 @!p0 $0x1C05  }
0x185: {  	[timem:s3], [sflag:s2] =	dma.local @!p0 [hbm:s0], s1  }
0x186: {  	s0 =	simm.s32 @!p0 $0x5  }
0x187: {  	_ =	swait.ge @!p0 [sflag:s0], s1  }
0x188: {  	s1 =	ssub.s32 @!p0 $0x0, s1;
	[sflag:s0] =	ssyncset.done @!p0 $0x0  }
0x189: {  	[sflag:s0] =	ssyncadd.s32 @!p0 s1  }
0x18a: {  	[bflag:$0x3] =	sbarrier.arrive $0xFFFF  }
0x18b: {  	_ =	shalt  }

</sc_bundles>
